<compile_context>
chip_gen: v7x
topology: tpu7x:2x2x1
jax: 0.10.2.dev20260603
libtpu: 0.0.44.dev20260713+nightly
codegen_flags: <defaults>
</compile_context>

<pallas_src>
import functools

import jax
import jax.numpy as jnp
from jax import lax
from jax.experimental import pallas as pl
from jax.experimental.pallas import tpu as pltpu
from jax.experimental.pallas import tpu_sc as plsc

N_NODES_K = 10000
N_EDGES_K = 320000
WIDTH_K = 128

NTILES = 32
FPT = WIDTH_K // NTILES
CHUNK = 2000
NCHUNKS = N_EDGES_K // CHUNK
SCANITERS = CHUNK // 16
BLKV = 5

_GDN = lax.GatherDimensionNumbers(
    offset_dims=(), collapsed_slice_dims=(0,), start_index_map=(0,))


def _vgather(v, idx):
    return lax.gather(v, idx.reshape(16, 1), dimension_numbers=_GDN,
                      slice_sizes=(1,),
                      mode=lax.GatherScatterMode.PROMISE_IN_BOUNDS)


def _seg_min_sc(xs_t, e_src, e_dst):
    mesh = plsc.VectorSubcoreMesh(core_axis_name="c", subcore_axis_name="s")

    @functools.partial(
        pl.kernel,
        mesh=mesh,
        compiler_params=pltpu.CompilerParams(needs_layout_passes=False),
        out_type=jax.ShapeDtypeStruct((NTILES, N_NODES_K * FPT), jnp.float32),
        scratch_types=[
            [pltpu.VMEM((CHUNK,), jnp.int32) for _ in range(2)],
            [pltpu.VMEM((CHUNK,), jnp.int32) for _ in range(2)],
            pltpu.VMEM((N_NODES_K * FPT,), jnp.float32),
            [pltpu.VMEM((N_NODES_K * FPT,), jnp.float32) for _ in range(2)],
            [pltpu.SemaphoreType.DMA for _ in range(4)],
        ],
    )
    def seg_min(xs_hbm, esrc_hbm, edst_hbm, out_hbm, srccs, dstcs, xsl,
                accs, sems):
        wid = lax.axis_index("s") * 2 + lax.axis_index("c")
        iota16 = lax.iota(jnp.int32, 16)
        lane4 = iota16 & 3
        rep4 = iota16 >> 2
        base4 = iota16 - lane4
        rot1 = base4 + ((lane4 + 1) & 3)
        rot2 = base4 + ((lane4 + 2) & 3)
        inf16 = jnp.full((16,), jnp.inf, dtype=jnp.float32)

        pltpu.sync_copy(xs_hbm.at[wid], xsl)

        def init_body(i, carry):
            accs[0][pl.ds(16 * i, 16)] = inf16
            accs[1][pl.ds(16 * i, 16)] = inf16
            return carry
        lax.fori_loop(0, N_NODES_K * FPT // 16, init_body, jnp.int32(0))

        def fire_chunk(c, p):
            off = jnp.minimum(c, NCHUNKS - 1) * CHUNK
            pltpu.make_async_copy(
                esrc_hbm.at[pl.ds(off, CHUNK)], srccs[p], sems[2 * p]).start()
            pltpu.make_async_copy(
                edst_hbm.at[pl.ds(off, CHUNK)], dstcs[p], sems[2 * p + 1]).start()

        def wait_chunk(p):
            pltpu.make_async_copy(
                esrc_hbm.at[pl.ds(0, CHUNK)], srccs[p], sems[2 * p]).wait()
            pltpu.make_async_copy(
                edst_hbm.at[pl.ds(0, CHUNK)], dstcs[p], sems[2 * p + 1]).wait()

        def process_chunk(p):
            srcc = srccs[p]
            dstc = dstcs[p]

            def blk_body(i, carry2):
                b0 = BLKV * i
                dvs = [dstc[pl.ds(16 * (b0 + t), 16)] * FPT
                       for t in range(BLKV)]
                dup = None
                for dv in dvs:
                    d = ((dv == _vgather(dv, rot1)) |
                         (dv == _vgather(dv, rot2)))
                    dup = d if dup is None else (dup | d)
                any_dup = jnp.any(dup)

                @pl.when(jnp.logical_not(any_dup))
                def _fast():
                    for t in range(BLKV):
                        sv = srcc[pl.ds(16 * (b0 + t), 16)] * FPT
                        dv = dvs[t]
                        for k in range(4):
                            acc = accs[k & 1]
                            pat = rep4 + (4 * k)
                            six = _vgather(sv, pat) + lane4
                            dix = _vgather(dv, pat) + lane4
                            xv = plsc.load_gather(xsl, [six])
                            av = plsc.load_gather(acc, [dix])
                            plsc.store_scatter(acc, [dix],
                                               jnp.minimum(av, xv))

                @pl.when(any_dup)
                def _safe():
                    def safe_vec(t, c3):
                        sv = srcc[pl.ds(16 * (b0 + t), 16)] * FPT
                        dv = dstc[pl.ds(16 * (b0 + t), 16)] * FPT
                        for e in range(16):
                            acc = accs[e & 1]
                            pe = jnp.full((16,), e, dtype=jnp.int32)
                            sb = _vgather(sv, pe) + lane4
                            db = _vgather(dv, pe) + lane4
                            xv = plsc.load_gather(xsl, [sb])
                            av = plsc.load_gather(acc, [db])
                            plsc.store_scatter(acc, [db],
                                               jnp.minimum(av, xv))
                        return c3
                    lax.fori_loop(0, BLKV, safe_vec, jnp.int32(0))

                return carry2

            lax.fori_loop(0, SCANITERS // BLKV, blk_body, jnp.int32(0))

        fire_chunk(jnp.int32(0), 0)
        fire_chunk(jnp.int32(1), 1)

        def chunk_body(i, carry):
            c = 2 * i
            wait_chunk(0)
            process_chunk(0)
            fire_chunk(c + 2, 0)
            wait_chunk(1)
            process_chunk(1)
            fire_chunk(c + 3, 1)
            return carry

        lax.fori_loop(0, NCHUNKS // 2, chunk_body, jnp.int32(0))
        wait_chunk(0)
        wait_chunk(1)

        def merge_body(i, carry):
            a = accs[0][pl.ds(16 * i, 16)]
            b = accs[1][pl.ds(16 * i, 16)]
            accs[0][pl.ds(16 * i, 16)] = jnp.minimum(a, b)
            return carry
        lax.fori_loop(0, N_NODES_K * FPT // 16, merge_body, jnp.int32(0))

        pltpu.sync_copy(accs[0], out_hbm.at[wid])

    return seg_min(xs_t, e_src, e_dst)


def _tc_mlp_body(xd_ref, mn_ref, w_ref, b_ref, o_ref):
    xd = xd_ref[...]
    mn = mn_ref[...]
    mx = jnp.where(mn == jnp.inf, 0.0, xd - mn)
    h = (jnp.dot(xd, w_ref[:WIDTH_K, :], precision=lax.Precision.HIGHEST,
                 preferred_element_type=jnp.float32)
         + jnp.dot(mx, w_ref[WIDTH_K:, :], precision=lax.Precision.HIGHEST,
                   preferred_element_type=jnp.float32)
         + b_ref[...])
    o_ref[...] = xd + jnp.where(h > 0, h, 0.01 * h)


def _tc_mlp(x_dst, mins, W, b2):
    blk = 1000
    grid = N_NODES_K // blk
    return pl.pallas_call(
        _tc_mlp_body,
        grid=(grid,),
        in_specs=[
            pl.BlockSpec((blk, WIDTH_K), lambda i: (i, 0)),
            pl.BlockSpec((blk, WIDTH_K), lambda i: (i, 0)),
            pl.BlockSpec((2 * WIDTH_K, WIDTH_K), lambda i: (0, 0)),
            pl.BlockSpec((1, WIDTH_K), lambda i: (0, 0)),
        ],
        out_specs=pl.BlockSpec((blk, WIDTH_K), lambda i: (i, 0)),
        out_shape=jax.ShapeDtypeStruct((N_NODES_K, WIDTH_K), jnp.float32),
    )(x_dst, mins, W, b2)


def kernel(x_src, x_dst, e, W, b):
    xs_t = x_src.reshape(N_NODES_K, NTILES, FPT).transpose(1, 0, 2)
    xs_t = xs_t.reshape(NTILES, N_NODES_K * FPT)
    mins_t = _seg_min_sc(xs_t, e[0], e[1])
    mins = (mins_t.reshape(NTILES, N_NODES_K, FPT)
            .transpose(1, 0, 2).reshape(N_NODES_K, WIDTH_K))
    return _tc_mlp(x_dst, mins, W, b.reshape(1, WIDTH_K))

# --- scband reference (transcript-rebuilt; emitter-appended) ---
"""Pipeline reference for scband-bipartite-res-mrconv-73796128079943 (READ-ONLY COPY).

The authoritative reference and input builder live on the scoring server;
editing this copy changes nothing except your own understanding.
"""

import jax, jax.numpy as jnp
import numpy as np

N_NODES = 10000
N_EDGES = 320000
WIDTH = 128


def setup_inputs(seed: int = 0) -> dict:
    key = jax.random.key(seed)
    k1, k2, k3, k4, k5 = jax.random.split(key, 5)
    x_src = jax.random.normal(k1, (N_NODES, WIDTH), dtype=jnp.float32)
    x_dst = jax.random.normal(k2, (N_NODES, WIDTH), dtype=jnp.float32)
    e = jax.random.randint(k3, (2, N_EDGES), 0, N_NODES, dtype=jnp.int32)
    # mlp = LinearBlock(2*width, width): Linear(256,128) followed by LeakyReLU(0.01)
    W = jax.random.normal(k4, (2 * WIDTH, WIDTH), dtype=jnp.float32) * 0.05
    b = jax.random.normal(k5, (WIDTH,), dtype=jnp.float32) * 0.05
    return {"x_src": x_src, "x_dst": x_dst, "e": e, "W": W, "b": b}


def reference(x_src, x_dst, e, W, b):
    src_idx = e[0]
    dst_idx = e[1]
    src_features = jnp.take(x_src, src_idx, axis=0)
    dst_features = jnp.take(x_dst, dst_idx, axis=0)
    diffs = dst_features - src_features
    # per-dst-node max over incoming-edge diffs; empty segments -> 0 (torch inits maxes as zeros)
    seg_max = jax.ops.segment_max(diffs, dst_idx, num_segments=x_dst.shape[0])
    maxes = jnp.where(seg_max == -jnp.inf, 0.0, seg_max)
    h = jnp.concatenate([x_dst, maxes], axis=1)
    h = h @ W + b
    h = jnp.where(h > 0, h, 0.01 * h)  # LeakyReLU(negative_slope=0.01)
    return x_dst + h

if __name__ == "__main__":
    import jax
    _d = setup_inputs()
    print(jax.jit(kernel)(*tuple(_d.values())))

</pallas_src>

<mosaic_0001>
#map = affine_map<(d0, d1) -> (0, 0)>
#map1 = affine_map<(d0, d1) -> (0)>
module attributes {stable_mosaic.version = 14 : i64} {
  func.func @seg_min(%arg0: i32, %arg1: i32, %arg2: memref<32x40000xf32, #tpu.memory_space<hbm>>, %arg3: memref<320000xi32, #tpu.memory_space<hbm>>, %arg4: memref<320000xi32, #tpu.memory_space<hbm>>, %arg5: memref<32x40000xf32, #tpu.memory_space<hbm>>, %arg6: memref<2000xi32, #tpu.memory_space<vmem>>, %arg7: memref<2000xi32, #tpu.memory_space<vmem>>, %arg8: memref<2000xi32, #tpu.memory_space<vmem>>, %arg9: memref<2000xi32, #tpu.memory_space<vmem>>, %arg10: memref<40000xf32, #tpu.memory_space<vmem>>, %arg11: memref<40000xf32, #tpu.memory_space<vmem>>, %arg12: memref<40000xf32, #tpu.memory_space<vmem>>, %arg13: memref<!tpu.dma_semaphore, #tpu.memory_space<semaphore_mem>>, %arg14: memref<!tpu.dma_semaphore, #tpu.memory_space<semaphore_mem>>, %arg15: memref<!tpu.dma_semaphore, #tpu.memory_space<semaphore_mem>>, %arg16: memref<!tpu.dma_semaphore, #tpu.memory_space<semaphore_mem>>) attributes {dimension_semantics = [#tpu.dimension_semantics<core_parallel>, #tpu.dimension_semantics<subcore_parallel>], iteration_bounds = array<i64: 2, 16>, scalar_prefetch = 0 : i64, scratch_operands = 11 : i64, tpu.core_type = #tpu.core_type<sc_vector_subcore>, window_params = [{transform_indices = #map}, {transform_indices = #map1}, {transform_indices = #map1}, {transform_indices = #map}]} {
    %mul3A = arith.constant 2 : i32
    %mul3A_0 = arith.muli %arg1, %mul3A : i32
    %add3A = arith.addi %mul3A_0, %arg0 : i32
    %iota3A = tpu.iota {dimensions = array<i32: 0>} : vector<16xi32>
    %and3A = arith.constant 3 : i32
    %and3A_1 = vector.broadcast %and3A : i32 to vector<16xi32>
    %and3A_2 = arith.andi %iota3A, %and3A_1 : vector<16xi32>
    %shift_right_arithmetic3A = arith.constant 2 : i32
    %shift_right_arithmetic3A_3 = vector.broadcast %shift_right_arithmetic3A : i32 to vector<16xi32>
    %shift_right_arithmetic3A_4 = arith.shrsi %iota3A, %shift_right_arithmetic3A_3 : vector<16xi32>
    %sub3A = arith.subi %iota3A, %and3A_2 : vector<16xi32>
    %add3A_5 = arith.constant 1 : i32
    %add3A_6 = vector.broadcast %add3A_5 : i32 to vector<16xi32>
    %add3A_7 = arith.addi %and3A_2, %add3A_6 : vector<16xi32>
    %and3A_8 = arith.constant 3 : i32
    %and3A_9 = vector.broadcast %and3A_8 : i32 to vector<16xi32>
    %and3A_10 = arith.andi %add3A_7, %and3A_9 : vector<16xi32>
    %add3A_11 = arith.addi %sub3A, %and3A_10 : vector<16xi32>
    %add3A_12 = arith.constant 2 : i32
    %add3A_13 = vector.broadcast %add3A_12 : i32 to vector<16xi32>
    %add3A_14 = arith.addi %and3A_2, %add3A_13 : vector<16xi32>
    %and3A_15 = arith.constant 3 : i32
    %and3A_16 = vector.broadcast %and3A_15 : i32 to vector<16xi32>
    %and3A_17 = arith.andi %add3A_14, %and3A_16 : vector<16xi32>
    %add3A_18 = arith.addi %sub3A, %and3A_17 : vector<16xi32>
    %broadcast_in_dim3A = arith.constant 0x7F800000 : f32
    %broadcast_in_dim3A_19 = vector.broadcast %broadcast_in_dim3A : f32 to vector<16xf32>
    "tpu.region"() ({
      %run_scoped3A = tpu.sem_alloc : memref<!tpu.dma_semaphore, #tpu.memory_space<semaphore_mem>>
      %dma_start3A_68 = arith.constant 0 : i32
      %dma_start3A_69 = tpu.memref_slice %arg2[%add3A, %dma_start3A_68] : memref<32x40000xf32, #tpu.memory_space<hbm>> -> memref<1x40000xf32, #tpu.memory_space<hbm>>
      %dma_start3A_70 = tpu.memref_squeeze %dma_start3A_69 : memref<1x40000xf32, #tpu.memory_space<hbm>> -> memref<40000xf32, #tpu.memory_space<hbm>>
      %dma_start3A_71 = arith.constant 0 : i32
      %dma_start3A_72 = tpu.memref_slice %arg2[%add3A, %dma_start3A_71] : memref<32x40000xf32, #tpu.memory_space<hbm>> -> memref<1x40000xf32, #tpu.memory_space<hbm>>
      %dma_start3A_73 = tpu.memref_squeeze %dma_start3A_72 : memref<1x40000xf32, #tpu.memory_space<hbm>> -> memref<40000xf32, #tpu.memory_space<hbm>>
      tpu.enqueue_dma source(%dma_start3A_73 : memref<40000xf32, #tpu.memory_space<hbm>>) target(%arg10 : memref<40000xf32, #tpu.memory_space<vmem>>) target_semaphore(%run_scoped3A : memref<!tpu.dma_semaphore, #tpu.memory_space<semaphore_mem>>)
      %dma_wait3A_74 = arith.constant 0 : i32
      %dma_wait3A_75 = tpu.memref_slice %arg2[%add3A, %dma_wait3A_74] : memref<32x40000xf32, #tpu.memory_space<hbm>> -> memref<1x40000xf32, #tpu.memory_space<hbm>>
      %dma_wait3A_76 = tpu.memref_squeeze %dma_wait3A_75 : memref<1x40000xf32, #tpu.memory_space<hbm>> -> memref<40000xf32, #tpu.memory_space<hbm>>
      %dma_wait3A_77 = arith.constant 0 : i32
      %dma_wait3A_78 = tpu.memref_slice %arg2[%add3A, %dma_wait3A_77] : memref<32x40000xf32, #tpu.memory_space<hbm>> -> memref<1x40000xf32, #tpu.memory_space<hbm>>
      %dma_wait3A_79 = tpu.memref_squeeze %dma_wait3A_78 : memref<1x40000xf32, #tpu.memory_space<hbm>> -> memref<40000xf32, #tpu.memory_space<hbm>>
      tpu.wait_dma2 semaphore(%run_scoped3A : memref<!tpu.dma_semaphore, #tpu.memory_space<semaphore_mem>>) src(%dma_wait3A_79 : memref<40000xf32, #tpu.memory_space<hbm>>) dst(%arg10 : memref<40000xf32, #tpu.memory_space<vmem>>)
      tpu.yield
    }) : () -> ()
    %scan3A = arith.constant 0 : i32
    %scan3A_20 = arith.constant 0 : i32
    %scan3A_21 = arith.constant 2500 : i32
    %scan3A_22 = arith.addi %scan3A_20, %scan3A_21 : i32
    %scan3A_23 = arith.constant 1 : i32
    scf.for %scan3A_68 = %scan3A_20 to %scan3A_22 step %scan3A_23  : i32 {
      %mul3A_69 = arith.constant 16 : i32
      %mul3A_70 = arith.muli %mul3A_69, %scan3A_68 : i32
      %swap3A = arith.index_cast %mul3A_70 : i32 to index
      %swap3A_71 = tpu.vector_load %arg11[%swap3A] {strides = array<i32>} : memref<40000xf32, #tpu.memory_space<vmem>>, vector<16xf32>,
      tpu.vector_store %arg11[%swap3A], %broadcast_in_dim3A_19 {strides = array<i32>} : memref<40000xf32, #tpu.memory_space<vmem>>, vector<16xf32>,
      %mul3A_72 = arith.constant 16 : i32
      %mul3A_73 = arith.muli %mul3A_72, %scan3A_68 : i32
      %swap3A_74 = arith.index_cast %mul3A_73 : i32 to index
      %swap3A_75 = tpu.vector_load %arg12[%swap3A_74] {strides = array<i32>} : memref<40000xf32, #tpu.memory_space<vmem>>, vector<16xf32>,
      tpu.vector_store %arg12[%swap3A_74], %broadcast_in_dim3A_19 {strides = array<i32>} : memref<40000xf32, #tpu.memory_space<vmem>>, vector<16xf32>,
    }
    %scan3A_24 = arith.constant 2500 : i32
    %min3A = arith.constant 0 : i32
    %min3A_25 = arith.constant 159 : i32
    %min3A_26 = arith.minsi %min3A, %min3A_25 : i32
    %mul3A_27 = arith.constant 2000 : i32
    %mul3A_28 = arith.muli %min3A_26, %mul3A_27 : i32
    %dma_start3A = tpu.memref_slice %arg3[%mul3A_28] : memref<320000xi32, #tpu.memory_space<hbm>> -> memref<2000xi32, #tpu.memory_space<hbm>>
    %dma_start3A_29 = tpu.memref_slice %arg3[%mul3A_28] : memref<320000xi32, #tpu.memory_space<hbm>> -> memref<2000xi32, #tpu.memory_space<hbm>>
    tpu.enqueue_dma source(%dma_start3A_29 : memref<2000xi32, #tpu.memory_space<hbm>>) target(%arg6 : memref<2000xi32, #tpu.memory_space<vmem>>) target_semaphore(%arg13 : memref<!tpu.dma_semaphore, #tpu.memory_space<semaphore_mem>>)
    %dma_start3A_30 = tpu.memref_slice %arg4[%mul3A_28] : memref<320000xi32, #tpu.memory_space<hbm>> -> memref<2000xi32, #tpu.memory_space<hbm>>
    %dma_start3A_31 = tpu.memref_slice %arg4[%mul3A_28] : memref<320000xi32, #tpu.memory_space<hbm>> -> memref<2000xi32, #tpu.memory_space<hbm>>
    tpu.enqueue_dma source(%dma_start3A_31 : memref<2000xi32, #tpu.memory_space<hbm>>) target(%arg8 : memref<2000xi32, #tpu.memory_space<vmem>>) target_semaphore(%arg14 : memref<!tpu.dma_semaphore, #tpu.memory_space<semaphore_mem>>)
    %min3A_32 = arith.constant 1 : i32
    %min3A_33 = arith.constant 159 : i32
    %min3A_34 = arith.minsi %min3A_32, %min3A_33 : i32
    %mul3A_35 = arith.constant 2000 : i32
    %mul3A_36 = arith.muli %min3A_34, %mul3A_35 : i32
    %dma_start3A_37 = tpu.memref_slice %arg3[%mul3A_36] : memref<320000xi32, #tpu.memory_space<hbm>> -> memref<2000xi32, #tpu.memory_space<hbm>>
    %dma_start3A_38 = tpu.memref_slice %arg3[%mul3A_36] : memref<320000xi32, #tpu.memory_space<hbm>> -> memref<2000xi32, #tpu.memory_space<hbm>>
    tpu.enqueue_dma source(%dma_start3A_38 : memref<2000xi32, #tpu.memory_space<hbm>>) target(%arg7 : memref<2000xi32, #tpu.memory_space<vmem>>) target_semaphore(%arg15 : memref<!tpu.dma_semaphore, #tpu.memory_space<semaphore_mem>>)
    %dma_start3A_39 = tpu.memref_slice %arg4[%mul3A_36] : memref<320000xi32, #tpu.memory_space<hbm>> -> memref<2000xi32, #tpu.memory_space<hbm>>
    %dma_start3A_40 = tpu.memref_slice %arg4[%mul3A_36] : memref<320000xi32, #tpu.memory_space<hbm>> -> memref<2000xi32, #tpu.memory_space<hbm>>
    tpu.enqueue_dma source(%dma_start3A_40 : memref<2000xi32, #tpu.memory_space<hbm>>) target(%arg9 : memref<2000xi32, #tpu.memory_space<vmem>>) target_semaphore(%arg16 : memref<!tpu.dma_semaphore, #tpu.memory_space<semaphore_mem>>)
    %scan3A_41 = arith.constant 0 : i32
    %scan3A_42 = arith.constant 0 : i32
    %scan3A_43 = arith.constant 80 : i32
    %scan3A_44 = arith.addi %scan3A_42, %scan3A_43 : i32
    %scan3A_45 = arith.constant 1 : i32
    scf.for %scan3A_68 = %scan3A_42 to %scan3A_44 step %scan3A_45  : i32 {
      %mul3A_69 = arith.constant 2 : i32
      %mul3A_70 = arith.muli %mul3A_69, %scan3A_68 : i32
      %dma_wait3A_71 = arith.constant 0 : i32
      %dma_wait3A_72 = tpu.memref_slice %arg3[%dma_wait3A_71] : memref<320000xi32, #tpu.memory_space<hbm>> -> memref<2000xi32, #tpu.memory_space<hbm>>
      %dma_wait3A_73 = arith.constant 0 : i32
      %dma_wait3A_74 = tpu.memref_slice %arg3[%dma_wait3A_73] : memref<320000xi32, #tpu.memory_space<hbm>> -> memref<2000xi32, #tpu.memory_space<hbm>>
      tpu.wait_dma2 semaphore(%arg13 : memref<!tpu.dma_semaphore, #tpu.memory_space<semaphore_mem>>) src(%dma_wait3A_74 : memref<2000xi32, #tpu.memory_space<hbm>>) dst(%arg6 : memref<2000xi32, #tpu.memory_space<vmem>>)
      %dma_wait3A_75 = arith.constant 0 : i32
      %dma_wait3A_76 = tpu.memref_slice %arg4[%dma_wait3A_75] : memref<320000xi32, #tpu.memory_space<hbm>> -> memref<2000xi32, #tpu.memory_space<hbm>>
      %dma_wait3A_77 = arith.constant 0 : i32
      %dma_wait3A_78 = tpu.memref_slice %arg4[%dma_wait3A_77] : memref<320000xi32, #tpu.memory_space<hbm>> -> memref<2000xi32, #tpu.memory_space<hbm>>
      tpu.wait_dma2 semaphore(%arg14 : memref<!tpu.dma_semaphore, #tpu.memory_space<semaphore_mem>>) src(%dma_wait3A_78 : memref<2000xi32, #tpu.memory_space<hbm>>) dst(%arg8 : memref<2000xi32, #tpu.memory_space<vmem>>)
      %scan3A_79 = arith.constant 0 : i32
      %scan3A_80 = arith.constant 0 : i32
      %scan3A_81 = arith.constant 25 : i32
      %scan3A_82 = arith.addi %scan3A_80, %scan3A_81 : i32
      %scan3A_83 = arith.constant 1 : i32
      scf.for %scan3A_119 = %scan3A_80 to %scan3A_82 step %scan3A_83  : i32 {
        %mul3A_120 = arith.constant 5 : i32
        %mul3A_121 = arith.muli %mul3A_120, %scan3A_119 : i32
        %add3A_122 = arith.constant 0 : i32
        %add3A_123 = arith.addi %mul3A_121, %add3A_122 : i32
        %mul3A_124 = arith.constant 16 : i32
        %mul3A_125 = arith.muli %mul3A_124, %add3A_123 : i32
        %get3A = arith.index_cast %mul3A_125 : i32 to index
        %get3A_126 = tpu.vector_load %arg8[%get3A] {strides = array<i32>} : memref<2000xi32, #tpu.memory_space<vmem>>, vector<16xi32>,
        %mul3A_127 = arith.constant 4 : i32
        %mul3A_128 = vector.broadcast %mul3A_127 : i32 to vector<16xi32>
        %mul3A_129 = arith.muli %get3A_126, %mul3A_128 : vector<16xi32>
        %add3A_130 = arith.constant 1 : i32
        %add3A_131 = arith.addi %mul3A_121, %add3A_130 : i32
        %mul3A_132 = arith.constant 16 : i32
        %mul3A_133 = arith.muli %mul3A_132, %add3A_131 : i32
        %get3A_134 = arith.index_cast %mul3A_133 : i32 to index
        %get3A_135 = tpu.vector_load %arg8[%get3A_134] {strides = array<i32>} : memref<2000xi32, #tpu.memory_space<vmem>>, vector<16xi32>,
        %mul3A_136 = arith.constant 4 : i32
        %mul3A_137 = vector.broadcast %mul3A_136 : i32 to vector<16xi32>
        %mul3A_138 = arith.muli %get3A_135, %mul3A_137 : vector<16xi32>
        %add3A_139 = arith.constant 2 : i32
        %add3A_140 = arith.addi %mul3A_121, %add3A_139 : i32
        %mul3A_141 = arith.constant 16 : i32
        %mul3A_142 = arith.muli %mul3A_141, %add3A_140 : i32
        %get3A_143 = arith.index_cast %mul3A_142 : i32 to index
        %get3A_144 = tpu.vector_load %arg8[%get3A_143] {strides = array<i32>} : memref<2000xi32, #tpu.memory_space<vmem>>, vector<16xi32>,
        %mul3A_145 = arith.constant 4 : i32
        %mul3A_146 = vector.broadcast %mul3A_145 : i32 to vector<16xi32>
        %mul3A_147 = arith.muli %get3A_144, %mul3A_146 : vector<16xi32>
        %add3A_148 = arith.constant 3 : i32
        %add3A_149 = arith.addi %mul3A_121, %add3A_148 : i32
        %mul3A_150 = arith.constant 16 : i32
        %mul3A_151 = arith.muli %mul3A_150, %add3A_149 : i32
        %get3A_152 = arith.index_cast %mul3A_151 : i32 to index
        %get3A_153 = tpu.vector_load %arg8[%get3A_152] {strides = array<i32>} : memref<2000xi32, #tpu.memory_space<vmem>>, vector<16xi32>,
        %mul3A_154 = arith.constant 4 : i32
        %mul3A_155 = vector.broadcast %mul3A_154 : i32 to vector<16xi32>
        %mul3A_156 = arith.muli %get3A_153, %mul3A_155 : vector<16xi32>
        %add3A_157 = arith.constant 4 : i32
        %add3A_158 = arith.addi %mul3A_121, %add3A_157 : i32
        %mul3A_159 = arith.constant 16 : i32
        %mul3A_160 = arith.muli %mul3A_159, %add3A_158 : i32
        %get3A_161 = arith.index_cast %mul3A_160 : i32 to index
        %get3A_162 = tpu.vector_load %arg8[%get3A_161] {strides = array<i32>} : memref<2000xi32, #tpu.memory_space<vmem>>, vector<16xi32>,
        %mul3A_163 = arith.constant 4 : i32
        %mul3A_164 = vector.broadcast %mul3A_163 : i32 to vector<16xi32>
        %mul3A_165 = arith.muli %get3A_162, %mul3A_164 : vector<16xi32>
        %reshape3A = vector.shape_cast %add3A_11 : vector<16xi32> to vector<16x1xi32>
        %gather3A = vector.shape_cast %reshape3A : vector<16x1xi32> to vector<16xi32>
        %gather3A_166 = tpu.dynamic_gather %mul3A_129[%gather3A] in [0] : vector<16xi32>, vector<16xi32> -> vector<16xi32>
        %eq3A = arith.cmpi eq, %mul3A_129, %gather3A_166 : vector<16xi32>
        %reshape3A_167 = vector.shape_cast %add3A_18 : vector<16xi32> to vector<16x1xi32>
        %gather3A_168 = vector.shape_cast %reshape3A_167 : vector<16x1xi32> to vector<16xi32>
        %gather3A_169 = tpu.dynamic_gather %mul3A_129[%gather3A_168] in [0] : vector<16xi32>, vector<16xi32> -> vector<16xi32>
        %eq3A_170 = arith.cmpi eq, %mul3A_129, %gather3A_169 : vector<16xi32>
        %or3A = arith.ori %eq3A, %eq3A_170 : vector<16xi1>
        %reshape3A_171 = vector.shape_cast %add3A_11 : vector<16xi32> to vector<16x1xi32>
        %gather3A_172 = vector.shape_cast %reshape3A_171 : vector<16x1xi32> to vector<16xi32>
        %gather3A_173 = tpu.dynamic_gather %mul3A_138[%gather3A_172] in [0] : vector<16xi32>, vector<16xi32> -> vector<16xi32>
        %eq3A_174 = arith.cmpi eq, %mul3A_138, %gather3A_173 : vector<16xi32>
        %reshape3A_175 = vector.shape_cast %add3A_18 : vector<16xi32> to vector<16x1xi32>
        %gather3A_176 = vector.shape_cast %reshape3A_175 : vector<16x1xi32> to vector<16xi32>
        %gather3A_177 = tpu.dynamic_gather %mul3A_138[%gather3A_176] in [0] : vector<16xi32>, vector<16xi32> -> vector<16xi32>
        %eq3A_178 = arith.cmpi eq, %mul3A_138, %gather3A_177 : vector<16xi32>
        %or3A_179 = arith.ori %eq3A_174, %eq3A_178 : vector<16xi1>
        %or3A_180 = arith.ori %or3A, %or3A_179 : vector<16xi1>
        %reshape3A_181 = vector.shape_cast %add3A_11 : vector<16xi32> to vector<16x1xi32>
        %gather3A_182 = vector.shape_cast %reshape3A_181 : vector<16x1xi32> to vector<16xi32>
        %gather3A_183 = tpu.dynamic_gather %mul3A_147[%gather3A_182] in [0] : vector<16xi32>, vector<16xi32> -> vector<16xi32>
        %eq3A_184 = arith.cmpi eq, %mul3A_147, %gather3A_183 : vector<16xi32>
        %reshape3A_185 = vector.shape_cast %add3A_18 : vector<16xi32> to vector<16x1xi32>
        %gather3A_186 = vector.shape_cast %reshape3A_185 : vector<16x1xi32> to vector<16xi32>
        %gather3A_187 = tpu.dynamic_gather %mul3A_147[%gather3A_186] in [0] : vector<16xi32>, vector<16xi32> -> vector<16xi32>
        %eq3A_188 = arith.cmpi eq, %mul3A_147, %gather3A_187 : vector<16xi32>
        %or3A_189 = arith.ori %eq3A_184, %eq3A_188 : vector<16xi1>
        %or3A_190 = arith.ori %or3A_180, %or3A_189 : vector<16xi1>
        %reshape3A_191 = vector.shape_cast %add3A_11 : vector<16xi32> to vector<16x1xi32>
        %gather3A_192 = vector.shape_cast %reshape3A_191 : vector<16x1xi32> to vector<16xi32>
        %gather3A_193 = tpu.dynamic_gather %mul3A_156[%gather3A_192] in [0] : vector<16xi32>, vector<16xi32> -> vector<16xi32>
        %eq3A_194 = arith.cmpi eq, %mul3A_156, %gather3A_193 : vector<16xi32>
        %reshape3A_195 = vector.shape_cast %add3A_18 : vector<16xi32> to vector<16x1xi32>
        %gather3A_196 = vector.shape_cast %reshape3A_195 : vector<16x1xi32> to vector<16xi32>
        %gather3A_197 = tpu.dynamic_gather %mul3A_156[%gather3A_196] in [0] : vector<16xi32>, vector<16xi32> -> vector<16xi32>
        %eq3A_198 = arith.cmpi eq, %mul3A_156, %gather3A_197 : vector<16xi32>
        %or3A_199 = arith.ori %eq3A_194, %eq3A_198 : vector<16xi1>
        %or3A_200 = arith.ori %or3A_190, %or3A_199 : vector<16xi1>
        %reshape3A_201 = vector.shape_cast %add3A_11 : vector<16xi32> to vector<16x1xi32>
        %gather3A_202 = vector.shape_cast %reshape3A_201 : vector<16x1xi32> to vector<16xi32>
        %gather3A_203 = tpu.dynamic_gather %mul3A_165[%gather3A_202] in [0] : vector<16xi32>, vector<16xi32> -> vector<16xi32>
        %eq3A_204 = arith.cmpi eq, %mul3A_165, %gather3A_203 : vector<16xi32>
        %reshape3A_205 = vector.shape_cast %add3A_18 : vector<16xi32> to vector<16x1xi32>
        %gather3A_206 = vector.shape_cast %reshape3A_205 : vector<16x1xi32> to vector<16xi32>
        %gather3A_207 = tpu.dynamic_gather %mul3A_165[%gather3A_206] in [0] : vector<16xi32>, vector<16xi32> -> vector<16xi32>
        %eq3A_208 = arith.cmpi eq, %mul3A_165, %gather3A_207 : vector<16xi32>
        %or3A_209 = arith.ori %eq3A_204, %eq3A_208 : vector<16xi1>
        %or3A_210 = arith.ori %or3A_200, %or3A_209 : vector<16xi1>
        %reduce_or3A = arith.constant 1.000000e+00 : f32
        %reduce_or3A_211 = arith.constant 0.000000e+00 : f32
        %reduce_or3A_212 = vector.broadcast %reduce_or3A : f32 to vector<16xf32>
        %reduce_or3A_213 = vector.broadcast %reduce_or3A_211 : f32 to vector<16xf32>
        %reduce_or3A_214 = arith.select %or3A_210, %reduce_or3A_212, %reduce_or3A_213 : vector<16xi1>, vector<16xf32>
        %reduce_or3A_215 = arith.constant true
        %reduce_or3A_216 = vector.broadcast %reduce_or3A_215 : i1 to vector<16xi1>
        %reduce_or3A_217 = tpu.scan <max>, %reduce_or3A_214 masked %reduce_or3A_216 : vector<16xf32>, vector<16xi1> -> vector<16xf32>
        %reduce_or3A_218 = vector.extract %reduce_or3A_217[15] : f32 from vector<16xf32>
        %reduce_or3A_219 = arith.constant 0.000000e+00 : f32
        %reduce_or3A_220 = arith.cmpf ogt, %reduce_or3A_218, %reduce_or3A_219 : f32
        %not3A = arith.constant true
        %not3A_221 = arith.xori %reduce_or3A_220, %not3A : i1
        %convert_element_type3A = arith.extui %not3A_221 : i1 to i32
        %cond3A = arith.constant 0 : i32
        %cond3A_222 = arith.cmpi ne, %convert_element_type3A, %cond3A : i32
        scf.if %cond3A_222 {
          %add3A_226 = arith.constant 0 : i32
          %add3A_227 = arith.addi %mul3A_121, %add3A_226 : i32
          %mul3A_228 = arith.constant 16 : i32
          %mul3A_229 = arith.muli %mul3A_228, %add3A_227 : i32
          %get3A_230 = arith.index_cast %mul3A_229 : i32 to index
          %get3A_231 = tpu.vector_load %arg6[%get3A_230] {strides = array<i32>} : memref<2000xi32, #tpu.memory_space<vmem>>, vector<16xi32>,
          %mul3A_232 = arith.constant 4 : i32
          %mul3A_233 = vector.broadcast %mul3A_232 : i32 to vector<16xi32>
          %mul3A_234 = arith.muli %get3A_231, %mul3A_233 : vector<16xi32>
          %add3A_235 = arith.constant 0 : i32
          %add3A_236 = vector.broadcast %add3A_235 : i32 to vector<16xi32>
          %add3A_237 = arith.addi %shift_right_arithmetic3A_4, %add3A_236 : vector<16xi32>
          %reshape3A_238 = vector.shape_cast %add3A_237 : vector<16xi32> to vector<16x1xi32>
          %gather3A_239 = vector.shape_cast %reshape3A_238 : vector<16x1xi32> to vector<16xi32>
          %gather3A_240 = tpu.dynamic_gather %mul3A_234[%gather3A_239] in [0] : vector<16xi32>, vector<16xi32> -> vector<16xi32>
          %add3A_241 = arith.addi %gather3A_240, %and3A_2 : vector<16xi32>
          %reshape3A_242 = vector.shape_cast %add3A_237 : vector<16xi32> to vector<16x1xi32>
          %gather3A_243 = vector.shape_cast %reshape3A_242 : vector<16x1xi32> to vector<16xi32>
          %gather3A_244 = tpu.dynamic_gather %mul3A_129[%gather3A_243] in [0] : vector<16xi32>, vector<16xi32> -> vector<16xi32>
          %add3A_245 = arith.addi %gather3A_244, %and3A_2 : vector<16xi32>
          %gather3A_246 = tpu.vector_load_idx %arg10[%add3A_241] : memref<40000xf32, #tpu.memory_space<vmem>>[vector<16xi32>], vector<16xf32>,
          %gather3A_247 = tpu.vector_load_idx %arg11[%add3A_245] : memref<40000xf32, #tpu.memory_space<vmem>>[vector<16xi32>], vector<16xf32>,
          %min3A_248 = arith.minimumf %gather3A_247, %gather3A_246 : vector<16xf32>
          tpu.vector_store_idx %arg11[%add3A_245], %min3A_248 : memref<40000xf32, #tpu.memory_space<vmem>>[vector<16xi32>], vector<16xf32>,
          %add3A_249 = arith.constant 4 : i32
          %add3A_250 = vector.broadcast %add3A_249 : i32 to vector<16xi32>
          %add3A_251 = arith.addi %shift_right_arithmetic3A_4, %add3A_250 : vector<16xi32>
          %reshape3A_252 = vector.shape_cast %add3A_251 : vector<16xi32> to vector<16x1xi32>
          %gather3A_253 = vector.shape_cast %reshape3A_252 : vector<16x1xi32> to vector<16xi32>
          %gather3A_254 = tpu.dynamic_gather %mul3A_234[%gather3A_253] in [0] : vector<16xi32>, vector<16xi32> -> vector<16xi32>
          %add3A_255 = arith.addi %gather3A_254, %and3A_2 : vector<16xi32>
          %reshape3A_256 = vector.shape_cast %add3A_251 : vector<16xi32> to vector<16x1xi32>
          %gather3A_257 = vector.shape_cast %reshape3A_256 : vector<16x1xi32> to vector<16xi32>
          %gather3A_258 = tpu.dynamic_gather %mul3A_129[%gather3A_257] in [0] : vector<16xi32>, vector<16xi32> -> vector<16xi32>
          %add3A_259 = arith.addi %gather3A_258, %and3A_2 : vector<16xi32>
          %gather3A_260 = tpu.vector_load_idx %arg10[%add3A_255] : memref<40000xf32, #tpu.memory_space<vmem>>[vector<16xi32>], vector<16xf32>,
          %gather3A_261 = tpu.vector_load_idx %arg12[%add3A_259] : memref<40000xf32, #tpu.memory_space<vmem>>[vector<16xi32>], vector<16xf32>,
          %min3A_262 = arith.minimumf %gather3A_261, %gather3A_260 : vector<16xf32>
          tpu.vector_store_idx %arg12[%add3A_259], %min3A_262 : memref<40000xf32, #tpu.memory_space<vmem>>[vector<16xi32>], vector<16xf32>,
          %add3A_263 = arith.constant 8 : i32
          %add3A_264 = vector.broadcast %add3A_263 : i32 to vector<16xi32>
          %add3A_265 = arith.addi %shift_right_arithmetic3A_4, %add3A_264 : vector<16xi32>
          %reshape3A_266 = vector.shape_cast %add3A_265 : vector<16xi32> to vector<16x1xi32>
          %gather3A_267 = vector.shape_cast %reshape3A_266 : vector<16x1xi32> to vector<16xi32>
          %gather3A_268 = tpu.dynamic_gather %mul3A_234[%gather3A_267] in [0] : vector<16xi32>, vector<16xi32> -> vector<16xi32>
          %add3A_269 = arith.addi %gather3A_268, %and3A_2 : vector<16xi32>
          %reshape3A_270 = vector.shape_cast %add3A_265 : vector<16xi32> to vector<16x1xi32>
          %gather3A_271 = vector.shape_cast %reshape3A_270 : vector<16x1xi32> to vector<16xi32>
          %gather3A_272 = tpu.dynamic_gather %mul3A_129[%gather3A_271] in [0] : vector<16xi32>, vector<16xi32> -> vector<16xi32>
          %add3A_273 = arith.addi %gather3A_272, %and3A_2 : vector<16xi32>
          %gather3A_274 = tpu.vector_load_idx %arg10[%add3A_269] : memref<40000xf32, #tpu.memory_space<vmem>>[vector<16xi32>], vector<16xf32>,
          %gather3A_275 = tpu.vector_load_idx %arg11[%add3A_273] : memref<40000xf32, #tpu.memory_space<vmem>>[vector<16xi32>], vector<16xf32>,
          %min3A_276 = arith.minimumf %gather3A_275, %gather3A_274 : vector<16xf32>
          tpu.vector_store_idx %arg11[%add3A_273], %min3A_276 : memref<40000xf32, #tpu.memory_space<vmem>>[vector<16xi32>], vector<16xf32>,
          %add3A_277 = arith.constant 12 : i32
          %add3A_278 = vector.broadcast %add3A_277 : i32 to vector<16xi32>
          %add3A_279 = arith.addi %shift_right_arithmetic3A_4, %add3A_278 : vector<16xi32>
          %reshape3A_280 = vector.shape_cast %add3A_279 : vector<16xi32> to vector<16x1xi32>
          %gather3A_281 = vector.shape_cast %reshape3A_280 : vector<16x1xi32> to vector<16xi32>
          %gather3A_282 = tpu.dynamic_gather %mul3A_234[%gather3A_281] in [0] : vector<16xi32>, vector<16xi32> -> vector<16xi32>
          %add3A_283 = arith.addi %gather3A_282, %and3A_2 : vector<16xi32>
          %reshape3A_284 = vector.shape_cast %add3A_279 : vector<16xi32> to vector<16x1xi32>
          %gather3A_285 = vector.shape_cast %reshape3A_284 : vector<16x1xi32> to vector<16xi32>
          %gather3A_286 = tpu.dynamic_gather %mul3A_129[%gather3A_285] in [0] : vector<16xi32>, vector<16xi32> -> vector<16xi32>
          %add3A_287 = arith.addi %gather3A_286, %and3A_2 : vector<16xi32>
          %gather3A_288 = tpu.vector_load_idx %arg10[%add3A_283] : memref<40000xf32, #tpu.memory_space<vmem>>[vector<16xi32>], vector<16xf32>,
          %gather3A_289 = tpu.vector_load_idx %arg12[%add3A_287] : memref<40000xf32, #tpu.memory_space<vmem>>[vector<16xi32>], vector<16xf32>,
          %min3A_290 = arith.minimumf %gather3A_289, %gather3A_288 : vector<16xf32>
          tpu.vector_store_idx %arg12[%add3A_287], %min3A_290 : memref<40000xf32, #tpu.memory_space<vmem>>[vector<16xi32>], vector<16xf32>,
          %add3A_291 = arith.constant 1 : i32
          %add3A_292 = arith.addi %mul3A_121, %add3A_291 : i32
          %mul3A_293 = arith.constant 16 : i32
          %mul3A_294 = arith.muli %mul3A_293, %add3A_292 : i32
          %get3A_295 = arith.index_cast %mul3A_294 : i32 to index
          %get3A_296 = tpu.vector_load %arg6[%get3A_295] {strides = array<i32>} : memref<2000xi32, #tpu.memory_space<vmem>>, vector<16xi32>,
          %mul3A_297 = arith.constant 4 : i32
          %mul3A_298 = vector.broadcast %mul3A_297 : i32 to vector<16xi32>
          %mul3A_299 = arith.muli %get3A_296, %mul3A_298 : vector<16xi32>
          %add3A_300 = arith.constant 0 : i32
          %add3A_301 = vector.broadcast %add3A_300 : i32 to vector<16xi32>
          %add3A_302 = arith.addi %shift_right_arithmetic3A_4, %add3A_301 : vector<16xi32>
          %reshape3A_303 = vector.shape_cast %add3A_302 : vector<16xi32> to vector<16x1xi32>
          %gather3A_304 = vector.shape_cast %reshape3A_303 : vector<16x1xi32> to vector<16xi32>
          %gather3A_305 = tpu.dynamic_gather %mul3A_299[%gather3A_304] in [0] : vector<16xi32>, vector<16xi32> -> vector<16xi32>
          %add3A_306 = arith.addi %gather3A_305, %and3A_2 : vector<16xi32>
          %reshape3A_307 = vector.shape_cast %add3A_302 : vector<16xi32> to vector<16x1xi32>
          %gather3A_308 = vector.shape_cast %reshape3A_307 : vector<16x1xi32> to vector<16xi32>
          %gather3A_309 = tpu.dynamic_gather %mul3A_138[%gather3A_308] in [0] : vector<16xi32>, vector<16xi32> -> vector<16xi32>
          %add3A_310 = arith.addi %gather3A_309, %and3A_2 : vector<16xi32>
          %gather3A_311 = tpu.vector_load_idx %arg10[%add3A_306] : memref<40000xf32, #tpu.memory_space<vmem>>[vector<16xi32>], vector<16xf32>,
          %gather3A_312 = tpu.vector_load_idx %arg11[%add3A_310] : memref<40000xf32, #tpu.memory_space<vmem>>[vector<16xi32>], vector<16xf32>,
          %min3A_313 = arith.minimumf %gather3A_312, %gather3A_311 : vector<16xf32>
          tpu.vector_store_idx %arg11[%add3A_310], %min3A_313 : memref<40000xf32, #tpu.memory_space<vmem>>[vector<16xi32>], vector<16xf32>,
          %add3A_314 = arith.constant 4 : i32
          %add3A_315 = vector.broadcast %add3A_314 : i32 to vector<16xi32>
          %add3A_316 = arith.addi %shift_right_arithmetic3A_4, %add3A_315 : vector<16xi32>
          %reshape3A_317 = vector.shape_cast %add3A_316 : vector<16xi32> to vector<16x1xi32>
          %gather3A_318 = vector.shape_cast %reshape3A_317 : vector<16x1xi32> to vector<16xi32>
          %gather3A_319 = tpu.dynamic_gather %mul3A_299[%gather3A_318] in [0] : vector<16xi32>, vector<16xi32> -> vector<16xi32>
          %add3A_320 = arith.addi %gather3A_319, %and3A_2 : vector<16xi32>
          %reshape3A_321 = vector.shape_cast %add3A_316 : vector<16xi32> to vector<16x1xi32>
          %gather3A_322 = vector.shape_cast %reshape3A_321 : vector<16x1xi32> to vector<16xi32>
          %gather3A_323 = tpu.dynamic_gather %mul3A_138[%gather3A_322] in [0] : vector<16xi32>, vector<16xi32> -> vector<16xi32>
          %add3A_324 = arith.addi %gather3A_323, %and3A_2 : vector<16xi32>
          %gather3A_325 = tpu.vector_load_idx %arg10[%add3A_320] : memref<40000xf32, #tpu.memory_space<vmem>>[vector<16xi32>], vector<16xf32>,
          %gather3A_326 = tpu.vector_load_idx %arg12[%add3A_324] : memref<40000xf32, #tpu.memory_space<vmem>>[vector<16xi32>], vector<16xf32>,
          %min3A_327 = arith.minimumf %gather3A_326, %gather3A_325 : vector<16xf32>
          tpu.vector_store_idx %arg12[%add3A_324], %min3A_327 : memref<40000xf32, #tpu.memory_space<vmem>>[vector<16xi32>], vector<16xf32>,
          %add3A_328 = arith.constant 8 : i32
          %add3A_329 = vector.broadcast %add3A_328 : i32 to vector<16xi32>
          %add3A_330 = arith.addi %shift_right_arithmetic3A_4, %add3A_329 : vector<16xi32>
          %reshape3A_331 = vector.shape_cast %add3A_330 : vector<16xi32> to vector<16x1xi32>
          %gather3A_332 = vector.shape_cast %reshape3A_331 : vector<16x1xi32> to vector<16xi32>
          %gather3A_333 = tpu.dynamic_gather %mul3A_299[%gather3A_332] in [0] : vector<16xi32>, vector<16xi32> -> vector<16xi32>
          %add3A_334 = arith.addi %gather3A_333, %and3A_2 : vector<16xi32>
          %reshape3A_335 = vector.shape_cast %add3A_330 : vector<16xi32> to vector<16x1xi32>
          %gather3A_336 = vector.shape_cast %reshape3A_335 : vector<16x1xi32> to vector<16xi32>
          %gather3A_337 = tpu.dynamic_gather %mul3A_138[%gather3A_336] in [0] : vector<16xi32>, vector<16xi32> -> vector<16xi32>
          %add3A_338 = arith.addi %gather3A_337, %and3A_2 : vector<16xi32>
          %gather3A_339 = tpu.vector_load_idx %arg10[%add3A_334] : memref<40000xf32, #tpu.memory_space<vmem>>[vector<16xi32>], vector<16xf32>,
          %gather3A_340 = tpu.vector_load_idx %arg11[%add3A_338] : memref<40000xf32, #tpu.memory_space<vmem>>[vector<16xi32>], vector<16xf32>,
          %min3A_341 = arith.minimumf %gather3A_340, %gather3A_339 : vector<16xf32>
          tpu.vector_store_idx %arg11[%add3A_338], %min3A_341 : memref<40000xf32, #tpu.memory_space<vmem>>[vector<16xi32>], vector<16xf32>,
          %add3A_342 = arith.constant 12 : i32
          %add3A_343 = vector.broadcast %add3A_342 : i32 to vector<16xi32>
          %add3A_344 = arith.addi %shift_right_arithmetic3A_4, %add3A_343 : vector<16xi32>
          %reshape3A_345 = vector.shape_cast %add3A_344 : vector<16xi32> to vector<16x1xi32>
          %gather3A_346 = vector.shape_cast %reshape3A_345 : vector<16x1xi32> to vector<16xi32>
          %gather3A_347 = tpu.dynamic_gather %mul3A_299[%gather3A_346] in [0] : vector<16xi32>, vector<16xi32> -> vector<16xi32>
          %add3A_348 = arith.addi %gather3A_347, %and3A_2 : vector<16xi32>
          %reshape3A_349 = vector.shape_cast %add3A_344 : vector<16xi32> to vector<16x1xi32>
          %gather3A_350 = vector.shape_cast %reshape3A_349 : vector<16x1xi32> to vector<16xi32>
          %gather3A_351 = tpu.dynamic_gather %mul3A_138[%gather3A_350] in [0] : vector<16xi32>, vector<16xi32> -> vector<16xi32>
          %add3A_352 = arith.addi %gather3A_351, %and3A_2 : vector<16xi32>
          %gather3A_353 = tpu.vector_load_idx %arg10[%add3A_348] : memref<40000xf32, #tpu.memory_space<vmem>>[vector<16xi32>], vector<16xf32>,
          %gather3A_354 = tpu.vector_load_idx %arg12[%add3A_352] : memref<40000xf32, #tpu.memory_space<vmem>>[vector<16xi32>], vector<16xf32>,
          %min3A_355 = arith.minimumf %gather3A_354, %gather3A_353 : vector<16xf32>
          tpu.vector_store_idx %arg12[%add3A_352], %min3A_355 : memref<40000xf32, #tpu.memory_space<vmem>>[vector<16xi32>], vector<16xf32>,
          %add3A_356 = arith.constant 2 : i32
          %add3A_357 = arith.addi %mul3A_121, %add3A_356 : i32
          %mul3A_358 = arith.constant 16 : i32
          %mul3A_359 = arith.muli %mul3A_358, %add3A_357 : i32
          %get3A_360 = arith.index_cast %mul3A_359 : i32 to index
          %get3A_361 = tpu.vector_load %arg6[%get3A_360] {strides = array<i32>} : memref<2000xi32, #tpu.memory_space<vmem>>, vector<16xi32>,
          %mul3A_362 = arith.constant 4 : i32
          %mul3A_363 = vector.broadcast %mul3A_362 : i32 to vector<16xi32>
          %mul3A_364 = arith.muli %get3A_361, %mul3A_363 : vector<16xi32>
          %add3A_365 = arith.constant 0 : i32
          %add3A_366 = vector.broadcast %add3A_365 : i32 to vector<16xi32>
          %add3A_367 = arith.addi %shift_right_arithmetic3A_4, %add3A_366 : vector<16xi32>
          %reshape3A_368 = vector.shape_cast %add3A_367 : vector<16xi32> to vector<16x1xi32>
          %gather3A_369 = vector.shape_cast %reshape3A_368 : vector<16x1xi32> to vector<16xi32>
          %gather3A_370 = tpu.dynamic_gather %mul3A_364[%gather3A_369] in [0] : vector<16xi32>, vector<16xi32> -> vector<16xi32>
          %add3A_371 = arith.addi %gather3A_370, %and3A_2 : vector<16xi32>
          %reshape3A_372 = vector.shape_cast %add3A_367 : vector<16xi32> to vector<16x1xi32>
          %gather3A_373 = vector.shape_cast %reshape3A_372 : vector<16x1xi32> to vector<16xi32>
          %gather3A_374 = tpu.dynamic_gather %mul3A_147[%gather3A_373] in [0] : vector<16xi32>, vector<16xi32> -> vector<16xi32>
          %add3A_375 = arith.addi %gather3A_374, %and3A_2 : vector<16xi32>
          %gather3A_376 = tpu.vector_load_idx %arg10[%add3A_371] : memref<40000xf32, #tpu.memory_space<vmem>>[vector<16xi32>], vector<16xf32>,
          %gather3A_377 = tpu.vector_load_idx %arg11[%add3A_375] : memref<40000xf32, #tpu.memory_space<vmem>>[vector<16xi32>], vector<16xf32>,
          %min3A_378 = arith.minimumf %gather3A_377, %gather3A_376 : vector<16xf32>
          tpu.vector_store_idx %arg11[%add3A_375], %min3A_378 : memref<40000xf32, #tpu.memory_space<vmem>>[vector<16xi32>], vector<16xf32>,
          %add3A_379 = arith.constant 4 : i32
          %add3A_380 = vector.broadcast %add3A_379 : i32 to vector<16xi32>
          %add3A_381 = arith.addi %shift_right_arithmetic3A_4, %add3A_380 : vector<16xi32>
          %reshape3A_382 = vector.shape_cast %add3A_381 : vector<16xi32> to vector<16x1xi32>
          %gather3A_383 = vector.shape_cast %reshape3A_382 : vector<16x1xi32> to vector<16xi32>
          %gather3A_384 = tpu.dynamic_gather %mul3A_364[%gather3A_383] in [0] : vector<16xi32>, vector<16xi32> -> vector<16xi32>
          %add3A_385 = arith.addi %gather3A_384, %and3A_2 : vector<16xi32>
          %reshape3A_386 = vector.shape_cast %add3A_381 : vector<16xi32> to vector<16x1xi32>
          %gather3A_387 = vector.shape_cast %reshape3A_386 : vector<16x1xi32> to vector<16xi32>
          %gather3A_388 = tpu.dynamic_gather %mul3A_147[%gather3A_387] in [0] : vector<16xi32>, vector<16xi32> -> vector<16xi32>
          %add3A_389 = arith.addi %gather3A_388, %and3A_2 : vector<16xi32>
          %gather3A_390 = tpu.vector_load_idx %arg10[%add3A_385] : memref<40000xf32, #tpu.memory_space<vmem>>[vector<16xi32>], vector<16xf32>,
          %gather3A_391 = tpu.vector_load_idx %arg12[%add3A_389] : memref<40000xf32, #tpu.memory_space<vmem>>[vector<16xi32>], vector<16xf32>,
          %min3A_392 = arith.minimumf %gather3A_391, %gather3A_390 : vector<16xf32>
          tpu.vector_store_idx %arg12[%add3A_389], %min3A_392 : memref<40000xf32, #tpu.memory_space<vmem>>[vector<16xi32>], vector<16xf32>,
          %add3A_393 = arith.constant 8 : i32
          %add3A_394 = vector.broadcast %add3A_393 : i32 to vector<16xi32>
          %add3A_395 = arith.addi %shift_right_arithmetic3A_4, %add3A_394 : vector<16xi32>
          %reshape3A_396 = vector.shape_cast %add3A_395 : vector<16xi32> to vector<16x1xi32>
          %gather3A_397 = vector.shape_cast %reshape3A_396 : vector<16x1xi32> to vector<16xi32>
          %gather3A_398 = tpu.dynamic_gather %mul3A_364[%gather3A_397] in [0] : vector<16xi32>, vector<16xi32> -> vector<16xi32>
          %add3A_399 = arith.addi %gather3A_398, %and3A_2 : vector<16xi32>
          %reshape3A_400 = vector.shape_cast %add3A_395 : vector<16xi32> to vector<16x1xi32>
          %gather3A_401 = vector.shape_cast %reshape3A_400 : vector<16x1xi32> to vector<16xi32>
          %gather3A_402 = tpu.dynamic_gather %mul3A_147[%gather3A_401] in [0] : vector<16xi32>, vector<16xi32> -> vector<16xi32>
          %add3A_403 = arith.addi %gather3A_402, %and3A_2 : vector<16xi32>
          %gather3A_404 = tpu.vector_load_idx %arg10[%add3A_399] : memref<40000xf32, #tpu.memory_space<vmem>>[vector<16xi32>], vector<16xf32>,
          %gather3A_405 = tpu.vector_load_idx %arg11[%add3A_403] : memref<40000xf32, #tpu.memory_space<vmem>>[vector<16xi32>], vector<16xf32>,
          %min3A_406 = arith.minimumf %gather3A_405, %gather3A_404 : vector<16xf32>
          tpu.vector_store_idx %arg11[%add3A_403], %min3A_406 : memref<40000xf32, #tpu.memory_space<vmem>>[vector<16xi32>], vector<16xf32>,
          %add3A_407 = arith.constant 12 : i32
          %add3A_408 = vector.broadcast %add3A_407 : i32 to vector<16xi32>
          %add3A_409 = arith.addi %shift_right_arithmetic3A_4, %add3A_408 : vector<16xi32>
          %reshape3A_410 = vector.shape_cast %add3A_409 : vector<16xi32> to vector<16x1xi32>
          %gather3A_411 = vector.shape_cast %reshape3A_410 : vector<16x1xi32> to vector<16xi32>
          %gather3A_412 = tpu.dynamic_gather %mul3A_364[%gather3A_411] in [0] : vector<16xi32>, vector<16xi32> -> vector<16xi32>
          %add3A_413 = arith.addi %gather3A_412, %and3A_2 : vector<16xi32>
          %reshape3A_414 = vector.shape_cast %add3A_409 : vector<16xi32> to vector<16x1xi32>
          %gather3A_415 = vector.shape_cast %reshape3A_414 : vector<16x1xi32> to vector<16xi32>
          %gather3A_416 = tpu.dynamic_gather %mul3A_147[%gather3A_415] in [0] : vector<16xi32>, vector<16xi32> -> vector<16xi32>
          %add3A_417 = arith.addi %gather3A_416, %and3A_2 : vector<16xi32>
          %gather3A_418 = tpu.vector_load_idx %arg10[%add3A_413] : memref<40000xf32, #tpu.memory_space<vmem>>[vector<16xi32>], vector<16xf32>,
          %gather3A_419 = tpu.vector_load_idx %arg12[%add3A_417] : memref<40000xf32, #tpu.memory_space<vmem>>[vector<16xi32>], vector<16xf32>,
          %min3A_420 = arith.minimumf %gather3A_419, %gather3A_418 : vector<16xf32>
          tpu.vector_store_idx %arg12[%add3A_417], %min3A_420 : memref<40000xf32, #tpu.memory_space<vmem>>[vector<16xi32>], vector<16xf32>,
          %add3A_421 = arith.constant 3 : i32
          %add3A_422 = arith.addi %mul3A_121, %add3A_421 : i32
          %mul3A_423 = arith.constant 16 : i32
          %mul3A_424 = arith.muli %mul3A_423, %add3A_422 : i32
          %get3A_425 = arith.index_cast %mul3A_424 : i32 to index
          %get3A_426 = tpu.vector_load %arg6[%get3A_425] {strides = array<i32>} : memref<2000xi32, #tpu.memory_space<vmem>>, vector<16xi32>,
          %mul3A_427 = arith.constant 4 : i32
          %mul3A_428 = vector.broadcast %mul3A_427 : i32 to vector<16xi32>
          %mul3A_429 = arith.muli %get3A_426, %mul3A_428 : vector<16xi32>
          %add3A_430 = arith.constant 0 : i32
          %add3A_431 = vector.broadcast %add3A_430 : i32 to vector<16xi32>
          %add3A_432 = arith.addi %shift_right_arithmetic3A_4, %add3A_431 : vector<16xi32>
          %reshape3A_433 = vector.shape_cast %add3A_432 : vector<16xi32> to vector<16x1xi32>
          %gather3A_434 = vector.shape_cast %reshape3A_433 : vector<16x1xi32> to vector<16xi32>
          %gather3A_435 = tpu.dynamic_gather %mul3A_429[%gather3A_434] in [0] : vector<16xi32>, vector<16xi32> -> vector<16xi32>
          %add3A_436 = arith.addi %gather3A_435, %and3A_2 : vector<16xi32>
          %reshape3A_437 = vector.shape_cast %add3A_432 : vector<16xi32> to vector<16x1xi32>
          %gather3A_438 = vector.shape_cast %reshape3A_437 : vector<16x1xi32> to vector<16xi32>
          %gather3A_439 = tpu.dynamic_gather %mul3A_156[%gather3A_438] in [0] : vector<16xi32>, vector<16xi32> -> vector<16xi32>
          %add3A_440 = arith.addi %gather3A_439, %and3A_2 : vector<16xi32>
          %gather3A_441 = tpu.vector_load_idx %arg10[%add3A_436] : memref<40000xf32, #tpu.memory_space<vmem>>[vector<16xi32>], vector<16xf32>,
          %gather3A_442 = tpu.vector_load_idx %arg11[%add3A_440] : memref<40000xf32, #tpu.memory_space<vmem>>[vector<16xi32>], vector<16xf32>,
          %min3A_443 = arith.minimumf %gather3A_442, %gather3A_441 : vector<16xf32>
          tpu.vector_store_idx %arg11[%add3A_440], %min3A_443 : memref<40000xf32, #tpu.memory_space<vmem>>[vector<16xi32>], vector<16xf32>,
          %add3A_444 = arith.constant 4 : i32
          %add3A_445 = vector.broadcast %add3A_444 : i32 to vector<16xi32>
          %add3A_446 = arith.addi %shift_right_arithmetic3A_4, %add3A_445 : vector<16xi32>
          %reshape3A_447 = vector.shape_cast %add3A_446 : vector<16xi32> to vector<16x1xi32>
          %gather3A_448 = vector.shape_cast %reshape3A_447 : vector<16x1xi32> to vector<16xi32>
          %gather3A_449 = tpu.dynamic_gather %mul3A_429[%gather3A_448] in [0] : vector<16xi32>, vector<16xi32> -> vector<16xi32>
          %add3A_450 = arith.addi %gather3A_449, %and3A_2 : vector<16xi32>
          %reshape3A_451 = vector.shape_cast %add3A_446 : vector<16xi32> to vector<16x1xi32>
          %gather3A_452 = vector.shape_cast %reshape3A_451 : vector<16x1xi32> to vector<16xi32>
          %gather3A_453 = tpu.dynamic_gather %mul3A_156[%gather3A_452] in [0] : vector<16xi32>, vector<16xi32> -> vector<16xi32>
          %add3A_454 = arith.addi %gather3A_453, %and3A_2 : vector<16xi32>
          %gather3A_455 = tpu.vector_load_idx %arg10[%add3A_450] : memref<40000xf32, #tpu.memory_space<vmem>>[vector<16xi32>], vector<16xf32>,
          %gather3A_456 = tpu.vector_load_idx %arg12[%add3A_454] : memref<40000xf32, #tpu.memory_space<vmem>>[vector<16xi32>], vector<16xf32>,
          %min3A_457 = arith.minimumf %gather3A_456, %gather3A_455 : vector<16xf32>
          tpu.vector_store_idx %arg12[%add3A_454], %min3A_457 : memref<40000xf32, #tpu.memory_space<vmem>>[vector<16xi32>], vector<16xf32>,
          %add3A_458 = arith.constant 8 : i32
          %add3A_459 = vector.broadcast %add3A_458 : i32 to vector<16xi32>
          %add3A_460 = arith.addi %shift_right_arithmetic3A_4, %add3A_459 : vector<16xi32>
          %reshape3A_461 = vector.shape_cast %add3A_460 : vector<16xi32> to vector<16x1xi32>
          %gather3A_462 = vector.shape_cast %reshape3A_461 : vector<16x1xi32> to vector<16xi32>
          %gather3A_463 = tpu.dynamic_gather %mul3A_429[%gather3A_462] in [0] : vector<16xi32>, vector<16xi32> -> vector<16xi32>
          %add3A_464 = arith.addi %gather3A_463, %and3A_2 : vector<16xi32>
          %reshape3A_465 = vector.shape_cast %add3A_460 : vector<16xi32> to vector<16x1xi32>
          %gather3A_466 = vector.shape_cast %reshape3A_465 : vector<16x1xi32> to vector<16xi32>
          %gather3A_467 = tpu.dynamic_gather %mul3A_156[%gather3A_466] in [0] : vector<16xi32>, vector<16xi32> -> vector<16xi32>
          %add3A_468 = arith.addi %gather3A_467, %and3A_2 : vector<16xi32>
          %gather3A_469 = tpu.vector_load_idx %arg10[%add3A_464] : memref<40000xf32, #tpu.memory_space<vmem>>[vector<16xi32>], vector<16xf32>,
          %gather3A_470 = tpu.vector_load_idx %arg11[%add3A_468] : memref<40000xf32, #tpu.memory_space<vmem>>[vector<16xi32>], vector<16xf32>,
          %min3A_471 = arith.minimumf %gather3A_470, %gather3A_469 : vector<16xf32>
          tpu.vector_store_idx %arg11[%add3A_468], %min3A_471 : memref<40000xf32, #tpu.memory_space<vmem>>[vector<16xi32>], vector<16xf32>,
          %add3A_472 = arith.constant 12 : i32
          %add3A_473 = vector.broadcast %add3A_472 : i32 to vector<16xi32>
          %add3A_474 = arith.addi %shift_right_arithmetic3A_4, %add3A_473 : vector<16xi32>
          %reshape3A_475 = vector.shape_cast %add3A_474 : vector<16xi32> to vector<16x1xi32>
          %gather3A_476 = vector.shape_cast %reshape3A_475 : vector<16x1xi32> to vector<16xi32>
          %gather3A_477 = tpu.dynamic_gather %mul3A_429[%gather3A_476] in [0] : vector<16xi32>, vector<16xi32> -> vector<16xi32>
          %add3A_478 = arith.addi %gather3A_477, %and3A_2 : vector<16xi32>
          %reshape3A_479 = vector.shape_cast %add3A_474 : vector<16xi32> to vector<16x1xi32>
          %gather3A_480 = vector.shape_cast %reshape3A_479 : vector<16x1xi32> to vector<16xi32>
          %gather3A_481 = tpu.dynamic_gather %mul3A_156[%gather3A_480] in [0] : vector<16xi32>, vector<16xi32> -> vector<16xi32>
          %add3A_482 = arith.addi %gather3A_481, %and3A_2 : vector<16xi32>
          %gather3A_483 = tpu.vector_load_idx %arg10[%add3A_478] : memref<40000xf32, #tpu.memory_space<vmem>>[vector<16xi32>], vector<16xf32>,
          %gather3A_484 = tpu.vector_load_idx %arg12[%add3A_482] : memref<40000xf32, #tpu.memory_space<vmem>>[vector<16xi32>], vector<16xf32>,
          %min3A_485 = arith.minimumf %gather3A_484, %gather3A_483 : vector<16xf32>
          tpu.vector_store_idx %arg12[%add3A_482], %min3A_485 : memref<40000xf32, #tpu.memory_space<vmem>>[vector<16xi32>], vector<16xf32>,
          %add3A_486 = arith.constant 4 : i32
          %add3A_487 = arith.addi %mul3A_121, %add3A_486 : i32
          %mul3A_488 = arith.constant 16 : i32
          %mul3A_489 = arith.muli %mul3A_488, %add3A_487 : i32
          %get3A_490 = arith.index_cast %mul3A_489 : i32 to index
          %get3A_491 = tpu.vector_load %arg6[%get3A_490] {strides = array<i32>} : memref<2000xi32, #tpu.memory_space<vmem>>, vector<16xi32>,
          %mul3A_492 = arith.constant 4 : i32
          %mul3A_493 = vector.broadcast %mul3A_492 : i32 to vector<16xi32>
          %mul3A_494 = arith.muli %get3A_491, %mul3A_493 : vector<16xi32>
          %add3A_495 = arith.constant 0 : i32
          %add3A_496 = vector.broadcast %add3A_495 : i32 to vector<16xi32>
          %add3A_497 = arith.addi %shift_right_arithmetic3A_4, %add3A_496 : vector<16xi32>
          %reshape3A_498 = vector.shape_cast %add3A_497 : vector<16xi32> to vector<16x1xi32>
          %gather3A_499 = vector.shape_cast %reshape3A_498 : vector<16x1xi32> to vector<16xi32>
          %gather3A_500 = tpu.dynamic_gather %mul3A_494[%gather3A_499] in [0] : vector<16xi32>, vector<16xi32> -> vector<16xi32>
          %add3A_501 = arith.addi %gather3A_500, %and3A_2 : vector<16xi32>
          %reshape3A_502 = vector.shape_cast %add3A_497 : vector<16xi32> to vector<16x1xi32>
          %gather3A_503 = vector.shape_cast %reshape3A_502 : vector<16x1xi32> to vector<16xi32>
          %gather3A_504 = tpu.dynamic_gather %mul3A_165[%gather3A_503] in [0] : vector<16xi32>, vector<16xi32> -> vector<16xi32>
          %add3A_505 = arith.addi %gather3A_504, %and3A_2 : vector<16xi32>
          %gather3A_506 = tpu.vector_load_idx %arg10[%add3A_501] : memref<40000xf32, #tpu.memory_space<vmem>>[vector<16xi32>], vector<16xf32>,
          %gather3A_507 = tpu.vector_load_idx %arg11[%add3A_505] : memref<40000xf32, #tpu.memory_space<vmem>>[vector<16xi32>], vector<16xf32>,
          %min3A_508 = arith.minimumf %gather3A_507, %gather3A_506 : vector<16xf32>
          tpu.vector_store_idx %arg11[%add3A_505], %min3A_508 : memref<40000xf32, #tpu.memory_space<vmem>>[vector<16xi32>], vector<16xf32>,
          %add3A_509 = arith.constant 4 : i32
          %add3A_510 = vector.broadcast %add3A_509 : i32 to vector<16xi32>
          %add3A_511 = arith.addi %shift_right_arithmetic3A_4, %add3A_510 : vector<16xi32>
          %reshape3A_512 = vector.shape_cast %add3A_511 : vector<16xi32> to vector<16x1xi32>
          %gather3A_513 = vector.shape_cast %reshape3A_512 : vector<16x1xi32> to vector<16xi32>
          %gather3A_514 = tpu.dynamic_gather %mul3A_494[%gather3A_513] in [0] : vector<16xi32>, vector<16xi32> -> vector<16xi32>
          %add3A_515 = arith.addi %gather3A_514, %and3A_2 : vector<16xi32>
          %reshape3A_516 = vector.shape_cast %add3A_511 : vector<16xi32> to vector<16x1xi32>
          %gather3A_517 = vector.shape_cast %reshape3A_516 : vector<16x1xi32> to vector<16xi32>
          %gather3A_518 = tpu.dynamic_gather %mul3A_165[%gather3A_517] in [0] : vector<16xi32>, vector<16xi32> -> vector<16xi32>
          %add3A_519 = arith.addi %gather3A_518, %and3A_2 : vector<16xi32>
          %gather3A_520 = tpu.vector_load_idx %arg10[%add3A_515] : memref<40000xf32, #tpu.memory_space<vmem>>[vector<16xi32>], vector<16xf32>,
          %gather3A_521 = tpu.vector_load_idx %arg12[%add3A_519] : memref<40000xf32, #tpu.memory_space<vmem>>[vector<16xi32>], vector<16xf32>,
          %min3A_522 = arith.minimumf %gather3A_521, %gather3A_520 : vector<16xf32>
          tpu.vector_store_idx %arg12[%add3A_519], %min3A_522 : memref<40000xf32, #tpu.memory_space<vmem>>[vector<16xi32>], vector<16xf32>,
          %add3A_523 = arith.constant 8 : i32
          %add3A_524 = vector.broadcast %add3A_523 : i32 to vector<16xi32>
          %add3A_525 = arith.addi %shift_right_arithmetic3A_4, %add3A_524 : vector<16xi32>
          %reshape3A_526 = vector.shape_cast %add3A_525 : vector<16xi32> to vector<16x1xi32>
          %gather3A_527 = vector.shape_cast %reshape3A_526 : vector<16x1xi32> to vector<16xi32>
          %gather3A_528 = tpu.dynamic_gather %mul3A_494[%gather3A_527] in [0] : vector<16xi32>, vector<16xi32> -> vector<16xi32>
          %add3A_529 = arith.addi %gather3A_528, %and3A_2 : vector<16xi32>
          %reshape3A_530 = vector.shape_cast %add3A_525 : vector<16xi32> to vector<16x1xi32>
          %gather3A_531 = vector.shape_cast %reshape3A_530 : vector<16x1xi32> to vector<16xi32>
          %gather3A_532 = tpu.dynamic_gather %mul3A_165[%gather3A_531] in [0] : vector<16xi32>, vector<16xi32> -> vector<16xi32>
          %add3A_533 = arith.addi %gather3A_532, %and3A_2 : vector<16xi32>
          %gather3A_534 = tpu.vector_load_idx %arg10[%add3A_529] : memref<40000xf32, #tpu.memory_space<vmem>>[vector<16xi32>], vector<16xf32>,
          %gather3A_535 = tpu.vector_load_idx %arg11[%add3A_533] : memref<40000xf32, #tpu.memory_space<vmem>>[vector<16xi32>], vector<16xf32>,
          %min3A_536 = arith.minimumf %gather3A_535, %gather3A_534 : vector<16xf32>
          tpu.vector_store_idx %arg11[%add3A_533], %min3A_536 : memref<40000xf32, #tpu.memory_space<vmem>>[vector<16xi32>], vector<16xf32>,
          %add3A_537 = arith.constant 12 : i32
          %add3A_538 = vector.broadcast %add3A_537 : i32 to vector<16xi32>
          %add3A_539 = arith.addi %shift_right_arithmetic3A_4, %add3A_538 : vector<16xi32>
          %reshape3A_540 = vector.shape_cast %add3A_539 : vector<16xi32> to vector<16x1xi32>
          %gather3A_541 = vector.shape_cast %reshape3A_540 : vector<16x1xi32> to vector<16xi32>
          %gather3A_542 = tpu.dynamic_gather %mul3A_494[%gather3A_541] in [0] : vector<16xi32>, vector<16xi32> -> vector<16xi32>
          %add3A_543 = arith.addi %gather3A_542, %and3A_2 : vector<16xi32>
          %reshape3A_544 = vector.shape_cast %add3A_539 : vector<16xi32> to vector<16x1xi32>
          %gather3A_545 = vector.shape_cast %reshape3A_544 : vector<16x1xi32> to vector<16xi32>
          %gather3A_546 = tpu.dynamic_gather %mul3A_165[%gather3A_545] in [0] : vector<16xi32>, vector<16xi32> -> vector<16xi32>
          %add3A_547 = arith.addi %gather3A_546, %and3A_2 : vector<16xi32>
          %gather3A_548 = tpu.vector_load_idx %arg10[%add3A_543] : memref<40000xf32, #tpu.memory_space<vmem>>[vector<16xi32>], vector<16xf32>,
          %gather3A_549 = tpu.vector_load_idx %arg12[%add3A_547] : memref<40000xf32, #tpu.memory_space<vmem>>[vector<16xi32>], vector<16xf32>,
          %min3A_550 = arith.minimumf %gather3A_549, %gather3A_548 : vector<16xf32>
          tpu.vector_store_idx %arg12[%add3A_547], %min3A_550 : memref<40000xf32, #tpu.memory_space<vmem>>[vector<16xi32>], vector<16xf32>,
        } else {
        }
        %convert_element_type3A_223 = arith.extui %reduce_or3A_220 : i1 to i32
        %cond3A_224 = arith.constant 0 : i32
        %cond3A_225 = arith.cmpi ne, %convert_element_type3A_223, %cond3A_224 : i32
        scf.if %cond3A_225 {
          %scan3A_226 = arith.constant 0 : i32
          %scan3A_227 = arith.constant 0 : i32
          %scan3A_228 = arith.constant 5 : i32
          %scan3A_229 = arith.addi %scan3A_227, %scan3A_228 : i32
          %scan3A_230 = arith.constant 1 : i32
          scf.for %scan3A_232 = %scan3A_227 to %scan3A_229 step %scan3A_230  : i32 {
            %add3A_233 = arith.addi %mul3A_121, %scan3A_232 : i32
            %mul3A_234 = arith.constant 16 : i32
            %mul3A_235 = arith.muli %mul3A_234, %add3A_233 : i32
            %get3A_236 = arith.index_cast %mul3A_235 : i32 to index
            %get3A_237 = tpu.vector_load %arg6[%get3A_236] {strides = array<i32>} : memref<2000xi32, #tpu.memory_space<vmem>>, vector<16xi32>,
            %mul3A_238 = arith.constant 4 : i32
            %mul3A_239 = vector.broadcast %mul3A_238 : i32 to vector<16xi32>
            %mul3A_240 = arith.muli %get3A_237, %mul3A_239 : vector<16xi32>
            %add3A_241 = arith.addi %mul3A_121, %scan3A_232 : i32
            %mul3A_242 = arith.constant 16 : i32
            %mul3A_243 = arith.muli %mul3A_242, %add3A_241 : i32
            %get3A_244 = arith.index_cast %mul3A_243 : i32 to index
            %get3A_245 = tpu.vector_load %arg8[%get3A_244] {strides = array<i32>} : memref<2000xi32, #tpu.memory_space<vmem>>, vector<16xi32>,
            %mul3A_246 = arith.constant 4 : i32
            %mul3A_247 = vector.broadcast %mul3A_246 : i32 to vector<16xi32>
            %mul3A_248 = arith.muli %get3A_245, %mul3A_247 : vector<16xi32>
            %broadcast_in_dim3A_249 = arith.constant 0 : i32
            %broadcast_in_dim3A_250 = vector.broadcast %broadcast_in_dim3A_249 : i32 to vector<16xi32>
            %reshape3A_251 = vector.shape_cast %broadcast_in_dim3A_250 : vector<16xi32> to vector<16x1xi32>
            %gather3A_252 = vector.shape_cast %reshape3A_251 : vector<16x1xi32> to vector<16xi32>
            %gather3A_253 = tpu.dynamic_gather %mul3A_240[%gather3A_252] in [0] : vector<16xi32>, vector<16xi32> -> vector<16xi32>
            %add3A_254 = arith.addi %gather3A_253, %and3A_2 : vector<16xi32>
            %reshape3A_255 = vector.shape_cast %broadcast_in_dim3A_250 : vector<16xi32> to vector<16x1xi32>
            %gather3A_256 = vector.shape_cast %reshape3A_255 : vector<16x1xi32> to vector<16xi32>
            %gather3A_257 = tpu.dynamic_gather %mul3A_248[%gather3A_256] in [0] : vector<16xi32>, vector<16xi32> -> vector<16xi32>
            %add3A_258 = arith.addi %gather3A_257, %and3A_2 : vector<16xi32>
            %gather3A_259 = tpu.vector_load_idx %arg10[%add3A_254] : memref<40000xf32, #tpu.memory_space<vmem>>[vector<16xi32>], vector<16xf32>,
            %gather3A_260 = tpu.vector_load_idx %arg11[%add3A_258] : memref<40000xf32, #tpu.memory_space<vmem>>[vector<16xi32>], vector<16xf32>,
            %min3A_261 = arith.minimumf %gather3A_260, %gather3A_259 : vector<16xf32>
            tpu.vector_store_idx %arg11[%add3A_258], %min3A_261 : memref<40000xf32, #tpu.memory_space<vmem>>[vector<16xi32>], vector<16xf32>,
            %broadcast_in_dim3A_262 = arith.constant 1 : i32
            %broadcast_in_dim3A_263 = vector.broadcast %broadcast_in_dim3A_262 : i32 to vector<16xi32>
            %reshape3A_264 = vector.shape_cast %broadcast_in_dim3A_263 : vector<16xi32> to vector<16x1xi32>
            %gather3A_265 = vector.shape_cast %reshape3A_264 : vector<16x1xi32> to vector<16xi32>
            %gather3A_266 = tpu.dynamic_gather %mul3A_240[%gather3A_265] in [0] : vector<16xi32>, vector<16xi32> -> vector<16xi32>
            %add3A_267 = arith.addi %gather3A_266, %and3A_2 : vector<16xi32>
            %reshape3A_268 = vector.shape_cast %broadcast_in_dim3A_263 : vector<16xi32> to vector<16x1xi32>
            %gather3A_269 = vector.shape_cast %reshape3A_268 : vector<16x1xi32> to vector<16xi32>
            %gather3A_270 = tpu.dynamic_gather %mul3A_248[%gather3A_269] in [0] : vector<16xi32>, vector<16xi32> -> vector<16xi32>
            %add3A_271 = arith.addi %gather3A_270, %and3A_2 : vector<16xi32>
            %gather3A_272 = tpu.vector_load_idx %arg10[%add3A_267] : memref<40000xf32, #tpu.memory_space<vmem>>[vector<16xi32>], vector<16xf32>,
            %gather3A_273 = tpu.vector_load_idx %arg12[%add3A_271] : memref<40000xf32, #tpu.memory_space<vmem>>[vector<16xi32>], vector<16xf32>,
            %min3A_274 = arith.minimumf %gather3A_273, %gather3A_272 : vector<16xf32>
            tpu.vector_store_idx %arg12[%add3A_271], %min3A_274 : memref<40000xf32, #tpu.memory_space<vmem>>[vector<16xi32>], vector<16xf32>,
            %broadcast_in_dim3A_275 = arith.constant 2 : i32
            %broadcast_in_dim3A_276 = vector.broadcast %broadcast_in_dim3A_275 : i32 to vector<16xi32>
            %reshape3A_277 = vector.shape_cast %broadcast_in_dim3A_276 : vector<16xi32> to vector<16x1xi32>
            %gather3A_278 = vector.shape_cast %reshape3A_277 : vector<16x1xi32> to vector<16xi32>
            %gather3A_279 = tpu.dynamic_gather %mul3A_240[%gather3A_278] in [0] : vector<16xi32>, vector<16xi32> -> vector<16xi32>
            %add3A_280 = arith.addi %gather3A_279, %and3A_2 : vector<16xi32>
            %reshape3A_281 = vector.shape_cast %broadcast_in_dim3A_276 : vector<16xi32> to vector<16x1xi32>
            %gather3A_282 = vector.shape_cast %reshape3A_281 : vector<16x1xi32> to vector<16xi32>
            %gather3A_283 = tpu.dynamic_gather %mul3A_248[%gather3A_282] in [0] : vector<16xi32>, vector<16xi32> -> vector<16xi32>
            %add3A_284 = arith.addi %gather3A_283, %and3A_2 : vector<16xi32>
            %gather3A_285 = tpu.vector_load_idx %arg10[%add3A_280] : memref<40000xf32, #tpu.memory_space<vmem>>[vector<16xi32>], vector<16xf32>,
            %gather3A_286 = tpu.vector_load_idx %arg11[%add3A_284] : memref<40000xf32, #tpu.memory_space<vmem>>[vector<16xi32>], vector<16xf32>,
            %min3A_287 = arith.minimumf %gather3A_286, %gather3A_285 : vector<16xf32>
            tpu.vector_store_idx %arg11[%add3A_284], %min3A_287 : memref<40000xf32, #tpu.memory_space<vmem>>[vector<16xi32>], vector<16xf32>,
            %broadcast_in_dim3A_288 = arith.constant 3 : i32
            %broadcast_in_dim3A_289 = vector.broadcast %broadcast_in_dim3A_288 : i32 to vector<16xi32>
            %reshape3A_290 = vector.shape_cast %broadcast_in_dim3A_289 : vector<16xi32> to vector<16x1xi32>
            %gather3A_291 = vector.shape_cast %reshape3A_290 : vector<16x1xi32> to vector<16xi32>
            %gather3A_292 = tpu.dynamic_gather %mul3A_240[%gather3A_291] in [0] : vector<16xi32>, vector<16xi32> -> vector<16xi32>
            %add3A_293 = arith.addi %gather3A_292, %and3A_2 : vector<16xi32>
            %reshape3A_294 = vector.shape_cast %broadcast_in_dim3A_289 : vector<16xi32> to vector<16x1xi32>
            %gather3A_295 = vector.shape_cast %reshape3A_294 : vector<16x1xi32> to vector<16xi32>
            %gather3A_296 = tpu.dynamic_gather %mul3A_248[%gather3A_295] in [0] : vector<16xi32>, vector<16xi32> -> vector<16xi32>
            %add3A_297 = arith.addi %gather3A_296, %and3A_2 : vector<16xi32>
            %gather3A_298 = tpu.vector_load_idx %arg10[%add3A_293] : memref<40000xf32, #tpu.memory_space<vmem>>[vector<16xi32>], vector<16xf32>,
            %gather3A_299 = tpu.vector_load_idx %arg12[%add3A_297] : memref<40000xf32, #tpu.memory_space<vmem>>[vector<16xi32>], vector<16xf32>,
            %min3A_300 = arith.minimumf %gather3A_299, %gather3A_298 : vector<16xf32>
            tpu.vector_store_idx %arg12[%add3A_297], %min3A_300 : memref<40000xf32, #tpu.memory_space<vmem>>[vector<16xi32>], vector<16xf32>,
            %broadcast_in_dim3A_301 = arith.constant 4 : i32
            %broadcast_in_dim3A_302 = vector.broadcast %broadcast_in_dim3A_301 : i32 to vector<16xi32>
            %reshape3A_303 = vector.shape_cast %broadcast_in_dim3A_302 : vector<16xi32> to vector<16x1xi32>
            %gather3A_304 = vector.shape_cast %reshape3A_303 : vector<16x1xi32> to vector<16xi32>
            %gather3A_305 = tpu.dynamic_gather %mul3A_240[%gather3A_304] in [0] : vector<16xi32>, vector<16xi32> -> vector<16xi32>
            %add3A_306 = arith.addi %gather3A_305, %and3A_2 : vector<16xi32>
            %reshape3A_307 = vector.shape_cast %broadcast_in_dim3A_302 : vector<16xi32> to vector<16x1xi32>
            %gather3A_308 = vector.shape_cast %reshape3A_307 : vector<16x1xi32> to vector<16xi32>
            %gather3A_309 = tpu.dynamic_gather %mul3A_248[%gather3A_308] in [0] : vector<16xi32>, vector<16xi32> -> vector<16xi32>
            %add3A_310 = arith.addi %gather3A_309, %and3A_2 : vector<16xi32>
            %gather3A_311 = tpu.vector_load_idx %arg10[%add3A_306] : memref<40000xf32, #tpu.memory_space<vmem>>[vector<16xi32>], vector<16xf32>,
            %gather3A_312 = tpu.vector_load_idx %arg11[%add3A_310] : memref<40000xf32, #tpu.memory_space<vmem>>[vector<16xi32>], vector<16xf32>,
            %min3A_313 = arith.minimumf %gather3A_312, %gather3A_311 : vector<16xf32>
            tpu.vector_store_idx %arg11[%add3A_310], %min3A_313 : memref<40000xf32, #tpu.memory_space<vmem>>[vector<16xi32>], vector<16xf32>,
            %broadcast_in_dim3A_314 = arith.constant 5 : i32
            %broadcast_in_dim3A_315 = vector.broadcast %broadcast_in_dim3A_314 : i32 to vector<16xi32>
            %reshape3A_316 = vector.shape_cast %broadcast_in_dim3A_315 : vector<16xi32> to vector<16x1xi32>
            %gather3A_317 = vector.shape_cast %reshape3A_316 : vector<16x1xi32> to vector<16xi32>
            %gather3A_318 = tpu.dynamic_gather %mul3A_240[%gather3A_317] in [0] : vector<16xi32>, vector<16xi32> -> vector<16xi32>
            %add3A_319 = arith.addi %gather3A_318, %and3A_2 : vector<16xi32>
            %reshape3A_320 = vector.shape_cast %broadcast_in_dim3A_315 : vector<16xi32> to vector<16x1xi32>
            %gather3A_321 = vector.shape_cast %reshape3A_320 : vector<16x1xi32> to vector<16xi32>
            %gather3A_322 = tpu.dynamic_gather %mul3A_248[%gather3A_321] in [0] : vector<16xi32>, vector<16xi32> -> vector<16xi32>
            %add3A_323 = arith.addi %gather3A_322, %and3A_2 : vector<16xi32>
            %gather3A_324 = tpu.vector_load_idx %arg10[%add3A_319] : memref<40000xf32, #tpu.memory_space<vmem>>[vector<16xi32>], vector<16xf32>,
            %gather3A_325 = tpu.vector_load_idx %arg12[%add3A_323] : memref<40000xf32, #tpu.memory_space<vmem>>[vector<16xi32>], vector<16xf32>,
            %min3A_326 = arith.minimumf %gather3A_325, %gather3A_324 : vector<16xf32>
            tpu.vector_store_idx %arg12[%add3A_323], %min3A_326 : memref<40000xf32, #tpu.memory_space<vmem>>[vector<16xi32>], vector<16xf32>,
            %broadcast_in_dim3A_327 = arith.constant 6 : i32
            %broadcast_in_dim3A_328 = vector.broadcast %broadcast_in_dim3A_327 : i32 to vector<16xi32>
            %reshape3A_329 = vector.shape_cast %broadcast_in_dim3A_328 : vector<16xi32> to vector<16x1xi32>
            %gather3A_330 = vector.shape_cast %reshape3A_329 : vector<16x1xi32> to vector<16xi32>
            %gather3A_331 = tpu.dynamic_gather %mul3A_240[%gather3A_330] in [0] : vector<16xi32>, vector<16xi32> -> vector<16xi32>
            %add3A_332 = arith.addi %gather3A_331, %and3A_2 : vector<16xi32>
            %reshape3A_333 = vector.shape_cast %broadcast_in_dim3A_328 : vector<16xi32> to vector<16x1xi32>
            %gather3A_334 = vector.shape_cast %reshape3A_333 : vector<16x1xi32> to vector<16xi32>
            %gather3A_335 = tpu.dynamic_gather %mul3A_248[%gather3A_334] in [0] : vector<16xi32>, vector<16xi32> -> vector<16xi32>
            %add3A_336 = arith.addi %gather3A_335, %and3A_2 : vector<16xi32>
            %gather3A_337 = tpu.vector_load_idx %arg10[%add3A_332] : memref<40000xf32, #tpu.memory_space<vmem>>[vector<16xi32>], vector<16xf32>,
            %gather3A_338 = tpu.vector_load_idx %arg11[%add3A_336] : memref<40000xf32, #tpu.memory_space<vmem>>[vector<16xi32>], vector<16xf32>,
            %min3A_339 = arith.minimumf %gather3A_338, %gather3A_337 : vector<16xf32>
            tpu.vector_store_idx %arg11[%add3A_336], %min3A_339 : memref<40000xf32, #tpu.memory_space<vmem>>[vector<16xi32>], vector<16xf32>,
            %broadcast_in_dim3A_340 = arith.constant 7 : i32
            %broadcast_in_dim3A_341 = vector.broadcast %broadcast_in_dim3A_340 : i32 to vector<16xi32>
            %reshape3A_342 = vector.shape_cast %broadcast_in_dim3A_341 : vector<16xi32> to vector<16x1xi32>
            %gather3A_343 = vector.shape_cast %reshape3A_342 : vector<16x1xi32> to vector<16xi32>
            %gather3A_344 = tpu.dynamic_gather %mul3A_240[%gather3A_343] in [0] : vector<16xi32>, vector<16xi32> -> vector<16xi32>
            %add3A_345 = arith.addi %gather3A_344, %and3A_2 : vector<16xi32>
            %reshape3A_346 = vector.shape_cast %broadcast_in_dim3A_341 : vector<16xi32> to vector<16x1xi32>
            %gather3A_347 = vector.shape_cast %reshape3A_346 : vector<16x1xi32> to vector<16xi32>
            %gather3A_348 = tpu.dynamic_gather %mul3A_248[%gather3A_347] in [0] : vector<16xi32>, vector<16xi32> -> vector<16xi32>
            %add3A_349 = arith.addi %gather3A_348, %and3A_2 : vector<16xi32>
            %gather3A_350 = tpu.vector_load_idx %arg10[%add3A_345] : memref<40000xf32, #tpu.memory_space<vmem>>[vector<16xi32>], vector<16xf32>,
            %gather3A_351 = tpu.vector_load_idx %arg12[%add3A_349] : memref<40000xf32, #tpu.memory_space<vmem>>[vector<16xi32>], vector<16xf32>,
            %min3A_352 = arith.minimumf %gather3A_351, %gather3A_350 : vector<16xf32>
            tpu.vector_store_idx %arg12[%add3A_349], %min3A_352 : memref<40000xf32, #tpu.memory_space<vmem>>[vector<16xi32>], vector<16xf32>,
            %broadcast_in_dim3A_353 = arith.constant 8 : i32
            %broadcast_in_dim3A_354 = vector.broadcast %broadcast_in_dim3A_353 : i32 to vector<16xi32>
            %reshape3A_355 = vector.shape_cast %broadcast_in_dim3A_354 : vector<16xi32> to vector<16x1xi32>
            %gather3A_356 = vector.shape_cast %reshape3A_355 : vector<16x1xi32> to vector<16xi32>
            %gather3A_357 = tpu.dynamic_gather %mul3A_240[%gather3A_356] in [0] : vector<16xi32>, vector<16xi32> -> vector<16xi32>
            %add3A_358 = arith.addi %gather3A_357, %and3A_2 : vector<16xi32>
            %reshape3A_359 = vector.shape_cast %broadcast_in_dim3A_354 : vector<16xi32> to vector<16x1xi32>
            %gather3A_360 = vector.shape_cast %reshape3A_359 : vector<16x1xi32> to vector<16xi32>
            %gather3A_361 = tpu.dynamic_gather %mul3A_248[%gather3A_360] in [0] : vector<16xi32>, vector<16xi32> -> vector<16xi32>
            %add3A_362 = arith.addi %gather3A_361, %and3A_2 : vector<16xi32>
            %gather3A_363 = tpu.vector_load_idx %arg10[%add3A_358] : memref<40000xf32, #tpu.memory_space<vmem>>[vector<16xi32>], vector<16xf32>,
            %gather3A_364 = tpu.vector_load_idx %arg11[%add3A_362] : memref<40000xf32, #tpu.memory_space<vmem>>[vector<16xi32>], vector<16xf32>,
            %min3A_365 = arith.minimumf %gather3A_364, %gather3A_363 : vector<16xf32>
            tpu.vector_store_idx %arg11[%add3A_362], %min3A_365 : memref<40000xf32, #tpu.memory_space<vmem>>[vector<16xi32>], vector<16xf32>,
            %broadcast_in_dim3A_366 = arith.constant 9 : i32
            %broadcast_in_dim3A_367 = vector.broadcast %broadcast_in_dim3A_366 : i32 to vector<16xi32>
            %reshape3A_368 = vector.shape_cast %broadcast_in_dim3A_367 : vector<16xi32> to vector<16x1xi32>
            %gather3A_369 = vector.shape_cast %reshape3A_368 : vector<16x1xi32> to vector<16xi32>
            %gather3A_370 = tpu.dynamic_gather %mul3A_240[%gather3A_369] in [0] : vector<16xi32>, vector<16xi32> -> vector<16xi32>
            %add3A_371 = arith.addi %gather3A_370, %and3A_2 : vector<16xi32>
            %reshape3A_372 = vector.shape_cast %broadcast_in_dim3A_367 : vector<16xi32> to vector<16x1xi32>
            %gather3A_373 = vector.shape_cast %reshape3A_372 : vector<16x1xi32> to vector<16xi32>
            %gather3A_374 = tpu.dynamic_gather %mul3A_248[%gather3A_373] in [0] : vector<16xi32>, vector<16xi32> -> vector<16xi32>
            %add3A_375 = arith.addi %gather3A_374, %and3A_2 : vector<16xi32>
            %gather3A_376 = tpu.vector_load_idx %arg10[%add3A_371] : memref<40000xf32, #tpu.memory_space<vmem>>[vector<16xi32>], vector<16xf32>,
            %gather3A_377 = tpu.vector_load_idx %arg12[%add3A_375] : memref<40000xf32, #tpu.memory_space<vmem>>[vector<16xi32>], vector<16xf32>,
            %min3A_378 = arith.minimumf %gather3A_377, %gather3A_376 : vector<16xf32>
            tpu.vector_store_idx %arg12[%add3A_375], %min3A_378 : memref<40000xf32, #tpu.memory_space<vmem>>[vector<16xi32>], vector<16xf32>,
            %broadcast_in_dim3A_379 = arith.constant 10 : i32
            %broadcast_in_dim3A_380 = vector.broadcast %broadcast_in_dim3A_379 : i32 to vector<16xi32>
            %reshape3A_381 = vector.shape_cast %broadcast_in_dim3A_380 : vector<16xi32> to vector<16x1xi32>
            %gather3A_382 = vector.shape_cast %reshape3A_381 : vector<16x1xi32> to vector<16xi32>
            %gather3A_383 = tpu.dynamic_gather %mul3A_240[%gather3A_382] in [0] : vector<16xi32>, vector<16xi32> -> vector<16xi32>
            %add3A_384 = arith.addi %gather3A_383, %and3A_2 : vector<16xi32>
            %reshape3A_385 = vector.shape_cast %broadcast_in_dim3A_380 : vector<16xi32> to vector<16x1xi32>
            %gather3A_386 = vector.shape_cast %reshape3A_385 : vector<16x1xi32> to vector<16xi32>
            %gather3A_387 = tpu.dynamic_gather %mul3A_248[%gather3A_386] in [0] : vector<16xi32>, vector<16xi32> -> vector<16xi32>
            %add3A_388 = arith.addi %gather3A_387, %and3A_2 : vector<16xi32>
            %gather3A_389 = tpu.vector_load_idx %arg10[%add3A_384] : memref<40000xf32, #tpu.memory_space<vmem>>[vector<16xi32>], vector<16xf32>,
            %gather3A_390 = tpu.vector_load_idx %arg11[%add3A_388] : memref<40000xf32, #tpu.memory_space<vmem>>[vector<16xi32>], vector<16xf32>,
            %min3A_391 = arith.minimumf %gather3A_390, %gather3A_389 : vector<16xf32>
            tpu.vector_store_idx %arg11[%add3A_388], %min3A_391 : memref<40000xf32, #tpu.memory_space<vmem>>[vector<16xi32>], vector<16xf32>,
            %broadcast_in_dim3A_392 = arith.constant 11 : i32
            %broadcast_in_dim3A_393 = vector.broadcast %broadcast_in_dim3A_392 : i32 to vector<16xi32>
            %reshape3A_394 = vector.shape_cast %broadcast_in_dim3A_393 : vector<16xi32> to vector<16x1xi32>
            %gather3A_395 = vector.shape_cast %reshape3A_394 : vector<16x1xi32> to vector<16xi32>
            %gather3A_396 = tpu.dynamic_gather %mul3A_240[%gather3A_395] in [0] : vector<16xi32>, vector<16xi32> -> vector<16xi32>
            %add3A_397 = arith.addi %gather3A_396, %and3A_2 : vector<16xi32>
            %reshape3A_398 = vector.shape_cast %broadcast_in_dim3A_393 : vector<16xi32> to vector<16x1xi32>
            %gather3A_399 = vector.shape_cast %reshape3A_398 : vector<16x1xi32> to vector<16xi32>
            %gather3A_400 = tpu.dynamic_gather %mul3A_248[%gather3A_399] in [0] : vector<16xi32>, vector<16xi32> -> vector<16xi32>
            %add3A_401 = arith.addi %gather3A_400, %and3A_2 : vector<16xi32>
            %gather3A_402 = tpu.vector_load_idx %arg10[%add3A_397] : memref<40000xf32, #tpu.memory_space<vmem>>[vector<16xi32>], vector<16xf32>,
            %gather3A_403 = tpu.vector_load_idx %arg12[%add3A_401] : memref<40000xf32, #tpu.memory_space<vmem>>[vector<16xi32>], vector<16xf32>,
            %min3A_404 = arith.minimumf %gather3A_403, %gather3A_402 : vector<16xf32>
            tpu.vector_store_idx %arg12[%add3A_401], %min3A_404 : memref<40000xf32, #tpu.memory_space<vmem>>[vector<16xi32>], vector<16xf32>,
            %broadcast_in_dim3A_405 = arith.constant 12 : i32
            %broadcast_in_dim3A_406 = vector.broadcast %broadcast_in_dim3A_405 : i32 to vector<16xi32>
            %reshape3A_407 = vector.shape_cast %broadcast_in_dim3A_406 : vector<16xi32> to vector<16x1xi32>
            %gather3A_408 = vector.shape_cast %reshape3A_407 : vector<16x1xi32> to vector<16xi32>
            %gather3A_409 = tpu.dynamic_gather %mul3A_240[%gather3A_408] in [0] : vector<16xi32>, vector<16xi32> -> vector<16xi32>
            %add3A_410 = arith.addi %gather3A_409, %and3A_2 : vector<16xi32>
            %reshape3A_411 = vector.shape_cast %broadcast_in_dim3A_406 : vector<16xi32> to vector<16x1xi32>
            %gather3A_412 = vector.shape_cast %reshape3A_411 : vector<16x1xi32> to vector<16xi32>
            %gather3A_413 = tpu.dynamic_gather %mul3A_248[%gather3A_412] in [0] : vector<16xi32>, vector<16xi32> -> vector<16xi32>
            %add3A_414 = arith.addi %gather3A_413, %and3A_2 : vector<16xi32>
            %gather3A_415 = tpu.vector_load_idx %arg10[%add3A_410] : memref<40000xf32, #tpu.memory_space<vmem>>[vector<16xi32>], vector<16xf32>,
            %gather3A_416 = tpu.vector_load_idx %arg11[%add3A_414] : memref<40000xf32, #tpu.memory_space<vmem>>[vector<16xi32>], vector<16xf32>,
            %min3A_417 = arith.minimumf %gather3A_416, %gather3A_415 : vector<16xf32>
            tpu.vector_store_idx %arg11[%add3A_414], %min3A_417 : memref<40000xf32, #tpu.memory_space<vmem>>[vector<16xi32>], vector<16xf32>,
            %broadcast_in_dim3A_418 = arith.constant 13 : i32
            %broadcast_in_dim3A_419 = vector.broadcast %broadcast_in_dim3A_418 : i32 to vector<16xi32>
            %reshape3A_420 = vector.shape_cast %broadcast_in_dim3A_419 : vector<16xi32> to vector<16x1xi32>
            %gather3A_421 = vector.shape_cast %reshape3A_420 : vector<16x1xi32> to vector<16xi32>
            %gather3A_422 = tpu.dynamic_gather %mul3A_240[%gather3A_421] in [0] : vector<16xi32>, vector<16xi32> -> vector<16xi32>
            %add3A_423 = arith.addi %gather3A_422, %and3A_2 : vector<16xi32>
            %reshape3A_424 = vector.shape_cast %broadcast_in_dim3A_419 : vector<16xi32> to vector<16x1xi32>
            %gather3A_425 = vector.shape_cast %reshape3A_424 : vector<16x1xi32> to vector<16xi32>
            %gather3A_426 = tpu.dynamic_gather %mul3A_248[%gather3A_425] in [0] : vector<16xi32>, vector<16xi32> -> vector<16xi32>
            %add3A_427 = arith.addi %gather3A_426, %and3A_2 : vector<16xi32>
            %gather3A_428 = tpu.vector_load_idx %arg10[%add3A_423] : memref<40000xf32, #tpu.memory_space<vmem>>[vector<16xi32>], vector<16xf32>,
            %gather3A_429 = tpu.vector_load_idx %arg12[%add3A_427] : memref<40000xf32, #tpu.memory_space<vmem>>[vector<16xi32>], vector<16xf32>,
            %min3A_430 = arith.minimumf %gather3A_429, %gather3A_428 : vector<16xf32>
            tpu.vector_store_idx %arg12[%add3A_427], %min3A_430 : memref<40000xf32, #tpu.memory_space<vmem>>[vector<16xi32>], vector<16xf32>,
            %broadcast_in_dim3A_431 = arith.constant 14 : i32
            %broadcast_in_dim3A_432 = vector.broadcast %broadcast_in_dim3A_431 : i32 to vector<16xi32>
            %reshape3A_433 = vector.shape_cast %broadcast_in_dim3A_432 : vector<16xi32> to vector<16x1xi32>
            %gather3A_434 = vector.shape_cast %reshape3A_433 : vector<16x1xi32> to vector<16xi32>
            %gather3A_435 = tpu.dynamic_gather %mul3A_240[%gather3A_434] in [0] : vector<16xi32>, vector<16xi32> -> vector<16xi32>
            %add3A_436 = arith.addi %gather3A_435, %and3A_2 : vector<16xi32>
            %reshape3A_437 = vector.shape_cast %broadcast_in_dim3A_432 : vector<16xi32> to vector<16x1xi32>
            %gather3A_438 = vector.shape_cast %reshape3A_437 : vector<16x1xi32> to vector<16xi32>
            %gather3A_439 = tpu.dynamic_gather %mul3A_248[%gather3A_438] in [0] : vector<16xi32>, vector<16xi32> -> vector<16xi32>
            %add3A_440 = arith.addi %gather3A_439, %and3A_2 : vector<16xi32>
            %gather3A_441 = tpu.vector_load_idx %arg10[%add3A_436] : memref<40000xf32, #tpu.memory_space<vmem>>[vector<16xi32>], vector<16xf32>,
            %gather3A_442 = tpu.vector_load_idx %arg11[%add3A_440] : memref<40000xf32, #tpu.memory_space<vmem>>[vector<16xi32>], vector<16xf32>,
            %min3A_443 = arith.minimumf %gather3A_442, %gather3A_441 : vector<16xf32>
            tpu.vector_store_idx %arg11[%add3A_440], %min3A_443 : memref<40000xf32, #tpu.memory_space<vmem>>[vector<16xi32>], vector<16xf32>,
            %broadcast_in_dim3A_444 = arith.constant 15 : i32
            %broadcast_in_dim3A_445 = vector.broadcast %broadcast_in_dim3A_444 : i32 to vector<16xi32>
            %reshape3A_446 = vector.shape_cast %broadcast_in_dim3A_445 : vector<16xi32> to vector<16x1xi32>
            %gather3A_447 = vector.shape_cast %reshape3A_446 : vector<16x1xi32> to vector<16xi32>
            %gather3A_448 = tpu.dynamic_gather %mul3A_240[%gather3A_447] in [0] : vector<16xi32>, vector<16xi32> -> vector<16xi32>
            %add3A_449 = arith.addi %gather3A_448, %and3A_2 : vector<16xi32>
            %reshape3A_450 = vector.shape_cast %broadcast_in_dim3A_445 : vector<16xi32> to vector<16x1xi32>
            %gather3A_451 = vector.shape_cast %reshape3A_450 : vector<16x1xi32> to vector<16xi32>
            %gather3A_452 = tpu.dynamic_gather %mul3A_248[%gather3A_451] in [0] : vector<16xi32>, vector<16xi32> -> vector<16xi32>
            %add3A_453 = arith.addi %gather3A_452, %and3A_2 : vector<16xi32>
            %gather3A_454 = tpu.vector_load_idx %arg10[%add3A_449] : memref<40000xf32, #tpu.memory_space<vmem>>[vector<16xi32>], vector<16xf32>,
            %gather3A_455 = tpu.vector_load_idx %arg12[%add3A_453] : memref<40000xf32, #tpu.memory_space<vmem>>[vector<16xi32>], vector<16xf32>,
            %min3A_456 = arith.minimumf %gather3A_455, %gather3A_454 : vector<16xf32>
            tpu.vector_store_idx %arg12[%add3A_453], %min3A_456 : memref<40000xf32, #tpu.memory_space<vmem>>[vector<16xi32>], vector<16xf32>,
          }
          %scan3A_231 = arith.constant 5 : i32
        } else {
        }
      }
      %scan3A_84 = arith.constant 25 : i32
      %add3A_85 = arith.constant 2 : i32
      %add3A_86 = arith.addi %mul3A_70, %add3A_85 : i32
      %min3A_87 = arith.constant 159 : i32
      %min3A_88 = arith.minsi %add3A_86, %min3A_87 : i32
      %mul3A_89 = arith.constant 2000 : i32
      %mul3A_90 = arith.muli %min3A_88, %mul3A_89 : i32
      %dma_start3A_91 = tpu.memref_slice %arg3[%mul3A_90] : memref<320000xi32, #tpu.memory_space<hbm>> -> memref<2000xi32, #tpu.memory_space<hbm>>
      %dma_start3A_92 = tpu.memref_slice %arg3[%mul3A_90] : memref<320000xi32, #tpu.memory_space<hbm>> -> memref<2000xi32, #tpu.memory_space<hbm>>
      tpu.enqueue_dma source(%dma_start3A_92 : memref<2000xi32, #tpu.memory_space<hbm>>) target(%arg6 : memref<2000xi32, #tpu.memory_space<vmem>>) target_semaphore(%arg13 : memref<!tpu.dma_semaphore, #tpu.memory_space<semaphore_mem>>)
      %dma_start3A_93 = tpu.memref_slice %arg4[%mul3A_90] : memref<320000xi32, #tpu.memory_space<hbm>> -> memref<2000xi32, #tpu.memory_space<hbm>>
      %dma_start3A_94 = tpu.memref_slice %arg4[%mul3A_90] : memref<320000xi32, #tpu.memory_space<hbm>> -> memref<2000xi32, #tpu.memory_space<hbm>>
      tpu.enqueue_dma source(%dma_start3A_94 : memref<2000xi32, #tpu.memory_space<hbm>>) target(%arg8 : memref<2000xi32, #tpu.memory_space<vmem>>) target_semaphore(%arg14 : memref<!tpu.dma_semaphore, #tpu.memory_space<semaphore_mem>>)
      %dma_wait3A_95 = arith.constant 0 : i32
      %dma_wait3A_96 = tpu.memref_slice %arg3[%dma_wait3A_95] : memref<320000xi32, #tpu.memory_space<hbm>> -> memref<2000xi32, #tpu.memory_space<hbm>>
      %dma_wait3A_97 = arith.constant 0 : i32
      %dma_wait3A_98 = tpu.memref_slice %arg3[%dma_wait3A_97] : memref<320000xi32, #tpu.memory_space<hbm>> -> memref<2000xi32, #tpu.memory_space<hbm>>
      tpu.wait_dma2 semaphore(%arg15 : memref<!tpu.dma_semaphore, #tpu.memory_space<semaphore_mem>>) src(%dma_wait3A_98 : memref<2000xi32, #tpu.memory_space<hbm>>) dst(%arg7 : memref<2000xi32, #tpu.memory_space<vmem>>)
      %dma_wait3A_99 = arith.constant 0 : i32
      %dma_wait3A_100 = tpu.memref_slice %arg4[%dma_wait3A_99] : memref<320000xi32, #tpu.memory_space<hbm>> -> memref<2000xi32, #tpu.memory_space<hbm>>
      %dma_wait3A_101 = arith.constant 0 : i32
      %dma_wait3A_102 = tpu.memref_slice %arg4[%dma_wait3A_101] : memref<320000xi32, #tpu.memory_space<hbm>> -> memref<2000xi32, #tpu.memory_space<hbm>>
      tpu.wait_dma2 semaphore(%arg16 : memref<!tpu.dma_semaphore, #tpu.memory_space<semaphore_mem>>) src(%dma_wait3A_102 : memref<2000xi32, #tpu.memory_space<hbm>>) dst(%arg9 : memref<2000xi32, #tpu.memory_space<vmem>>)
      %scan3A_103 = arith.constant 0 : i32
      %scan3A_104 = arith.constant 0 : i32
      %scan3A_105 = arith.constant 25 : i32
      %scan3A_106 = arith.addi %scan3A_104, %scan3A_105 : i32
      %scan3A_107 = arith.constant 1 : i32
      scf.for %scan3A_119 = %scan3A_104 to %scan3A_106 step %scan3A_107  : i32 {
        %mul3A_120 = arith.constant 5 : i32
        %mul3A_121 = arith.muli %mul3A_120, %scan3A_119 : i32
        %add3A_122 = arith.constant 0 : i32
        %add3A_123 = arith.addi %mul3A_121, %add3A_122 : i32
        %mul3A_124 = arith.constant 16 : i32
        %mul3A_125 = arith.muli %mul3A_124, %add3A_123 : i32
        %get3A = arith.index_cast %mul3A_125 : i32 to index
        %get3A_126 = tpu.vector_load %arg9[%get3A] {strides = array<i32>} : memref<2000xi32, #tpu.memory_space<vmem>>, vector<16xi32>,
        %mul3A_127 = arith.constant 4 : i32
        %mul3A_128 = vector.broadcast %mul3A_127 : i32 to vector<16xi32>
        %mul3A_129 = arith.muli %get3A_126, %mul3A_128 : vector<16xi32>
        %add3A_130 = arith.constant 1 : i32
        %add3A_131 = arith.addi %mul3A_121, %add3A_130 : i32
        %mul3A_132 = arith.constant 16 : i32
        %mul3A_133 = arith.muli %mul3A_132, %add3A_131 : i32
        %get3A_134 = arith.index_cast %mul3A_133 : i32 to index
        %get3A_135 = tpu.vector_load %arg9[%get3A_134] {strides = array<i32>} : memref<2000xi32, #tpu.memory_space<vmem>>, vector<16xi32>,
        %mul3A_136 = arith.constant 4 : i32
        %mul3A_137 = vector.broadcast %mul3A_136 : i32 to vector<16xi32>
        %mul3A_138 = arith.muli %get3A_135, %mul3A_137 : vector<16xi32>
        %add3A_139 = arith.constant 2 : i32
        %add3A_140 = arith.addi %mul3A_121, %add3A_139 : i32
        %mul3A_141 = arith.constant 16 : i32
        %mul3A_142 = arith.muli %mul3A_141, %add3A_140 : i32
        %get3A_143 = arith.index_cast %mul3A_142 : i32 to index
        %get3A_144 = tpu.vector_load %arg9[%get3A_143] {strides = array<i32>} : memref<2000xi32, #tpu.memory_space<vmem>>, vector<16xi32>,
        %mul3A_145 = arith.constant 4 : i32
        %mul3A_146 = vector.broadcast %mul3A_145 : i32 to vector<16xi32>
        %mul3A_147 = arith.muli %get3A_144, %mul3A_146 : vector<16xi32>
        %add3A_148 = arith.constant 3 : i32
        %add3A_149 = arith.addi %mul3A_121, %add3A_148 : i32
        %mul3A_150 = arith.constant 16 : i32
        %mul3A_151 = arith.muli %mul3A_150, %add3A_149 : i32
        %get3A_152 = arith.index_cast %mul3A_151 : i32 to index
        %get3A_153 = tpu.vector_load %arg9[%get3A_152] {strides = array<i32>} : memref<2000xi32, #tpu.memory_space<vmem>>, vector<16xi32>,
        %mul3A_154 = arith.constant 4 : i32
        %mul3A_155 = vector.broadcast %mul3A_154 : i32 to vector<16xi32>
        %mul3A_156 = arith.muli %get3A_153, %mul3A_155 : vector<16xi32>
        %add3A_157 = arith.constant 4 : i32
        %add3A_158 = arith.addi %mul3A_121, %add3A_157 : i32
        %mul3A_159 = arith.constant 16 : i32
        %mul3A_160 = arith.muli %mul3A_159, %add3A_158 : i32
        %get3A_161 = arith.index_cast %mul3A_160 : i32 to index
        %get3A_162 = tpu.vector_load %arg9[%get3A_161] {strides = array<i32>} : memref<2000xi32, #tpu.memory_space<vmem>>, vector<16xi32>,
        %mul3A_163 = arith.constant 4 : i32
        %mul3A_164 = vector.broadcast %mul3A_163 : i32 to vector<16xi32>
        %mul3A_165 = arith.muli %get3A_162, %mul3A_164 : vector<16xi32>
        %reshape3A = vector.shape_cast %add3A_11 : vector<16xi32> to vector<16x1xi32>
        %gather3A = vector.shape_cast %reshape3A : vector<16x1xi32> to vector<16xi32>
        %gather3A_166 = tpu.dynamic_gather %mul3A_129[%gather3A] in [0] : vector<16xi32>, vector<16xi32> -> vector<16xi32>
        %eq3A = arith.cmpi eq, %mul3A_129, %gather3A_166 : vector<16xi32>
        %reshape3A_167 = vector.shape_cast %add3A_18 : vector<16xi32> to vector<16x1xi32>
        %gather3A_168 = vector.shape_cast %reshape3A_167 : vector<16x1xi32> to vector<16xi32>
        %gather3A_169 = tpu.dynamic_gather %mul3A_129[%gather3A_168] in [0] : vector<16xi32>, vector<16xi32> -> vector<16xi32>
        %eq3A_170 = arith.cmpi eq, %mul3A_129, %gather3A_169 : vector<16xi32>
        %or3A = arith.ori %eq3A, %eq3A_170 : vector<16xi1>
        %reshape3A_171 = vector.shape_cast %add3A_11 : vector<16xi32> to vector<16x1xi32>
        %gather3A_172 = vector.shape_cast %reshape3A_171 : vector<16x1xi32> to vector<16xi32>
        %gather3A_173 = tpu.dynamic_gather %mul3A_138[%gather3A_172] in [0] : vector<16xi32>, vector<16xi32> -> vector<16xi32>
        %eq3A_174 = arith.cmpi eq, %mul3A_138, %gather3A_173 : vector<16xi32>
        %reshape3A_175 = vector.shape_cast %add3A_18 : vector<16xi32> to vector<16x1xi32>
        %gather3A_176 = vector.shape_cast %reshape3A_175 : vector<16x1xi32> to vector<16xi32>
        %gather3A_177 = tpu.dynamic_gather %mul3A_138[%gather3A_176] in [0] : vector<16xi32>, vector<16xi32> -> vector<16xi32>
        %eq3A_178 = arith.cmpi eq, %mul3A_138, %gather3A_177 : vector<16xi32>
        %or3A_179 = arith.ori %eq3A_174, %eq3A_178 : vector<16xi1>
        %or3A_180 = arith.ori %or3A, %or3A_179 : vector<16xi1>
        %reshape3A_181 = vector.shape_cast %add3A_11 : vector<16xi32> to vector<16x1xi32>
        %gather3A_182 = vector.shape_cast %reshape3A_181 : vector<16x1xi32> to vector<16xi32>
        %gather3A_183 = tpu.dynamic_gather %mul3A_147[%gather3A_182] in [0] : vector<16xi32>, vector<16xi32> -> vector<16xi32>
        %eq3A_184 = arith.cmpi eq, %mul3A_147, %gather3A_183 : vector<16xi32>
        %reshape3A_185 = vector.shape_cast %add3A_18 : vector<16xi32> to vector<16x1xi32>
        %gather3A_186 = vector.shape_cast %reshape3A_185 : vector<16x1xi32> to vector<16xi32>
        %gather3A_187 = tpu.dynamic_gather %mul3A_147[%gather3A_186] in [0] : vector<16xi32>, vector<16xi32> -> vector<16xi32>
        %eq3A_188 = arith.cmpi eq, %mul3A_147, %gather3A_187 : vector<16xi32>
        %or3A_189 = arith.ori %eq3A_184, %eq3A_188 : vector<16xi1>
        %or3A_190 = arith.ori %or3A_180, %or3A_189 : vector<16xi1>
        %reshape3A_191 = vector.shape_cast %add3A_11 : vector<16xi32> to vector<16x1xi32>
        %gather3A_192 = vector.shape_cast %reshape3A_191 : vector<16x1xi32> to vector<16xi32>
        %gather3A_193 = tpu.dynamic_gather %mul3A_156[%gather3A_192] in [0] : vector<16xi32>, vector<16xi32> -> vector<16xi32>
        %eq3A_194 = arith.cmpi eq, %mul3A_156, %gather3A_193 : vector<16xi32>
        %reshape3A_195 = vector.shape_cast %add3A_18 : vector<16xi32> to vector<16x1xi32>
        %gather3A_196 = vector.shape_cast %reshape3A_195 : vector<16x1xi32> to vector<16xi32>
        %gather3A_197 = tpu.dynamic_gather %mul3A_156[%gather3A_196] in [0] : vector<16xi32>, vector<16xi32> -> vector<16xi32>
        %eq3A_198 = arith.cmpi eq, %mul3A_156, %gather3A_197 : vector<16xi32>
        %or3A_199 = arith.ori %eq3A_194, %eq3A_198 : vector<16xi1>
        %or3A_200 = arith.ori %or3A_190, %or3A_199 : vector<16xi1>
        %reshape3A_201 = vector.shape_cast %add3A_11 : vector<16xi32> to vector<16x1xi32>
        %gather3A_202 = vector.shape_cast %reshape3A_201 : vector<16x1xi32> to vector<16xi32>
        %gather3A_203 = tpu.dynamic_gather %mul3A_165[%gather3A_202] in [0] : vector<16xi32>, vector<16xi32> -> vector<16xi32>
        %eq3A_204 = arith.cmpi eq, %mul3A_165, %gather3A_203 : vector<16xi32>
        %reshape3A_205 = vector.shape_cast %add3A_18 : vector<16xi32> to vector<16x1xi32>
        %gather3A_206 = vector.shape_cast %reshape3A_205 : vector<16x1xi32> to vector<16xi32>
        %gather3A_207 = tpu.dynamic_gather %mul3A_165[%gather3A_206] in [0] : vector<16xi32>, vector<16xi32> -> vector<16xi32>
        %eq3A_208 = arith.cmpi eq, %mul3A_165, %gather3A_207 : vector<16xi32>
        %or3A_209 = arith.ori %eq3A_204, %eq3A_208 : vector<16xi1>
        %or3A_210 = arith.ori %or3A_200, %or3A_209 : vector<16xi1>
        %reduce_or3A = arith.constant 1.000000e+00 : f32
        %reduce_or3A_211 = arith.constant 0.000000e+00 : f32
        %reduce_or3A_212 = vector.broadcast %reduce_or3A : f32 to vector<16xf32>
        %reduce_or3A_213 = vector.broadcast %reduce_or3A_211 : f32 to vector<16xf32>
        %reduce_or3A_214 = arith.select %or3A_210, %reduce_or3A_212, %reduce_or3A_213 : vector<16xi1>, vector<16xf32>
        %reduce_or3A_215 = arith.constant true
        %reduce_or3A_216 = vector.broadcast %reduce_or3A_215 : i1 to vector<16xi1>
        %reduce_or3A_217 = tpu.scan <max>, %reduce_or3A_214 masked %reduce_or3A_216 : vector<16xf32>, vector<16xi1> -> vector<16xf32>
        %reduce_or3A_218 = vector.extract %reduce_or3A_217[15] : f32 from vector<16xf32>
        %reduce_or3A_219 = arith.constant 0.000000e+00 : f32
        %reduce_or3A_220 = arith.cmpf ogt, %reduce_or3A_218, %reduce_or3A_219 : f32
        %not3A = arith.constant true
        %not3A_221 = arith.xori %reduce_or3A_220, %not3A : i1
        %convert_element_type3A = arith.extui %not3A_221 : i1 to i32
        %cond3A = arith.constant 0 : i32
        %cond3A_222 = arith.cmpi ne, %convert_element_type3A, %cond3A : i32
        scf.if %cond3A_222 {
          %add3A_226 = arith.constant 0 : i32
          %add3A_227 = arith.addi %mul3A_121, %add3A_226 : i32
          %mul3A_228 = arith.constant 16 : i32
          %mul3A_229 = arith.muli %mul3A_228, %add3A_227 : i32
          %get3A_230 = arith.index_cast %mul3A_229 : i32 to index
          %get3A_231 = tpu.vector_load %arg7[%get3A_230] {strides = array<i32>} : memref<2000xi32, #tpu.memory_space<vmem>>, vector<16xi32>,
          %mul3A_232 = arith.constant 4 : i32
          %mul3A_233 = vector.broadcast %mul3A_232 : i32 to vector<16xi32>
          %mul3A_234 = arith.muli %get3A_231, %mul3A_233 : vector<16xi32>
          %add3A_235 = arith.constant 0 : i32
          %add3A_236 = vector.broadcast %add3A_235 : i32 to vector<16xi32>
          %add3A_237 = arith.addi %shift_right_arithmetic3A_4, %add3A_236 : vector<16xi32>
          %reshape3A_238 = vector.shape_cast %add3A_237 : vector<16xi32> to vector<16x1xi32>
          %gather3A_239 = vector.shape_cast %reshape3A_238 : vector<16x1xi32> to vector<16xi32>
          %gather3A_240 = tpu.dynamic_gather %mul3A_234[%gather3A_239] in [0] : vector<16xi32>, vector<16xi32> -> vector<16xi32>
          %add3A_241 = arith.addi %gather3A_240, %and3A_2 : vector<16xi32>
          %reshape3A_242 = vector.shape_cast %add3A_237 : vector<16xi32> to vector<16x1xi32>
          %gather3A_243 = vector.shape_cast %reshape3A_242 : vector<16x1xi32> to vector<16xi32>
          %gather3A_244 = tpu.dynamic_gather %mul3A_129[%gather3A_243] in [0] : vector<16xi32>, vector<16xi32> -> vector<16xi32>
          %add3A_245 = arith.addi %gather3A_244, %and3A_2 : vector<16xi32>
          %gather3A_246 = tpu.vector_load_idx %arg10[%add3A_241] : memref<40000xf32, #tpu.memory_space<vmem>>[vector<16xi32>], vector<16xf32>,
          %gather3A_247 = tpu.vector_load_idx %arg11[%add3A_245] : memref<40000xf32, #tpu.memory_space<vmem>>[vector<16xi32>], vector<16xf32>,
          %min3A_248 = arith.minimumf %gather3A_247, %gather3A_246 : vector<16xf32>
          tpu.vector_store_idx %arg11[%add3A_245], %min3A_248 : memref<40000xf32, #tpu.memory_space<vmem>>[vector<16xi32>], vector<16xf32>,
          %add3A_249 = arith.constant 4 : i32
          %add3A_250 = vector.broadcast %add3A_249 : i32 to vector<16xi32>
          %add3A_251 = arith.addi %shift_right_arithmetic3A_4, %add3A_250 : vector<16xi32>
          %reshape3A_252 = vector.shape_cast %add3A_251 : vector<16xi32> to vector<16x1xi32>
          %gather3A_253 = vector.shape_cast %reshape3A_252 : vector<16x1xi32> to vector<16xi32>
          %gather3A_254 = tpu.dynamic_gather %mul3A_234[%gather3A_253] in [0] : vector<16xi32>, vector<16xi32> -> vector<16xi32>
          %add3A_255 = arith.addi %gather3A_254, %and3A_2 : vector<16xi32>
          %reshape3A_256 = vector.shape_cast %add3A_251 : vector<16xi32> to vector<16x1xi32>
          %gather3A_257 = vector.shape_cast %reshape3A_256 : vector<16x1xi32> to vector<16xi32>
          %gather3A_258 = tpu.dynamic_gather %mul3A_129[%gather3A_257] in [0] : vector<16xi32>, vector<16xi32> -> vector<16xi32>
          %add3A_259 = arith.addi %gather3A_258, %and3A_2 : vector<16xi32>
          %gather3A_260 = tpu.vector_load_idx %arg10[%add3A_255] : memref<40000xf32, #tpu.memory_space<vmem>>[vector<16xi32>], vector<16xf32>,
          %gather3A_261 = tpu.vector_load_idx %arg12[%add3A_259] : memref<40000xf32, #tpu.memory_space<vmem>>[vector<16xi32>], vector<16xf32>,
          %min3A_262 = arith.minimumf %gather3A_261, %gather3A_260 : vector<16xf32>
          tpu.vector_store_idx %arg12[%add3A_259], %min3A_262 : memref<40000xf32, #tpu.memory_space<vmem>>[vector<16xi32>], vector<16xf32>,
          %add3A_263 = arith.constant 8 : i32
          %add3A_264 = vector.broadcast %add3A_263 : i32 to vector<16xi32>
          %add3A_265 = arith.addi %shift_right_arithmetic3A_4, %add3A_264 : vector<16xi32>
          %reshape3A_266 = vector.shape_cast %add3A_265 : vector<16xi32> to vector<16x1xi32>
          %gather3A_267 = vector.shape_cast %reshape3A_266 : vector<16x1xi32> to vector<16xi32>
          %gather3A_268 = tpu.dynamic_gather %mul3A_234[%gather3A_267] in [0] : vector<16xi32>, vector<16xi32> -> vector<16xi32>
          %add3A_269 = arith.addi %gather3A_268, %and3A_2 : vector<16xi32>
          %reshape3A_270 = vector.shape_cast %add3A_265 : vector<16xi32> to vector<16x1xi32>
          %gather3A_271 = vector.shape_cast %reshape3A_270 : vector<16x1xi32> to vector<16xi32>
          %gather3A_272 = tpu.dynamic_gather %mul3A_129[%gather3A_271] in [0] : vector<16xi32>, vector<16xi32> -> vector<16xi32>
          %add3A_273 = arith.addi %gather3A_272, %and3A_2 : vector<16xi32>
          %gather3A_274 = tpu.vector_load_idx %arg10[%add3A_269] : memref<40000xf32, #tpu.memory_space<vmem>>[vector<16xi32>], vector<16xf32>,
          %gather3A_275 = tpu.vector_load_idx %arg11[%add3A_273] : memref<40000xf32, #tpu.memory_space<vmem>>[vector<16xi32>], vector<16xf32>,
          %min3A_276 = arith.minimumf %gather3A_275, %gather3A_274 : vector<16xf32>
          tpu.vector_store_idx %arg11[%add3A_273], %min3A_276 : memref<40000xf32, #tpu.memory_space<vmem>>[vector<16xi32>], vector<16xf32>,
          %add3A_277 = arith.constant 12 : i32
          %add3A_278 = vector.broadcast %add3A_277 : i32 to vector<16xi32>
          %add3A_279 = arith.addi %shift_right_arithmetic3A_4, %add3A_278 : vector<16xi32>
          %reshape3A_280 = vector.shape_cast %add3A_279 : vector<16xi32> to vector<16x1xi32>
          %gather3A_281 = vector.shape_cast %reshape3A_280 : vector<16x1xi32> to vector<16xi32>
          %gather3A_282 = tpu.dynamic_gather %mul3A_234[%gather3A_281] in [0] : vector<16xi32>, vector<16xi32> -> vector<16xi32>
          %add3A_283 = arith.addi %gather3A_282, %and3A_2 : vector<16xi32>
          %reshape3A_284 = vector.shape_cast %add3A_279 : vector<16xi32> to vector<16x1xi32>
          %gather3A_285 = vector.shape_cast %reshape3A_284 : vector<16x1xi32> to vector<16xi32>
          %gather3A_286 = tpu.dynamic_gather %mul3A_129[%gather3A_285] in [0] : vector<16xi32>, vector<16xi32> -> vector<16xi32>
          %add3A_287 = arith.addi %gather3A_286, %and3A_2 : vector<16xi32>
          %gather3A_288 = tpu.vector_load_idx %arg10[%add3A_283] : memref<40000xf32, #tpu.memory_space<vmem>>[vector<16xi32>], vector<16xf32>,
          %gather3A_289 = tpu.vector_load_idx %arg12[%add3A_287] : memref<40000xf32, #tpu.memory_space<vmem>>[vector<16xi32>], vector<16xf32>,
          %min3A_290 = arith.minimumf %gather3A_289, %gather3A_288 : vector<16xf32>
          tpu.vector_store_idx %arg12[%add3A_287], %min3A_290 : memref<40000xf32, #tpu.memory_space<vmem>>[vector<16xi32>], vector<16xf32>,
          %add3A_291 = arith.constant 1 : i32
          %add3A_292 = arith.addi %mul3A_121, %add3A_291 : i32
          %mul3A_293 = arith.constant 16 : i32
          %mul3A_294 = arith.muli %mul3A_293, %add3A_292 : i32
          %get3A_295 = arith.index_cast %mul3A_294 : i32 to index
          %get3A_296 = tpu.vector_load %arg7[%get3A_295] {strides = array<i32>} : memref<2000xi32, #tpu.memory_space<vmem>>, vector<16xi32>,
          %mul3A_297 = arith.constant 4 : i32
          %mul3A_298 = vector.broadcast %mul3A_297 : i32 to vector<16xi32>
          %mul3A_299 = arith.muli %get3A_296, %mul3A_298 : vector<16xi32>
          %add3A_300 = arith.constant 0 : i32
          %add3A_301 = vector.broadcast %add3A_300 : i32 to vector<16xi32>
          %add3A_302 = arith.addi %shift_right_arithmetic3A_4, %add3A_301 : vector<16xi32>
          %reshape3A_303 = vector.shape_cast %add3A_302 : vector<16xi32> to vector<16x1xi32>
          %gather3A_304 = vector.shape_cast %reshape3A_303 : vector<16x1xi32> to vector<16xi32>
          %gather3A_305 = tpu.dynamic_gather %mul3A_299[%gather3A_304] in [0] : vector<16xi32>, vector<16xi32> -> vector<16xi32>
          %add3A_306 = arith.addi %gather3A_305, %and3A_2 : vector<16xi32>
          %reshape3A_307 = vector.shape_cast %add3A_302 : vector<16xi32> to vector<16x1xi32>
          %gather3A_308 = vector.shape_cast %reshape3A_307 : vector<16x1xi32> to vector<16xi32>
          %gather3A_309 = tpu.dynamic_gather %mul3A_138[%gather3A_308] in [0] : vector<16xi32>, vector<16xi32> -> vector<16xi32>
          %add3A_310 = arith.addi %gather3A_309, %and3A_2 : vector<16xi32>
          %gather3A_311 = tpu.vector_load_idx %arg10[%add3A_306] : memref<40000xf32, #tpu.memory_space<vmem>>[vector<16xi32>], vector<16xf32>,
          %gather3A_312 = tpu.vector_load_idx %arg11[%add3A_310] : memref<40000xf32, #tpu.memory_space<vmem>>[vector<16xi32>], vector<16xf32>,
          %min3A_313 = arith.minimumf %gather3A_312, %gather3A_311 : vector<16xf32>
          tpu.vector_store_idx %arg11[%add3A_310], %min3A_313 : memref<40000xf32, #tpu.memory_space<vmem>>[vector<16xi32>], vector<16xf32>,
          %add3A_314 = arith.constant 4 : i32
          %add3A_315 = vector.broadcast %add3A_314 : i32 to vector<16xi32>
          %add3A_316 = arith.addi %shift_right_arithmetic3A_4, %add3A_315 : vector<16xi32>
          %reshape3A_317 = vector.shape_cast %add3A_316 : vector<16xi32> to vector<16x1xi32>
          %gather3A_318 = vector.shape_cast %reshape3A_317 : vector<16x1xi32> to vector<16xi32>
          %gather3A_319 = tpu.dynamic_gather %mul3A_299[%gather3A_318] in [0] : vector<16xi32>, vector<16xi32> -> vector<16xi32>
          %add3A_320 = arith.addi %gather3A_319, %and3A_2 : vector<16xi32>
          %reshape3A_321 = vector.shape_cast %add3A_316 : vector<16xi32> to vector<16x1xi32>
          %gather3A_322 = vector.shape_cast %reshape3A_321 : vector<16x1xi32> to vector<16xi32>
          %gather3A_323 = tpu.dynamic_gather %mul3A_138[%gather3A_322] in [0] : vector<16xi32>, vector<16xi32> -> vector<16xi32>
          %add3A_324 = arith.addi %gather3A_323, %and3A_2 : vector<16xi32>
          %gather3A_325 = tpu.vector_load_idx %arg10[%add3A_320] : memref<40000xf32, #tpu.memory_space<vmem>>[vector<16xi32>], vector<16xf32>,
          %gather3A_326 = tpu.vector_load_idx %arg12[%add3A_324] : memref<40000xf32, #tpu.memory_space<vmem>>[vector<16xi32>], vector<16xf32>,
          %min3A_327 = arith.minimumf %gather3A_326, %gather3A_325 : vector<16xf32>
          tpu.vector_store_idx %arg12[%add3A_324], %min3A_327 : memref<40000xf32, #tpu.memory_space<vmem>>[vector<16xi32>], vector<16xf32>,
          %add3A_328 = arith.constant 8 : i32
          %add3A_329 = vector.broadcast %add3A_328 : i32 to vector<16xi32>
          %add3A_330 = arith.addi %shift_right_arithmetic3A_4, %add3A_329 : vector<16xi32>
          %reshape3A_331 = vector.shape_cast %add3A_330 : vector<16xi32> to vector<16x1xi32>
          %gather3A_332 = vector.shape_cast %reshape3A_331 : vector<16x1xi32> to vector<16xi32>
          %gather3A_333 = tpu.dynamic_gather %mul3A_299[%gather3A_332] in [0] : vector<16xi32>, vector<16xi32> -> vector<16xi32>
          %add3A_334 = arith.addi %gather3A_333, %and3A_2 : vector<16xi32>
          %reshape3A_335 = vector.shape_cast %add3A_330 : vector<16xi32> to vector<16x1xi32>
          %gather3A_336 = vector.shape_cast %reshape3A_335 : vector<16x1xi32> to vector<16xi32>
          %gather3A_337 = tpu.dynamic_gather %mul3A_138[%gather3A_336] in [0] : vector<16xi32>, vector<16xi32> -> vector<16xi32>
          %add3A_338 = arith.addi %gather3A_337, %and3A_2 : vector<16xi32>
          %gather3A_339 = tpu.vector_load_idx %arg10[%add3A_334] : memref<40000xf32, #tpu.memory_space<vmem>>[vector<16xi32>], vector<16xf32>,
          %gather3A_340 = tpu.vector_load_idx %arg11[%add3A_338] : memref<40000xf32, #tpu.memory_space<vmem>>[vector<16xi32>], vector<16xf32>,
          %min3A_341 = arith.minimumf %gather3A_340, %gather3A_339 : vector<16xf32>
          tpu.vector_store_idx %arg11[%add3A_338], %min3A_341 : memref<40000xf32, #tpu.memory_space<vmem>>[vector<16xi32>], vector<16xf32>,
          %add3A_342 = arith.constant 12 : i32
          %add3A_343 = vector.broadcast %add3A_342 : i32 to vector<16xi32>
          %add3A_344 = arith.addi %shift_right_arithmetic3A_4, %add3A_343 : vector<16xi32>
          %reshape3A_345 = vector.shape_cast %add3A_344 : vector<16xi32> to vector<16x1xi32>
          %gather3A_346 = vector.shape_cast %reshape3A_345 : vector<16x1xi32> to vector<16xi32>
          %gather3A_347 = tpu.dynamic_gather %mul3A_299[%gather3A_346] in [0] : vector<16xi32>, vector<16xi32> -> vector<16xi32>
          %add3A_348 = arith.addi %gather3A_347, %and3A_2 : vector<16xi32>
          %reshape3A_349 = vector.shape_cast %add3A_344 : vector<16xi32> to vector<16x1xi32>
          %gather3A_350 = vector.shape_cast %reshape3A_349 : vector<16x1xi32> to vector<16xi32>
          %gather3A_351 = tpu.dynamic_gather %mul3A_138[%gather3A_350] in [0] : vector<16xi32>, vector<16xi32> -> vector<16xi32>
          %add3A_352 = arith.addi %gather3A_351, %and3A_2 : vector<16xi32>
          %gather3A_353 = tpu.vector_load_idx %arg10[%add3A_348] : memref<40000xf32, #tpu.memory_space<vmem>>[vector<16xi32>], vector<16xf32>,
          %gather3A_354 = tpu.vector_load_idx %arg12[%add3A_352] : memref<40000xf32, #tpu.memory_space<vmem>>[vector<16xi32>], vector<16xf32>,
          %min3A_355 = arith.minimumf %gather3A_354, %gather3A_353 : vector<16xf32>
          tpu.vector_store_idx %arg12[%add3A_352], %min3A_355 : memref<40000xf32, #tpu.memory_space<vmem>>[vector<16xi32>], vector<16xf32>,
          %add3A_356 = arith.constant 2 : i32
          %add3A_357 = arith.addi %mul3A_121, %add3A_356 : i32
          %mul3A_358 = arith.constant 16 : i32
          %mul3A_359 = arith.muli %mul3A_358, %add3A_357 : i32
          %get3A_360 = arith.index_cast %mul3A_359 : i32 to index
          %get3A_361 = tpu.vector_load %arg7[%get3A_360] {strides = array<i32>} : memref<2000xi32, #tpu.memory_space<vmem>>, vector<16xi32>,
          %mul3A_362 = arith.constant 4 : i32
          %mul3A_363 = vector.broadcast %mul3A_362 : i32 to vector<16xi32>
          %mul3A_364 = arith.muli %get3A_361, %mul3A_363 : vector<16xi32>
          %add3A_365 = arith.constant 0 : i32
          %add3A_366 = vector.broadcast %add3A_365 : i32 to vector<16xi32>
          %add3A_367 = arith.addi %shift_right_arithmetic3A_4, %add3A_366 : vector<16xi32>
          %reshape3A_368 = vector.shape_cast %add3A_367 : vector<16xi32> to vector<16x1xi32>
          %gather3A_369 = vector.shape_cast %reshape3A_368 : vector<16x1xi32> to vector<16xi32>
          %gather3A_370 = tpu.dynamic_gather %mul3A_364[%gather3A_369] in [0] : vector<16xi32>, vector<16xi32> -> vector<16xi32>
          %add3A_371 = arith.addi %gather3A_370, %and3A_2 : vector<16xi32>
          %reshape3A_372 = vector.shape_cast %add3A_367 : vector<16xi32> to vector<16x1xi32>
          %gather3A_373 = vector.shape_cast %reshape3A_372 : vector<16x1xi32> to vector<16xi32>
          %gather3A_374 = tpu.dynamic_gather %mul3A_147[%gather3A_373] in [0] : vector<16xi32>, vector<16xi32> -> vector<16xi32>
          %add3A_375 = arith.addi %gather3A_374, %and3A_2 : vector<16xi32>
          %gather3A_376 = tpu.vector_load_idx %arg10[%add3A_371] : memref<40000xf32, #tpu.memory_space<vmem>>[vector<16xi32>], vector<16xf32>,
          %gather3A_377 = tpu.vector_load_idx %arg11[%add3A_375] : memref<40000xf32, #tpu.memory_space<vmem>>[vector<16xi32>], vector<16xf32>,
          %min3A_378 = arith.minimumf %gather3A_377, %gather3A_376 : vector<16xf32>
          tpu.vector_store_idx %arg11[%add3A_375], %min3A_378 : memref<40000xf32, #tpu.memory_space<vmem>>[vector<16xi32>], vector<16xf32>,
          %add3A_379 = arith.constant 4 : i32
          %add3A_380 = vector.broadcast %add3A_379 : i32 to vector<16xi32>
          %add3A_381 = arith.addi %shift_right_arithmetic3A_4, %add3A_380 : vector<16xi32>
          %reshape3A_382 = vector.shape_cast %add3A_381 : vector<16xi32> to vector<16x1xi32>
          %gather3A_383 = vector.shape_cast %reshape3A_382 : vector<16x1xi32> to vector<16xi32>
          %gather3A_384 = tpu.dynamic_gather %mul3A_364[%gather3A_383] in [0] : vector<16xi32>, vector<16xi32> -> vector<16xi32>
          %add3A_385 = arith.addi %gather3A_384, %and3A_2 : vector<16xi32>
          %reshape3A_386 = vector.shape_cast %add3A_381 : vector<16xi32> to vector<16x1xi32>
          %gather3A_387 = vector.shape_cast %reshape3A_386 : vector<16x1xi32> to vector<16xi32>
          %gather3A_388 = tpu.dynamic_gather %mul3A_147[%gather3A_387] in [0] : vector<16xi32>, vector<16xi32> -> vector<16xi32>
          %add3A_389 = arith.addi %gather3A_388, %and3A_2 : vector<16xi32>
          %gather3A_390 = tpu.vector_load_idx %arg10[%add3A_385] : memref<40000xf32, #tpu.memory_space<vmem>>[vector<16xi32>], vector<16xf32>,
          %gather3A_391 = tpu.vector_load_idx %arg12[%add3A_389] : memref<40000xf32, #tpu.memory_space<vmem>>[vector<16xi32>], vector<16xf32>,
          %min3A_392 = arith.minimumf %gather3A_391, %gather3A_390 : vector<16xf32>
          tpu.vector_store_idx %arg12[%add3A_389], %min3A_392 : memref<40000xf32, #tpu.memory_space<vmem>>[vector<16xi32>], vector<16xf32>,
          %add3A_393 = arith.constant 8 : i32
          %add3A_394 = vector.broadcast %add3A_393 : i32 to vector<16xi32>
          %add3A_395 = arith.addi %shift_right_arithmetic3A_4, %add3A_394 : vector<16xi32>
          %reshape3A_396 = vector.shape_cast %add3A_395 : vector<16xi32> to vector<16x1xi32>
          %gather3A_397 = vector.shape_cast %reshape3A_396 : vector<16x1xi32> to vector<16xi32>
          %gather3A_398 = tpu.dynamic_gather %mul3A_364[%gather3A_397] in [0] : vector<16xi32>, vector<16xi32> -> vector<16xi32>
          %add3A_399 = arith.addi %gather3A_398, %and3A_2 : vector<16xi32>
          %reshape3A_400 = vector.shape_cast %add3A_395 : vector<16xi32> to vector<16x1xi32>
          %gather3A_401 = vector.shape_cast %reshape3A_400 : vector<16x1xi32> to vector<16xi32>
          %gather3A_402 = tpu.dynamic_gather %mul3A_147[%gather3A_401] in [0] : vector<16xi32>, vector<16xi32> -> vector<16xi32>
          %add3A_403 = arith.addi %gather3A_402, %and3A_2 : vector<16xi32>
          %gather3A_404 = tpu.vector_load_idx %arg10[%add3A_399] : memref<40000xf32, #tpu.memory_space<vmem>>[vector<16xi32>], vector<16xf32>,
          %gather3A_405 = tpu.vector_load_idx %arg11[%add3A_403] : memref<40000xf32, #tpu.memory_space<vmem>>[vector<16xi32>], vector<16xf32>,
          %min3A_406 = arith.minimumf %gather3A_405, %gather3A_404 : vector<16xf32>
          tpu.vector_store_idx %arg11[%add3A_403], %min3A_406 : memref<40000xf32, #tpu.memory_space<vmem>>[vector<16xi32>], vector<16xf32>,
          %add3A_407 = arith.constant 12 : i32
          %add3A_408 = vector.broadcast %add3A_407 : i32 to vector<16xi32>
          %add3A_409 = arith.addi %shift_right_arithmetic3A_4, %add3A_408 : vector<16xi32>
          %reshape3A_410 = vector.shape_cast %add3A_409 : vector<16xi32> to vector<16x1xi32>
          %gather3A_411 = vector.shape_cast %reshape3A_410 : vector<16x1xi32> to vector<16xi32>
          %gather3A_412 = tpu.dynamic_gather %mul3A_364[%gather3A_411] in [0] : vector<16xi32>, vector<16xi32> -> vector<16xi32>
          %add3A_413 = arith.addi %gather3A_412, %and3A_2 : vector<16xi32>
          %reshape3A_414 = vector.shape_cast %add3A_409 : vector<16xi32> to vector<16x1xi32>
          %gather3A_415 = vector.shape_cast %reshape3A_414 : vector<16x1xi32> to vector<16xi32>
          %gather3A_416 = tpu.dynamic_gather %mul3A_147[%gather3A_415] in [0] : vector<16xi32>, vector<16xi32> -> vector<16xi32>
          %add3A_417 = arith.addi %gather3A_416, %and3A_2 : vector<16xi32>
          %gather3A_418 = tpu.vector_load_idx %arg10[%add3A_413] : memref<40000xf32, #tpu.memory_space<vmem>>[vector<16xi32>], vector<16xf32>,
          %gather3A_419 = tpu.vector_load_idx %arg12[%add3A_417] : memref<40000xf32, #tpu.memory_space<vmem>>[vector<16xi32>], vector<16xf32>,
          %min3A_420 = arith.minimumf %gather3A_419, %gather3A_418 : vector<16xf32>
          tpu.vector_store_idx %arg12[%add3A_417], %min3A_420 : memref<40000xf32, #tpu.memory_space<vmem>>[vector<16xi32>], vector<16xf32>,
          %add3A_421 = arith.constant 3 : i32
          %add3A_422 = arith.addi %mul3A_121, %add3A_421 : i32
          %mul3A_423 = arith.constant 16 : i32
          %mul3A_424 = arith.muli %mul3A_423, %add3A_422 : i32
          %get3A_425 = arith.index_cast %mul3A_424 : i32 to index
          %get3A_426 = tpu.vector_load %arg7[%get3A_425] {strides = array<i32>} : memref<2000xi32, #tpu.memory_space<vmem>>, vector<16xi32>,
          %mul3A_427 = arith.constant 4 : i32
          %mul3A_428 = vector.broadcast %mul3A_427 : i32 to vector<16xi32>
          %mul3A_429 = arith.muli %get3A_426, %mul3A_428 : vector<16xi32>
          %add3A_430 = arith.constant 0 : i32
          %add3A_431 = vector.broadcast %add3A_430 : i32 to vector<16xi32>
          %add3A_432 = arith.addi %shift_right_arithmetic3A_4, %add3A_431 : vector<16xi32>
          %reshape3A_433 = vector.shape_cast %add3A_432 : vector<16xi32> to vector<16x1xi32>
          %gather3A_434 = vector.shape_cast %reshape3A_433 : vector<16x1xi32> to vector<16xi32>
          %gather3A_435 = tpu.dynamic_gather %mul3A_429[%gather3A_434] in [0] : vector<16xi32>, vector<16xi32> -> vector<16xi32>
          %add3A_436 = arith.addi %gather3A_435, %and3A_2 : vector<16xi32>
          %reshape3A_437 = vector.shape_cast %add3A_432 : vector<16xi32> to vector<16x1xi32>
          %gather3A_438 = vector.shape_cast %reshape3A_437 : vector<16x1xi32> to vector<16xi32>
          %gather3A_439 = tpu.dynamic_gather %mul3A_156[%gather3A_438] in [0] : vector<16xi32>, vector<16xi32> -> vector<16xi32>
          %add3A_440 = arith.addi %gather3A_439, %and3A_2 : vector<16xi32>
          %gather3A_441 = tpu.vector_load_idx %arg10[%add3A_436] : memref<40000xf32, #tpu.memory_space<vmem>>[vector<16xi32>], vector<16xf32>,
          %gather3A_442 = tpu.vector_load_idx %arg11[%add3A_440] : memref<40000xf32, #tpu.memory_space<vmem>>[vector<16xi32>], vector<16xf32>,
          %min3A_443 = arith.minimumf %gather3A_442, %gather3A_441 : vector<16xf32>
          tpu.vector_store_idx %arg11[%add3A_440], %min3A_443 : memref<40000xf32, #tpu.memory_space<vmem>>[vector<16xi32>], vector<16xf32>,
          %add3A_444 = arith.constant 4 : i32
          %add3A_445 = vector.broadcast %add3A_444 : i32 to vector<16xi32>
          %add3A_446 = arith.addi %shift_right_arithmetic3A_4, %add3A_445 : vector<16xi32>
          %reshape3A_447 = vector.shape_cast %add3A_446 : vector<16xi32> to vector<16x1xi32>
          %gather3A_448 = vector.shape_cast %reshape3A_447 : vector<16x1xi32> to vector<16xi32>
          %gather3A_449 = tpu.dynamic_gather %mul3A_429[%gather3A_448] in [0] : vector<16xi32>, vector<16xi32> -> vector<16xi32>
          %add3A_450 = arith.addi %gather3A_449, %and3A_2 : vector<16xi32>
          %reshape3A_451 = vector.shape_cast %add3A_446 : vector<16xi32> to vector<16x1xi32>
          %gather3A_452 = vector.shape_cast %reshape3A_451 : vector<16x1xi32> to vector<16xi32>
          %gather3A_453 = tpu.dynamic_gather %mul3A_156[%gather3A_452] in [0] : vector<16xi32>, vector<16xi32> -> vector<16xi32>
          %add3A_454 = arith.addi %gather3A_453, %and3A_2 : vector<16xi32>
          %gather3A_455 = tpu.vector_load_idx %arg10[%add3A_450] : memref<40000xf32, #tpu.memory_space<vmem>>[vector<16xi32>], vector<16xf32>,
          %gather3A_456 = tpu.vector_load_idx %arg12[%add3A_454] : memref<40000xf32, #tpu.memory_space<vmem>>[vector<16xi32>], vector<16xf32>,
          %min3A_457 = arith.minimumf %gather3A_456, %gather3A_455 : vector<16xf32>
          tpu.vector_store_idx %arg12[%add3A_454], %min3A_457 : memref<40000xf32, #tpu.memory_space<vmem>>[vector<16xi32>], vector<16xf32>,
          %add3A_458 = arith.constant 8 : i32
          %add3A_459 = vector.broadcast %add3A_458 : i32 to vector<16xi32>
          %add3A_460 = arith.addi %shift_right_arithmetic3A_4, %add3A_459 : vector<16xi32>
          %reshape3A_461 = vector.shape_cast %add3A_460 : vector<16xi32> to vector<16x1xi32>
          %gather3A_462 = vector.shape_cast %reshape3A_461 : vector<16x1xi32> to vector<16xi32>
          %gather3A_463 = tpu.dynamic_gather %mul3A_429[%gather3A_462] in [0] : vector<16xi32>, vector<16xi32> -> vector<16xi32>
          %add3A_464 = arith.addi %gather3A_463, %and3A_2 : vector<16xi32>
          %reshape3A_465 = vector.shape_cast %add3A_460 : vector<16xi32> to vector<16x1xi32>
          %gather3A_466 = vector.shape_cast %reshape3A_465 : vector<16x1xi32> to vector<16xi32>
          %gather3A_467 = tpu.dynamic_gather %mul3A_156[%gather3A_466] in [0] : vector<16xi32>, vector<16xi32> -> vector<16xi32>
          %add3A_468 = arith.addi %gather3A_467, %and3A_2 : vector<16xi32>
          %gather3A_469 = tpu.vector_load_idx %arg10[%add3A_464] : memref<40000xf32, #tpu.memory_space<vmem>>[vector<16xi32>], vector<16xf32>,
          %gather3A_470 = tpu.vector_load_idx %arg11[%add3A_468] : memref<40000xf32, #tpu.memory_space<vmem>>[vector<16xi32>], vector<16xf32>,
          %min3A_471 = arith.minimumf %gather3A_470, %gather3A_469 : vector<16xf32>
          tpu.vector_store_idx %arg11[%add3A_468], %min3A_471 : memref<40000xf32, #tpu.memory_space<vmem>>[vector<16xi32>], vector<16xf32>,
          %add3A_472 = arith.constant 12 : i32
          %add3A_473 = vector.broadcast %add3A_472 : i32 to vector<16xi32>
          %add3A_474 = arith.addi %shift_right_arithmetic3A_4, %add3A_473 : vector<16xi32>
          %reshape3A_475 = vector.shape_cast %add3A_474 : vector<16xi32> to vector<16x1xi32>
          %gather3A_476 = vector.shape_cast %reshape3A_475 : vector<16x1xi32> to vector<16xi32>
          %gather3A_477 = tpu.dynamic_gather %mul3A_429[%gather3A_476] in [0] : vector<16xi32>, vector<16xi32> -> vector<16xi32>
          %add3A_478 = arith.addi %gather3A_477, %and3A_2 : vector<16xi32>
          %reshape3A_479 = vector.shape_cast %add3A_474 : vector<16xi32> to vector<16x1xi32>
          %gather3A_480 = vector.shape_cast %reshape3A_479 : vector<16x1xi32> to vector<16xi32>
          %gather3A_481 = tpu.dynamic_gather %mul3A_156[%gather3A_480] in [0] : vector<16xi32>, vector<16xi32> -> vector<16xi32>
          %add3A_482 = arith.addi %gather3A_481, %and3A_2 : vector<16xi32>
          %gather3A_483 = tpu.vector_load_idx %arg10[%add3A_478] : memref<40000xf32, #tpu.memory_space<vmem>>[vector<16xi32>], vector<16xf32>,
          %gather3A_484 = tpu.vector_load_idx %arg12[%add3A_482] : memref<40000xf32, #tpu.memory_space<vmem>>[vector<16xi32>], vector<16xf32>,
          %min3A_485 = arith.minimumf %gather3A_484, %gather3A_483 : vector<16xf32>
          tpu.vector_store_idx %arg12[%add3A_482], %min3A_485 : memref<40000xf32, #tpu.memory_space<vmem>>[vector<16xi32>], vector<16xf32>,
          %add3A_486 = arith.constant 4 : i32
          %add3A_487 = arith.addi %mul3A_121, %add3A_486 : i32
          %mul3A_488 = arith.constant 16 : i32
          %mul3A_489 = arith.muli %mul3A_488, %add3A_487 : i32
          %get3A_490 = arith.index_cast %mul3A_489 : i32 to index
          %get3A_491 = tpu.vector_load %arg7[%get3A_490] {strides = array<i32>} : memref<2000xi32, #tpu.memory_space<vmem>>, vector<16xi32>,
          %mul3A_492 = arith.constant 4 : i32
          %mul3A_493 = vector.broadcast %mul3A_492 : i32 to vector<16xi32>
          %mul3A_494 = arith.muli %get3A_491, %mul3A_493 : vector<16xi32>
          %add3A_495 = arith.constant 0 : i32
          %add3A_496 = vector.broadcast %add3A_495 : i32 to vector<16xi32>
          %add3A_497 = arith.addi %shift_right_arithmetic3A_4, %add3A_496 : vector<16xi32>
          %reshape3A_498 = vector.shape_cast %add3A_497 : vector<16xi32> to vector<16x1xi32>
          %gather3A_499 = vector.shape_cast %reshape3A_498 : vector<16x1xi32> to vector<16xi32>
          %gather3A_500 = tpu.dynamic_gather %mul3A_494[%gather3A_499] in [0] : vector<16xi32>, vector<16xi32> -> vector<16xi32>
          %add3A_501 = arith.addi %gather3A_500, %and3A_2 : vector<16xi32>
          %reshape3A_502 = vector.shape_cast %add3A_497 : vector<16xi32> to vector<16x1xi32>
          %gather3A_503 = vector.shape_cast %reshape3A_502 : vector<16x1xi32> to vector<16xi32>
          %gather3A_504 = tpu.dynamic_gather %mul3A_165[%gather3A_503] in [0] : vector<16xi32>, vector<16xi32> -> vector<16xi32>
          %add3A_505 = arith.addi %gather3A_504, %and3A_2 : vector<16xi32>
          %gather3A_506 = tpu.vector_load_idx %arg10[%add3A_501] : memref<40000xf32, #tpu.memory_space<vmem>>[vector<16xi32>], vector<16xf32>,
          %gather3A_507 = tpu.vector_load_idx %arg11[%add3A_505] : memref<40000xf32, #tpu.memory_space<vmem>>[vector<16xi32>], vector<16xf32>,
          %min3A_508 = arith.minimumf %gather3A_507, %gather3A_506 : vector<16xf32>
          tpu.vector_store_idx %arg11[%add3A_505], %min3A_508 : memref<40000xf32, #tpu.memory_space<vmem>>[vector<16xi32>], vector<16xf32>,
          %add3A_509 = arith.constant 4 : i32
          %add3A_510 = vector.broadcast %add3A_509 : i32 to vector<16xi32>
          %add3A_511 = arith.addi %shift_right_arithmetic3A_4, %add3A_510 : vector<16xi32>
          %reshape3A_512 = vector.shape_cast %add3A_511 : vector<16xi32> to vector<16x1xi32>
          %gather3A_513 = vector.shape_cast %reshape3A_512 : vector<16x1xi32> to vector<16xi32>
          %gather3A_514 = tpu.dynamic_gather %mul3A_494[%gather3A_513] in [0] : vector<16xi32>, vector<16xi32> -> vector<16xi32>
          %add3A_515 = arith.addi %gather3A_514, %and3A_2 : vector<16xi32>
          %reshape3A_516 = vector.shape_cast %add3A_511 : vector<16xi32> to vector<16x1xi32>
          %gather3A_517 = vector.shape_cast %reshape3A_516 : vector<16x1xi32> to vector<16xi32>
          %gather3A_518 = tpu.dynamic_gather %mul3A_165[%gather3A_517] in [0] : vector<16xi32>, vector<16xi32> -> vector<16xi32>
          %add3A_519 = arith.addi %gather3A_518, %and3A_2 : vector<16xi32>
          %gather3A_520 = tpu.vector_load_idx %arg10[%add3A_515] : memref<40000xf32, #tpu.memory_space<vmem>>[vector<16xi32>], vector<16xf32>,
          %gather3A_521 = tpu.vector_load_idx %arg12[%add3A_519] : memref<40000xf32, #tpu.memory_space<vmem>>[vector<16xi32>], vector<16xf32>,
          %min3A_522 = arith.minimumf %gather3A_521, %gather3A_520 : vector<16xf32>
          tpu.vector_store_idx %arg12[%add3A_519], %min3A_522 : memref<40000xf32, #tpu.memory_space<vmem>>[vector<16xi32>], vector<16xf32>,
          %add3A_523 = arith.constant 8 : i32
          %add3A_524 = vector.broadcast %add3A_523 : i32 to vector<16xi32>
          %add3A_525 = arith.addi %shift_right_arithmetic3A_4, %add3A_524 : vector<16xi32>
          %reshape3A_526 = vector.shape_cast %add3A_525 : vector<16xi32> to vector<16x1xi32>
          %gather3A_527 = vector.shape_cast %reshape3A_526 : vector<16x1xi32> to vector<16xi32>
          %gather3A_528 = tpu.dynamic_gather %mul3A_494[%gather3A_527] in [0] : vector<16xi32>, vector<16xi32> -> vector<16xi32>
          %add3A_529 = arith.addi %gather3A_528, %and3A_2 : vector<16xi32>
          %reshape3A_530 = vector.shape_cast %add3A_525 : vector<16xi32> to vector<16x1xi32>
          %gather3A_531 = vector.shape_cast %reshape3A_530 : vector<16x1xi32> to vector<16xi32>
          %gather3A_532 = tpu.dynamic_gather %mul3A_165[%gather3A_531] in [0] : vector<16xi32>, vector<16xi32> -> vector<16xi32>
          %add3A_533 = arith.addi %gather3A_532, %and3A_2 : vector<16xi32>
          %gather3A_534 = tpu.vector_load_idx %arg10[%add3A_529] : memref<40000xf32, #tpu.memory_space<vmem>>[vector<16xi32>], vector<16xf32>,
          %gather3A_535 = tpu.vector_load_idx %arg11[%add3A_533] : memref<40000xf32, #tpu.memory_space<vmem>>[vector<16xi32>], vector<16xf32>,
          %min3A_536 = arith.minimumf %gather3A_535, %gather3A_534 : vector<16xf32>
          tpu.vector_store_idx %arg11[%add3A_533], %min3A_536 : memref<40000xf32, #tpu.memory_space<vmem>>[vector<16xi32>], vector<16xf32>,
          %add3A_537 = arith.constant 12 : i32
          %add3A_538 = vector.broadcast %add3A_537 : i32 to vector<16xi32>
          %add3A_539 = arith.addi %shift_right_arithmetic3A_4, %add3A_538 : vector<16xi32>
          %reshape3A_540 = vector.shape_cast %add3A_539 : vector<16xi32> to vector<16x1xi32>
          %gather3A_541 = vector.shape_cast %reshape3A_540 : vector<16x1xi32> to vector<16xi32>
          %gather3A_542 = tpu.dynamic_gather %mul3A_494[%gather3A_541] in [0] : vector<16xi32>, vector<16xi32> -> vector<16xi32>
          %add3A_543 = arith.addi %gather3A_542, %and3A_2 : vector<16xi32>
          %reshape3A_544 = vector.shape_cast %add3A_539 : vector<16xi32> to vector<16x1xi32>
          %gather3A_545 = vector.shape_cast %reshape3A_544 : vector<16x1xi32> to vector<16xi32>
          %gather3A_546 = tpu.dynamic_gather %mul3A_165[%gather3A_545] in [0] : vector<16xi32>, vector<16xi32> -> vector<16xi32>
          %add3A_547 = arith.addi %gather3A_546, %and3A_2 : vector<16xi32>
          %gather3A_548 = tpu.vector_load_idx %arg10[%add3A_543] : memref<40000xf32, #tpu.memory_space<vmem>>[vector<16xi32>], vector<16xf32>,
          %gather3A_549 = tpu.vector_load_idx %arg12[%add3A_547] : memref<40000xf32, #tpu.memory_space<vmem>>[vector<16xi32>], vector<16xf32>,
          %min3A_550 = arith.minimumf %gather3A_549, %gather3A_548 : vector<16xf32>
          tpu.vector_store_idx %arg12[%add3A_547], %min3A_550 : memref<40000xf32, #tpu.memory_space<vmem>>[vector<16xi32>], vector<16xf32>,
        } else {
        }
        %convert_element_type3A_223 = arith.extui %reduce_or3A_220 : i1 to i32
        %cond3A_224 = arith.constant 0 : i32
        %cond3A_225 = arith.cmpi ne, %convert_element_type3A_223, %cond3A_224 : i32
        scf.if %cond3A_225 {
          %scan3A_226 = arith.constant 0 : i32
          %scan3A_227 = arith.constant 0 : i32
          %scan3A_228 = arith.constant 5 : i32
          %scan3A_229 = arith.addi %scan3A_227, %scan3A_228 : i32
          %scan3A_230 = arith.constant 1 : i32
          scf.for %scan3A_232 = %scan3A_227 to %scan3A_229 step %scan3A_230  : i32 {
            %add3A_233 = arith.addi %mul3A_121, %scan3A_232 : i32
            %mul3A_234 = arith.constant 16 : i32
            %mul3A_235 = arith.muli %mul3A_234, %add3A_233 : i32
            %get3A_236 = arith.index_cast %mul3A_235 : i32 to index
            %get3A_237 = tpu.vector_load %arg7[%get3A_236] {strides = array<i32>} : memref<2000xi32, #tpu.memory_space<vmem>>, vector<16xi32>,
            %mul3A_238 = arith.constant 4 : i32
            %mul3A_239 = vector.broadcast %mul3A_238 : i32 to vector<16xi32>
            %mul3A_240 = arith.muli %get3A_237, %mul3A_239 : vector<16xi32>
            %add3A_241 = arith.addi %mul3A_121, %scan3A_232 : i32
            %mul3A_242 = arith.constant 16 : i32
            %mul3A_243 = arith.muli %mul3A_242, %add3A_241 : i32
            %get3A_244 = arith.index_cast %mul3A_243 : i32 to index
            %get3A_245 = tpu.vector_load %arg9[%get3A_244] {strides = array<i32>} : memref<2000xi32, #tpu.memory_space<vmem>>, vector<16xi32>,
            %mul3A_246 = arith.constant 4 : i32
            %mul3A_247 = vector.broadcast %mul3A_246 : i32 to vector<16xi32>
            %mul3A_248 = arith.muli %get3A_245, %mul3A_247 : vector<16xi32>
            %broadcast_in_dim3A_249 = arith.constant 0 : i32
            %broadcast_in_dim3A_250 = vector.broadcast %broadcast_in_dim3A_249 : i32 to vector<16xi32>
            %reshape3A_251 = vector.shape_cast %broadcast_in_dim3A_250 : vector<16xi32> to vector<16x1xi32>
            %gather3A_252 = vector.shape_cast %reshape3A_251 : vector<16x1xi32> to vector<16xi32>
            %gather3A_253 = tpu.dynamic_gather %mul3A_240[%gather3A_252] in [0] : vector<16xi32>, vector<16xi32> -> vector<16xi32>
            %add3A_254 = arith.addi %gather3A_253, %and3A_2 : vector<16xi32>
            %reshape3A_255 = vector.shape_cast %broadcast_in_dim3A_250 : vector<16xi32> to vector<16x1xi32>
            %gather3A_256 = vector.shape_cast %reshape3A_255 : vector<16x1xi32> to vector<16xi32>
            %gather3A_257 = tpu.dynamic_gather %mul3A_248[%gather3A_256] in [0] : vector<16xi32>, vector<16xi32> -> vector<16xi32>
            %add3A_258 = arith.addi %gather3A_257, %and3A_2 : vector<16xi32>
            %gather3A_259 = tpu.vector_load_idx %arg10[%add3A_254] : memref<40000xf32, #tpu.memory_space<vmem>>[vector<16xi32>], vector<16xf32>,
            %gather3A_260 = tpu.vector_load_idx %arg11[%add3A_258] : memref<40000xf32, #tpu.memory_space<vmem>>[vector<16xi32>], vector<16xf32>,
            %min3A_261 = arith.minimumf %gather3A_260, %gather3A_259 : vector<16xf32>
            tpu.vector_store_idx %arg11[%add3A_258], %min3A_261 : memref<40000xf32, #tpu.memory_space<vmem>>[vector<16xi32>], vector<16xf32>,
            %broadcast_in_dim3A_262 = arith.constant 1 : i32
            %broadcast_in_dim3A_263 = vector.broadcast %broadcast_in_dim3A_262 : i32 to vector<16xi32>
            %reshape3A_264 = vector.shape_cast %broadcast_in_dim3A_263 : vector<16xi32> to vector<16x1xi32>
            %gather3A_265 = vector.shape_cast %reshape3A_264 : vector<16x1xi32> to vector<16xi32>
            %gather3A_266 = tpu.dynamic_gather %mul3A_240[%gather3A_265] in [0] : vector<16xi32>, vector<16xi32> -> vector<16xi32>
            %add3A_267 = arith.addi %gather3A_266, %and3A_2 : vector<16xi32>
            %reshape3A_268 = vector.shape_cast %broadcast_in_dim3A_263 : vector<16xi32> to vector<16x1xi32>
            %gather3A_269 = vector.shape_cast %reshape3A_268 : vector<16x1xi32> to vector<16xi32>
            %gather3A_270 = tpu.dynamic_gather %mul3A_248[%gather3A_269] in [0] : vector<16xi32>, vector<16xi32> -> vector<16xi32>
            %add3A_271 = arith.addi %gather3A_270, %and3A_2 : vector<16xi32>
            %gather3A_272 = tpu.vector_load_idx %arg10[%add3A_267] : memref<40000xf32, #tpu.memory_space<vmem>>[vector<16xi32>], vector<16xf32>,
            %gather3A_273 = tpu.vector_load_idx %arg12[%add3A_271] : memref<40000xf32, #tpu.memory_space<vmem>>[vector<16xi32>], vector<16xf32>,
            %min3A_274 = arith.minimumf %gather3A_273, %gather3A_272 : vector<16xf32>
            tpu.vector_store_idx %arg12[%add3A_271], %min3A_274 : memref<40000xf32, #tpu.memory_space<vmem>>[vector<16xi32>], vector<16xf32>,
            %broadcast_in_dim3A_275 = arith.constant 2 : i32
            %broadcast_in_dim3A_276 = vector.broadcast %broadcast_in_dim3A_275 : i32 to vector<16xi32>
            %reshape3A_277 = vector.shape_cast %broadcast_in_dim3A_276 : vector<16xi32> to vector<16x1xi32>
            %gather3A_278 = vector.shape_cast %reshape3A_277 : vector<16x1xi32> to vector<16xi32>
            %gather3A_279 = tpu.dynamic_gather %mul3A_240[%gather3A_278] in [0] : vector<16xi32>, vector<16xi32> -> vector<16xi32>
            %add3A_280 = arith.addi %gather3A_279, %and3A_2 : vector<16xi32>
            %reshape3A_281 = vector.shape_cast %broadcast_in_dim3A_276 : vector<16xi32> to vector<16x1xi32>
            %gather3A_282 = vector.shape_cast %reshape3A_281 : vector<16x1xi32> to vector<16xi32>
            %gather3A_283 = tpu.dynamic_gather %mul3A_248[%gather3A_282] in [0] : vector<16xi32>, vector<16xi32> -> vector<16xi32>
            %add3A_284 = arith.addi %gather3A_283, %and3A_2 : vector<16xi32>
            %gather3A_285 = tpu.vector_load_idx %arg10[%add3A_280] : memref<40000xf32, #tpu.memory_space<vmem>>[vector<16xi32>], vector<16xf32>,
            %gather3A_286 = tpu.vector_load_idx %arg11[%add3A_284] : memref<40000xf32, #tpu.memory_space<vmem>>[vector<16xi32>], vector<16xf32>,
            %min3A_287 = arith.minimumf %gather3A_286, %gather3A_285 : vector<16xf32>
            tpu.vector_store_idx %arg11[%add3A_284], %min3A_287 : memref<40000xf32, #tpu.memory_space<vmem>>[vector<16xi32>], vector<16xf32>,
            %broadcast_in_dim3A_288 = arith.constant 3 : i32
            %broadcast_in_dim3A_289 = vector.broadcast %broadcast_in_dim3A_288 : i32 to vector<16xi32>
            %reshape3A_290 = vector.shape_cast %broadcast_in_dim3A_289 : vector<16xi32> to vector<16x1xi32>
            %gather3A_291 = vector.shape_cast %reshape3A_290 : vector<16x1xi32> to vector<16xi32>
            %gather3A_292 = tpu.dynamic_gather %mul3A_240[%gather3A_291] in [0] : vector<16xi32>, vector<16xi32> -> vector<16xi32>
            %add3A_293 = arith.addi %gather3A_292, %and3A_2 : vector<16xi32>
            %reshape3A_294 = vector.shape_cast %broadcast_in_dim3A_289 : vector<16xi32> to vector<16x1xi32>
            %gather3A_295 = vector.shape_cast %reshape3A_294 : vector<16x1xi32> to vector<16xi32>
            %gather3A_296 = tpu.dynamic_gather %mul3A_248[%gather3A_295] in [0] : vector<16xi32>, vector<16xi32> -> vector<16xi32>
            %add3A_297 = arith.addi %gather3A_296, %and3A_2 : vector<16xi32>
            %gather3A_298 = tpu.vector_load_idx %arg10[%add3A_293] : memref<40000xf32, #tpu.memory_space<vmem>>[vector<16xi32>], vector<16xf32>,
            %gather3A_299 = tpu.vector_load_idx %arg12[%add3A_297] : memref<40000xf32, #tpu.memory_space<vmem>>[vector<16xi32>], vector<16xf32>,
            %min3A_300 = arith.minimumf %gather3A_299, %gather3A_298 : vector<16xf32>
            tpu.vector_store_idx %arg12[%add3A_297], %min3A_300 : memref<40000xf32, #tpu.memory_space<vmem>>[vector<16xi32>], vector<16xf32>,
            %broadcast_in_dim3A_301 = arith.constant 4 : i32
            %broadcast_in_dim3A_302 = vector.broadcast %broadcast_in_dim3A_301 : i32 to vector<16xi32>
            %reshape3A_303 = vector.shape_cast %broadcast_in_dim3A_302 : vector<16xi32> to vector<16x1xi32>
            %gather3A_304 = vector.shape_cast %reshape3A_303 : vector<16x1xi32> to vector<16xi32>
            %gather3A_305 = tpu.dynamic_gather %mul3A_240[%gather3A_304] in [0] : vector<16xi32>, vector<16xi32> -> vector<16xi32>
            %add3A_306 = arith.addi %gather3A_305, %and3A_2 : vector<16xi32>
            %reshape3A_307 = vector.shape_cast %broadcast_in_dim3A_302 : vector<16xi32> to vector<16x1xi32>
            %gather3A_308 = vector.shape_cast %reshape3A_307 : vector<16x1xi32> to vector<16xi32>
            %gather3A_309 = tpu.dynamic_gather %mul3A_248[%gather3A_308] in [0] : vector<16xi32>, vector<16xi32> -> vector<16xi32>
            %add3A_310 = arith.addi %gather3A_309, %and3A_2 : vector<16xi32>
            %gather3A_311 = tpu.vector_load_idx %arg10[%add3A_306] : memref<40000xf32, #tpu.memory_space<vmem>>[vector<16xi32>], vector<16xf32>,
            %gather3A_312 = tpu.vector_load_idx %arg11[%add3A_310] : memref<40000xf32, #tpu.memory_space<vmem>>[vector<16xi32>], vector<16xf32>,
            %min3A_313 = arith.minimumf %gather3A_312, %gather3A_311 : vector<16xf32>
            tpu.vector_store_idx %arg11[%add3A_310], %min3A_313 : memref<40000xf32, #tpu.memory_space<vmem>>[vector<16xi32>], vector<16xf32>,
            %broadcast_in_dim3A_314 = arith.constant 5 : i32
            %broadcast_in_dim3A_315 = vector.broadcast %broadcast_in_dim3A_314 : i32 to vector<16xi32>
            %reshape3A_316 = vector.shape_cast %broadcast_in_dim3A_315 : vector<16xi32> to vector<16x1xi32>
            %gather3A_317 = vector.shape_cast %reshape3A_316 : vector<16x1xi32> to vector<16xi32>
            %gather3A_318 = tpu.dynamic_gather %mul3A_240[%gather3A_317] in [0] : vector<16xi32>, vector<16xi32> -> vector<16xi32>
            %add3A_319 = arith.addi %gather3A_318, %and3A_2 : vector<16xi32>
            %reshape3A_320 = vector.shape_cast %broadcast_in_dim3A_315 : vector<16xi32> to vector<16x1xi32>
            %gather3A_321 = vector.shape_cast %reshape3A_320 : vector<16x1xi32> to vector<16xi32>
            %gather3A_322 = tpu.dynamic_gather %mul3A_248[%gather3A_321] in [0] : vector<16xi32>, vector<16xi32> -> vector<16xi32>
            %add3A_323 = arith.addi %gather3A_322, %and3A_2 : vector<16xi32>
            %gather3A_324 = tpu.vector_load_idx %arg10[%add3A_319] : memref<40000xf32, #tpu.memory_space<vmem>>[vector<16xi32>], vector<16xf32>,
            %gather3A_325 = tpu.vector_load_idx %arg12[%add3A_323] : memref<40000xf32, #tpu.memory_space<vmem>>[vector<16xi32>], vector<16xf32>,
            %min3A_326 = arith.minimumf %gather3A_325, %gather3A_324 : vector<16xf32>
            tpu.vector_store_idx %arg12[%add3A_323], %min3A_326 : memref<40000xf32, #tpu.memory_space<vmem>>[vector<16xi32>], vector<16xf32>,
            %broadcast_in_dim3A_327 = arith.constant 6 : i32
            %broadcast_in_dim3A_328 = vector.broadcast %broadcast_in_dim3A_327 : i32 to vector<16xi32>
            %reshape3A_329 = vector.shape_cast %broadcast_in_dim3A_328 : vector<16xi32> to vector<16x1xi32>
            %gather3A_330 = vector.shape_cast %reshape3A_329 : vector<16x1xi32> to vector<16xi32>
            %gather3A_331 = tpu.dynamic_gather %mul3A_240[%gather3A_330] in [0] : vector<16xi32>, vector<16xi32> -> vector<16xi32>
            %add3A_332 = arith.addi %gather3A_331, %and3A_2 : vector<16xi32>
            %reshape3A_333 = vector.shape_cast %broadcast_in_dim3A_328 : vector<16xi32> to vector<16x1xi32>
            %gather3A_334 = vector.shape_cast %reshape3A_333 : vector<16x1xi32> to vector<16xi32>
            %gather3A_335 = tpu.dynamic_gather %mul3A_248[%gather3A_334] in [0] : vector<16xi32>, vector<16xi32> -> vector<16xi32>
            %add3A_336 = arith.addi %gather3A_335, %and3A_2 : vector<16xi32>
            %gather3A_337 = tpu.vector_load_idx %arg10[%add3A_332] : memref<40000xf32, #tpu.memory_space<vmem>>[vector<16xi32>], vector<16xf32>,
            %gather3A_338 = tpu.vector_load_idx %arg11[%add3A_336] : memref<40000xf32, #tpu.memory_space<vmem>>[vector<16xi32>], vector<16xf32>,
            %min3A_339 = arith.minimumf %gather3A_338, %gather3A_337 : vector<16xf32>
            tpu.vector_store_idx %arg11[%add3A_336], %min3A_339 : memref<40000xf32, #tpu.memory_space<vmem>>[vector<16xi32>], vector<16xf32>,
            %broadcast_in_dim3A_340 = arith.constant 7 : i32
            %broadcast_in_dim3A_341 = vector.broadcast %broadcast_in_dim3A_340 : i32 to vector<16xi32>
            %reshape3A_342 = vector.shape_cast %broadcast_in_dim3A_341 : vector<16xi32> to vector<16x1xi32>
            %gather3A_343 = vector.shape_cast %reshape3A_342 : vector<16x1xi32> to vector<16xi32>
            %gather3A_344 = tpu.dynamic_gather %mul3A_240[%gather3A_343] in [0] : vector<16xi32>, vector<16xi32> -> vector<16xi32>
            %add3A_345 = arith.addi %gather3A_344, %and3A_2 : vector<16xi32>
            %reshape3A_346 = vector.shape_cast %broadcast_in_dim3A_341 : vector<16xi32> to vector<16x1xi32>
            %gather3A_347 = vector.shape_cast %reshape3A_346 : vector<16x1xi32> to vector<16xi32>
            %gather3A_348 = tpu.dynamic_gather %mul3A_248[%gather3A_347] in [0] : vector<16xi32>, vector<16xi32> -> vector<16xi32>
            %add3A_349 = arith.addi %gather3A_348, %and3A_2 : vector<16xi32>
            %gather3A_350 = tpu.vector_load_idx %arg10[%add3A_345] : memref<40000xf32, #tpu.memory_space<vmem>>[vector<16xi32>], vector<16xf32>,
            %gather3A_351 = tpu.vector_load_idx %arg12[%add3A_349] : memref<40000xf32, #tpu.memory_space<vmem>>[vector<16xi32>], vector<16xf32>,
            %min3A_352 = arith.minimumf %gather3A_351, %gather3A_350 : vector<16xf32>
            tpu.vector_store_idx %arg12[%add3A_349], %min3A_352 : memref<40000xf32, #tpu.memory_space<vmem>>[vector<16xi32>], vector<16xf32>,
            %broadcast_in_dim3A_353 = arith.constant 8 : i32
            %broadcast_in_dim3A_354 = vector.broadcast %broadcast_in_dim3A_353 : i32 to vector<16xi32>
            %reshape3A_355 = vector.shape_cast %broadcast_in_dim3A_354 : vector<16xi32> to vector<16x1xi32>
            %gather3A_356 = vector.shape_cast %reshape3A_355 : vector<16x1xi32> to vector<16xi32>
            %gather3A_357 = tpu.dynamic_gather %mul3A_240[%gather3A_356] in [0] : vector<16xi32>, vector<16xi32> -> vector<16xi32>
            %add3A_358 = arith.addi %gather3A_357, %and3A_2 : vector<16xi32>
            %reshape3A_359 = vector.shape_cast %broadcast_in_dim3A_354 : vector<16xi32> to vector<16x1xi32>
            %gather3A_360 = vector.shape_cast %reshape3A_359 : vector<16x1xi32> to vector<16xi32>
            %gather3A_361 = tpu.dynamic_gather %mul3A_248[%gather3A_360] in [0] : vector<16xi32>, vector<16xi32> -> vector<16xi32>
            %add3A_362 = arith.addi %gather3A_361, %and3A_2 : vector<16xi32>
            %gather3A_363 = tpu.vector_load_idx %arg10[%add3A_358] : memref<40000xf32, #tpu.memory_space<vmem>>[vector<16xi32>], vector<16xf32>,
            %gather3A_364 = tpu.vector_load_idx %arg11[%add3A_362] : memref<40000xf32, #tpu.memory_space<vmem>>[vector<16xi32>], vector<16xf32>,
            %min3A_365 = arith.minimumf %gather3A_364, %gather3A_363 : vector<16xf32>
            tpu.vector_store_idx %arg11[%add3A_362], %min3A_365 : memref<40000xf32, #tpu.memory_space<vmem>>[vector<16xi32>], vector<16xf32>,
            %broadcast_in_dim3A_366 = arith.constant 9 : i32
            %broadcast_in_dim3A_367 = vector.broadcast %broadcast_in_dim3A_366 : i32 to vector<16xi32>
            %reshape3A_368 = vector.shape_cast %broadcast_in_dim3A_367 : vector<16xi32> to vector<16x1xi32>
            %gather3A_369 = vector.shape_cast %reshape3A_368 : vector<16x1xi32> to vector<16xi32>
            %gather3A_370 = tpu.dynamic_gather %mul3A_240[%gather3A_369] in [0] : vector<16xi32>, vector<16xi32> -> vector<16xi32>
            %add3A_371 = arith.addi %gather3A_370, %and3A_2 : vector<16xi32>
            %reshape3A_372 = vector.shape_cast %broadcast_in_dim3A_367 : vector<16xi32> to vector<16x1xi32>
            %gather3A_373 = vector.shape_cast %reshape3A_372 : vector<16x1xi32> to vector<16xi32>
            %gather3A_374 = tpu.dynamic_gather %mul3A_248[%gather3A_373] in [0] : vector<16xi32>, vector<16xi32> -> vector<16xi32>
            %add3A_375 = arith.addi %gather3A_374, %and3A_2 : vector<16xi32>
            %gather3A_376 = tpu.vector_load_idx %arg10[%add3A_371] : memref<40000xf32, #tpu.memory_space<vmem>>[vector<16xi32>], vector<16xf32>,
            %gather3A_377 = tpu.vector_load_idx %arg12[%add3A_375] : memref<40000xf32, #tpu.memory_space<vmem>>[vector<16xi32>], vector<16xf32>,
            %min3A_378 = arith.minimumf %gather3A_377, %gather3A_376 : vector<16xf32>
            tpu.vector_store_idx %arg12[%add3A_375], %min3A_378 : memref<40000xf32, #tpu.memory_space<vmem>>[vector<16xi32>], vector<16xf32>,
            %broadcast_in_dim3A_379 = arith.constant 10 : i32
            %broadcast_in_dim3A_380 = vector.broadcast %broadcast_in_dim3A_379 : i32 to vector<16xi32>
            %reshape3A_381 = vector.shape_cast %broadcast_in_dim3A_380 : vector<16xi32> to vector<16x1xi32>
            %gather3A_382 = vector.shape_cast %reshape3A_381 : vector<16x1xi32> to vector<16xi32>
            %gather3A_383 = tpu.dynamic_gather %mul3A_240[%gather3A_382] in [0] : vector<16xi32>, vector<16xi32> -> vector<16xi32>
            %add3A_384 = arith.addi %gather3A_383, %and3A_2 : vector<16xi32>
            %reshape3A_385 = vector.shape_cast %broadcast_in_dim3A_380 : vector<16xi32> to vector<16x1xi32>
            %gather3A_386 = vector.shape_cast %reshape3A_385 : vector<16x1xi32> to vector<16xi32>
            %gather3A_387 = tpu.dynamic_gather %mul3A_248[%gather3A_386] in [0] : vector<16xi32>, vector<16xi32> -> vector<16xi32>
            %add3A_388 = arith.addi %gather3A_387, %and3A_2 : vector<16xi32>
            %gather3A_389 = tpu.vector_load_idx %arg10[%add3A_384] : memref<40000xf32, #tpu.memory_space<vmem>>[vector<16xi32>], vector<16xf32>,
            %gather3A_390 = tpu.vector_load_idx %arg11[%add3A_388] : memref<40000xf32, #tpu.memory_space<vmem>>[vector<16xi32>], vector<16xf32>,
            %min3A_391 = arith.minimumf %gather3A_390, %gather3A_389 : vector<16xf32>
            tpu.vector_store_idx %arg11[%add3A_388], %min3A_391 : memref<40000xf32, #tpu.memory_space<vmem>>[vector<16xi32>], vector<16xf32>,
            %broadcast_in_dim3A_392 = arith.constant 11 : i32
            %broadcast_in_dim3A_393 = vector.broadcast %broadcast_in_dim3A_392 : i32 to vector<16xi32>
            %reshape3A_394 = vector.shape_cast %broadcast_in_dim3A_393 : vector<16xi32> to vector<16x1xi32>
            %gather3A_395 = vector.shape_cast %reshape3A_394 : vector<16x1xi32> to vector<16xi32>
            %gather3A_396 = tpu.dynamic_gather %mul3A_240[%gather3A_395] in [0] : vector<16xi32>, vector<16xi32> -> vector<16xi32>
            %add3A_397 = arith.addi %gather3A_396, %and3A_2 : vector<16xi32>
            %reshape3A_398 = vector.shape_cast %broadcast_in_dim3A_393 : vector<16xi32> to vector<16x1xi32>
            %gather3A_399 = vector.shape_cast %reshape3A_398 : vector<16x1xi32> to vector<16xi32>
            %gather3A_400 = tpu.dynamic_gather %mul3A_248[%gather3A_399] in [0] : vector<16xi32>, vector<16xi32> -> vector<16xi32>
            %add3A_401 = arith.addi %gather3A_400, %and3A_2 : vector<16xi32>
            %gather3A_402 = tpu.vector_load_idx %arg10[%add3A_397] : memref<40000xf32, #tpu.memory_space<vmem>>[vector<16xi32>], vector<16xf32>,
            %gather3A_403 = tpu.vector_load_idx %arg12[%add3A_401] : memref<40000xf32, #tpu.memory_space<vmem>>[vector<16xi32>], vector<16xf32>,
            %min3A_404 = arith.minimumf %gather3A_403, %gather3A_402 : vector<16xf32>
            tpu.vector_store_idx %arg12[%add3A_401], %min3A_404 : memref<40000xf32, #tpu.memory_space<vmem>>[vector<16xi32>], vector<16xf32>,
            %broadcast_in_dim3A_405 = arith.constant 12 : i32
            %broadcast_in_dim3A_406 = vector.broadcast %broadcast_in_dim3A_405 : i32 to vector<16xi32>
            %reshape3A_407 = vector.shape_cast %broadcast_in_dim3A_406 : vector<16xi32> to vector<16x1xi32>
            %gather3A_408 = vector.shape_cast %reshape3A_407 : vector<16x1xi32> to vector<16xi32>
            %gather3A_409 = tpu.dynamic_gather %mul3A_240[%gather3A_408] in [0] : vector<16xi32>, vector<16xi32> -> vector<16xi32>
            %add3A_410 = arith.addi %gather3A_409, %and3A_2 : vector<16xi32>
            %reshape3A_411 = vector.shape_cast %broadcast_in_dim3A_406 : vector<16xi32> to vector<16x1xi32>
            %gather3A_412 = vector.shape_cast %reshape3A_411 : vector<16x1xi32> to vector<16xi32>
            %gather3A_413 = tpu.dynamic_gather %mul3A_248[%gather3A_412] in [0] : vector<16xi32>, vector<16xi32> -> vector<16xi32>
            %add3A_414 = arith.addi %gather3A_413, %and3A_2 : vector<16xi32>
            %gather3A_415 = tpu.vector_load_idx %arg10[%add3A_410] : memref<40000xf32, #tpu.memory_space<vmem>>[vector<16xi32>], vector<16xf32>,
            %gather3A_416 = tpu.vector_load_idx %arg11[%add3A_414] : memref<40000xf32, #tpu.memory_space<vmem>>[vector<16xi32>], vector<16xf32>,
            %min3A_417 = arith.minimumf %gather3A_416, %gather3A_415 : vector<16xf32>
            tpu.vector_store_idx %arg11[%add3A_414], %min3A_417 : memref<40000xf32, #tpu.memory_space<vmem>>[vector<16xi32>], vector<16xf32>,
            %broadcast_in_dim3A_418 = arith.constant 13 : i32
            %broadcast_in_dim3A_419 = vector.broadcast %broadcast_in_dim3A_418 : i32 to vector<16xi32>
            %reshape3A_420 = vector.shape_cast %broadcast_in_dim3A_419 : vector<16xi32> to vector<16x1xi32>
            %gather3A_421 = vector.shape_cast %reshape3A_420 : vector<16x1xi32> to vector<16xi32>
            %gather3A_422 = tpu.dynamic_gather %mul3A_240[%gather3A_421] in [0] : vector<16xi32>, vector<16xi32> -> vector<16xi32>
            %add3A_423 = arith.addi %gather3A_422, %and3A_2 : vector<16xi32>
            %reshape3A_424 = vector.shape_cast %broadcast_in_dim3A_419 : vector<16xi32> to vector<16x1xi32>
            %gather3A_425 = vector.shape_cast %reshape3A_424 : vector<16x1xi32> to vector<16xi32>
            %gather3A_426 = tpu.dynamic_gather %mul3A_248[%gather3A_425] in [0] : vector<16xi32>, vector<16xi32> -> vector<16xi32>
            %add3A_427 = arith.addi %gather3A_426, %and3A_2 : vector<16xi32>
            %gather3A_428 = tpu.vector_load_idx %arg10[%add3A_423] : memref<40000xf32, #tpu.memory_space<vmem>>[vector<16xi32>], vector<16xf32>,
            %gather3A_429 = tpu.vector_load_idx %arg12[%add3A_427] : memref<40000xf32, #tpu.memory_space<vmem>>[vector<16xi32>], vector<16xf32>,
            %min3A_430 = arith.minimumf %gather3A_429, %gather3A_428 : vector<16xf32>
            tpu.vector_store_idx %arg12[%add3A_427], %min3A_430 : memref<40000xf32, #tpu.memory_space<vmem>>[vector<16xi32>], vector<16xf32>,
            %broadcast_in_dim3A_431 = arith.constant 14 : i32
            %broadcast_in_dim3A_432 = vector.broadcast %broadcast_in_dim3A_431 : i32 to vector<16xi32>
            %reshape3A_433 = vector.shape_cast %broadcast_in_dim3A_432 : vector<16xi32> to vector<16x1xi32>
            %gather3A_434 = vector.shape_cast %reshape3A_433 : vector<16x1xi32> to vector<16xi32>
            %gather3A_435 = tpu.dynamic_gather %mul3A_240[%gather3A_434] in [0] : vector<16xi32>, vector<16xi32> -> vector<16xi32>
            %add3A_436 = arith.addi %gather3A_435, %and3A_2 : vector<16xi32>
            %reshape3A_437 = vector.shape_cast %broadcast_in_dim3A_432 : vector<16xi32> to vector<16x1xi32>
            %gather3A_438 = vector.shape_cast %reshape3A_437 : vector<16x1xi32> to vector<16xi32>
            %gather3A_439 = tpu.dynamic_gather %mul3A_248[%gather3A_438] in [0] : vector<16xi32>, vector<16xi32> -> vector<16xi32>
            %add3A_440 = arith.addi %gather3A_439, %and3A_2 : vector<16xi32>
            %gather3A_441 = tpu.vector_load_idx %arg10[%add3A_436] : memref<40000xf32, #tpu.memory_space<vmem>>[vector<16xi32>], vector<16xf32>,
            %gather3A_442 = tpu.vector_load_idx %arg11[%add3A_440] : memref<40000xf32, #tpu.memory_space<vmem>>[vector<16xi32>], vector<16xf32>,
            %min3A_443 = arith.minimumf %gather3A_442, %gather3A_441 : vector<16xf32>
            tpu.vector_store_idx %arg11[%add3A_440], %min3A_443 : memref<40000xf32, #tpu.memory_space<vmem>>[vector<16xi32>], vector<16xf32>,
            %broadcast_in_dim3A_444 = arith.constant 15 : i32
            %broadcast_in_dim3A_445 = vector.broadcast %broadcast_in_dim3A_444 : i32 to vector<16xi32>
            %reshape3A_446 = vector.shape_cast %broadcast_in_dim3A_445 : vector<16xi32> to vector<16x1xi32>
            %gather3A_447 = vector.shape_cast %reshape3A_446 : vector<16x1xi32> to vector<16xi32>
            %gather3A_448 = tpu.dynamic_gather %mul3A_240[%gather3A_447] in [0] : vector<16xi32>, vector<16xi32> -> vector<16xi32>
            %add3A_449 = arith.addi %gather3A_448, %and3A_2 : vector<16xi32>
            %reshape3A_450 = vector.shape_cast %broadcast_in_dim3A_445 : vector<16xi32> to vector<16x1xi32>
            %gather3A_451 = vector.shape_cast %reshape3A_450 : vector<16x1xi32> to vector<16xi32>
            %gather3A_452 = tpu.dynamic_gather %mul3A_248[%gather3A_451] in [0] : vector<16xi32>, vector<16xi32> -> vector<16xi32>
            %add3A_453 = arith.addi %gather3A_452, %and3A_2 : vector<16xi32>
            %gather3A_454 = tpu.vector_load_idx %arg10[%add3A_449] : memref<40000xf32, #tpu.memory_space<vmem>>[vector<16xi32>], vector<16xf32>,
            %gather3A_455 = tpu.vector_load_idx %arg12[%add3A_453] : memref<40000xf32, #tpu.memory_space<vmem>>[vector<16xi32>], vector<16xf32>,
            %min3A_456 = arith.minimumf %gather3A_455, %gather3A_454 : vector<16xf32>
            tpu.vector_store_idx %arg12[%add3A_453], %min3A_456 : memref<40000xf32, #tpu.memory_space<vmem>>[vector<16xi32>], vector<16xf32>,
          }
          %scan3A_231 = arith.constant 5 : i32
        } else {
        }
      }
      %scan3A_108 = arith.constant 25 : i32
      %add3A_109 = arith.constant 3 : i32
      %add3A_110 = arith.addi %mul3A_70, %add3A_109 : i32
      %min3A_111 = arith.constant 159 : i32
      %min3A_112 = arith.minsi %add3A_110, %min3A_111 : i32
      %mul3A_113 = arith.constant 2000 : i32
      %mul3A_114 = arith.muli %min3A_112, %mul3A_113 : i32
      %dma_start3A_115 = tpu.memref_slice %arg3[%mul3A_114] : memref<320000xi32, #tpu.memory_space<hbm>> -> memref<2000xi32, #tpu.memory_space<hbm>>
      %dma_start3A_116 = tpu.memref_slice %arg3[%mul3A_114] : memref<320000xi32, #tpu.memory_space<hbm>> -> memref<2000xi32, #tpu.memory_space<hbm>>
      tpu.enqueue_dma source(%dma_start3A_116 : memref<2000xi32, #tpu.memory_space<hbm>>) target(%arg7 : memref<2000xi32, #tpu.memory_space<vmem>>) target_semaphore(%arg15 : memref<!tpu.dma_semaphore, #tpu.memory_space<semaphore_mem>>)
      %dma_start3A_117 = tpu.memref_slice %arg4[%mul3A_114] : memref<320000xi32, #tpu.memory_space<hbm>> -> memref<2000xi32, #tpu.memory_space<hbm>>
      %dma_start3A_118 = tpu.memref_slice %arg4[%mul3A_114] : memref<320000xi32, #tpu.memory_space<hbm>> -> memref<2000xi32, #tpu.memory_space<hbm>>
      tpu.enqueue_dma source(%dma_start3A_118 : memref<2000xi32, #tpu.memory_space<hbm>>) target(%arg9 : memref<2000xi32, #tpu.memory_space<vmem>>) target_semaphore(%arg16 : memref<!tpu.dma_semaphore, #tpu.memory_space<semaphore_mem>>)
    }
    %scan3A_46 = arith.constant 80 : i32
    %dma_wait3A = arith.constant 0 : i32
    %dma_wait3A_47 = tpu.memref_slice %arg3[%dma_wait3A] : memref<320000xi32, #tpu.memory_space<hbm>> -> memref<2000xi32, #tpu.memory_space<hbm>>
    %dma_wait3A_48 = arith.constant 0 : i32
    %dma_wait3A_49 = tpu.memref_slice %arg3[%dma_wait3A_48] : memref<320000xi32, #tpu.memory_space<hbm>> -> memref<2000xi32, #tpu.memory_space<hbm>>
    tpu.wait_dma2 semaphore(%arg13 : memref<!tpu.dma_semaphore, #tpu.memory_space<semaphore_mem>>) src(%dma_wait3A_49 : memref<2000xi32, #tpu.memory_space<hbm>>) dst(%arg6 : memref<2000xi32, #tpu.memory_space<vmem>>)
    %dma_wait3A_50 = arith.constant 0 : i32
    %dma_wait3A_51 = tpu.memref_slice %arg4[%dma_wait3A_50] : memref<320000xi32, #tpu.memory_space<hbm>> -> memref<2000xi32, #tpu.memory_space<hbm>>
    %dma_wait3A_52 = arith.constant 0 : i32
    %dma_wait3A_53 = tpu.memref_slice %arg4[%dma_wait3A_52] : memref<320000xi32, #tpu.memory_space<hbm>> -> memref<2000xi32, #tpu.memory_space<hbm>>
    tpu.wait_dma2 semaphore(%arg14 : memref<!tpu.dma_semaphore, #tpu.memory_space<semaphore_mem>>) src(%dma_wait3A_53 : memref<2000xi32, #tpu.memory_space<hbm>>) dst(%arg8 : memref<2000xi32, #tpu.memory_space<vmem>>)
    %dma_wait3A_54 = arith.constant 0 : i32
    %dma_wait3A_55 = tpu.memref_slice %arg3[%dma_wait3A_54] : memref<320000xi32, #tpu.memory_space<hbm>> -> memref<2000xi32, #tpu.memory_space<hbm>>
    %dma_wait3A_56 = arith.constant 0 : i32
    %dma_wait3A_57 = tpu.memref_slice %arg3[%dma_wait3A_56] : memref<320000xi32, #tpu.memory_space<hbm>> -> memref<2000xi32, #tpu.memory_space<hbm>>
    tpu.wait_dma2 semaphore(%arg15 : memref<!tpu.dma_semaphore, #tpu.memory_space<semaphore_mem>>) src(%dma_wait3A_57 : memref<2000xi32, #tpu.memory_space<hbm>>) dst(%arg7 : memref<2000xi32, #tpu.memory_space<vmem>>)
    %dma_wait3A_58 = arith.constant 0 : i32
    %dma_wait3A_59 = tpu.memref_slice %arg4[%dma_wait3A_58] : memref<320000xi32, #tpu.memory_space<hbm>> -> memref<2000xi32, #tpu.memory_space<hbm>>
    %dma_wait3A_60 = arith.constant 0 : i32
    %dma_wait3A_61 = tpu.memref_slice %arg4[%dma_wait3A_60] : memref<320000xi32, #tpu.memory_space<hbm>> -> memref<2000xi32, #tpu.memory_space<hbm>>
    tpu.wait_dma2 semaphore(%arg16 : memref<!tpu.dma_semaphore, #tpu.memory_space<semaphore_mem>>) src(%dma_wait3A_61 : memref<2000xi32, #tpu.memory_space<hbm>>) dst(%arg9 : memref<2000xi32, #tpu.memory_space<vmem>>)
    %scan3A_62 = arith.constant 0 : i32
    %scan3A_63 = arith.constant 0 : i32
    %scan3A_64 = arith.constant 2500 : i32
    %scan3A_65 = arith.addi %scan3A_63, %scan3A_64 : i32
    %scan3A_66 = arith.constant 1 : i32
    scf.for %scan3A_68 = %scan3A_63 to %scan3A_65 step %scan3A_66  : i32 {
      %mul3A_69 = arith.constant 16 : i32
      %mul3A_70 = arith.muli %mul3A_69, %scan3A_68 : i32
      %get3A = arith.index_cast %mul3A_70 : i32 to index
      %get3A_71 = tpu.vector_load %arg11[%get3A] {strides = array<i32>} : memref<40000xf32, #tpu.memory_space<vmem>>, vector<16xf32>,
      %mul3A_72 = arith.constant 16 : i32
      %mul3A_73 = arith.muli %mul3A_72, %scan3A_68 : i32
      %get3A_74 = arith.index_cast %mul3A_73 : i32 to index
      %get3A_75 = tpu.vector_load %arg12[%get3A_74] {strides = array<i32>} : memref<40000xf32, #tpu.memory_space<vmem>>, vector<16xf32>,
      %min3A_76 = arith.minimumf %get3A_71, %get3A_75 : vector<16xf32>
      %mul3A_77 = arith.constant 16 : i32
      %mul3A_78 = arith.muli %mul3A_77, %scan3A_68 : i32
      %swap3A = arith.index_cast %mul3A_78 : i32 to index
      %swap3A_79 = tpu.vector_load %arg11[%swap3A] {strides = array<i32>} : memref<40000xf32, #tpu.memory_space<vmem>>, vector<16xf32>,
      tpu.vector_store %arg11[%swap3A], %min3A_76 {strides = array<i32>} : memref<40000xf32, #tpu.memory_space<vmem>>, vector<16xf32>,
    }
    %scan3A_67 = arith.constant 2500 : i32
    "tpu.region"() ({
      %run_scoped3A = tpu.sem_alloc : memref<!tpu.dma_semaphore, #tpu.memory_space<semaphore_mem>>
      %dma_start3A_68 = arith.constant 0 : i32
      %dma_start3A_69 = tpu.memref_slice %arg5[%add3A, %dma_start3A_68] : memref<32x40000xf32, #tpu.memory_space<hbm>> -> memref<1x40000xf32, #tpu.memory_space<hbm>>
      %dma_start3A_70 = tpu.memref_squeeze %dma_start3A_69 : memref<1x40000xf32, #tpu.memory_space<hbm>> -> memref<40000xf32, #tpu.memory_space<hbm>>
      %dma_start3A_71 = arith.constant 0 : i32
      %dma_start3A_72 = tpu.memref_slice %arg5[%add3A, %dma_start3A_71] : memref<32x40000xf32, #tpu.memory_space<hbm>> -> memref<1x40000xf32, #tpu.memory_space<hbm>>
      %dma_start3A_73 = tpu.memref_squeeze %dma_start3A_72 : memref<1x40000xf32, #tpu.memory_space<hbm>> -> memref<40000xf32, #tpu.memory_space<hbm>>
      tpu.enqueue_dma source(%arg11 : memref<40000xf32, #tpu.memory_space<vmem>>) target(%dma_start3A_73 : memref<40000xf32, #tpu.memory_space<hbm>>) target_semaphore(%run_scoped3A : memref<!tpu.dma_semaphore, #tpu.memory_space<semaphore_mem>>)
      %dma_wait3A_74 = arith.constant 0 : i32
      %dma_wait3A_75 = tpu.memref_slice %arg5[%add3A, %dma_wait3A_74] : memref<32x40000xf32, #tpu.memory_space<hbm>> -> memref<1x40000xf32, #tpu.memory_space<hbm>>
      %dma_wait3A_76 = tpu.memref_squeeze %dma_wait3A_75 : memref<1x40000xf32, #tpu.memory_space<hbm>> -> memref<40000xf32, #tpu.memory_space<hbm>>
      %dma_wait3A_77 = arith.constant 0 : i32
      %dma_wait3A_78 = tpu.memref_slice %arg5[%add3A, %dma_wait3A_77] : memref<32x40000xf32, #tpu.memory_space<hbm>> -> memref<1x40000xf32, #tpu.memory_space<hbm>>
      %dma_wait3A_79 = tpu.memref_squeeze %dma_wait3A_78 : memref<1x40000xf32, #tpu.memory_space<hbm>> -> memref<40000xf32, #tpu.memory_space<hbm>>
      tpu.wait_dma2 semaphore(%run_scoped3A : memref<!tpu.dma_semaphore, #tpu.memory_space<semaphore_mem>>) src(%arg11 : memref<40000xf32, #tpu.memory_space<vmem>>) dst(%dma_wait3A_79 : memref<40000xf32, #tpu.memory_space<hbm>>)
      tpu.yield
    }) : () -> ()
    return
  }
}

module attributes {stable_mosaic.version = 14 : i64} {
  func.func @_tc_mlp_body(%arg0: i32, %arg1: memref<1000x128xf32, #tpu.memory_space<vmem>>, %arg2: memref<1000x128xf32, #tpu.memory_space<vmem>>, %arg3: memref<256x128xf32, #tpu.memory_space<vmem>>, %arg4: memref<1x128xf32, #tpu.memory_space<vmem>>, %arg5: memref<1000x128xf32, #tpu.memory_space<vmem>>) attributes {dimension_semantics = [#tpu.dimension_semantics<arbitrary>], iteration_bounds = array<i64: 10>, scalar_prefetch = 0 : i64, scratch_operands = 0 : i64, tpu.core_type = #tpu.core_type<tc>, window_params = [{transform_indices = @transform_0, window_bounds = array<i64: 1000, 128>}, {transform_indices = @transform_1, window_bounds = array<i64: 1000, 128>}, {pipeline_mode = #tpu.pipeline_mode<synchronous>, transform_indices = @transform_2, window_bounds = array<i64: 256, 128>}, {pipeline_mode = #tpu.pipeline_mode<synchronous>, transform_indices = @transform_3, window_bounds = array<i64: 1, 128>}, {transform_indices = @transform_4, window_bounds = array<i64: 1000, 128>}]} {
    %get3A = arith.constant 0 : index
    %get3A_0 = arith.constant 0 : index
    %get3A_1 = vector.load %arg1[%get3A, %get3A_0] : memref<1000x128xf32, #tpu.memory_space<vmem>>, vector<1000x128xf32>
    %get3A_2 = arith.constant 0 : index
    %get3A_3 = arith.constant 0 : index
    %get3A_4 = vector.load %arg2[%get3A_2, %get3A_3] : memref<1000x128xf32, #tpu.memory_space<vmem>>, vector<1000x128xf32>
    %eq3A = arith.constant 0x7F800000 : f32
    %eq3A_5 = vector.broadcast %eq3A : f32 to vector<1000x128xf32>
    %eq3A_6 = arith.cmpf oeq, %get3A_4, %eq3A_5 : vector<1000x128xf32>
    %sub3A = arith.subf %get3A_1, %get3A_4 : vector<1000x128xf32>
    %jit3A = arith.constant 0.000000e+00 : f32
    %broadcast_in_dim3A = vector.broadcast %jit3A : f32 to vector<1000x128xf32>
    %select_n3A = arith.select %eq3A_6, %broadcast_in_dim3A, %sub3A : vector<1000x128xi1>, vector<1000x128xf32>
    %get3A_7 = arith.constant 0 : index
    %get3A_8 = arith.constant 0 : index
    %get3A_9 = vector.load %arg3[%get3A_7, %get3A_8] : memref<256x128xf32, #tpu.memory_space<vmem>>, vector<128x128xf32>
    %dot_general3A = arith.constant dense<0.000000e+00> : vector<1000x128xf32>
    %dot_general3A_10 = tpu.matmul %get3A_1, %get3A_9, %dot_general3A {dimension_numbers = #tpu.dot_dimension_numbers<[1], [0], [0], [1], [0, 0, 1, 1], [], []>, precision = #tpu.contract_precision<fp32>, transpose_lhs_hint = false} : vector<1000x128xf32>, vector<128x128xf32>, vector<1000x128xf32> -> vector<1000x128xf32>
    %get3A_11 = arith.constant 128 : index
    %get3A_12 = arith.constant 0 : index
    %get3A_13 = vector.load %arg3[%get3A_11, %get3A_12] : memref<256x128xf32, #tpu.memory_space<vmem>>, vector<128x128xf32>
    %dot_general3A_14 = arith.constant dense<0.000000e+00> : vector<1000x128xf32>
    %dot_general3A_15 = tpu.matmul %select_n3A, %get3A_13, %dot_general3A_14 {dimension_numbers = #tpu.dot_dimension_numbers<[1], [0], [0], [1], [0, 0, 1, 1], [], []>, precision = #tpu.contract_precision<fp32>, transpose_lhs_hint = false} : vector<1000x128xf32>, vector<128x128xf32>, vector<1000x128xf32> -> vector<1000x128xf32>
    %add3A = arith.addf %dot_general3A_10, %dot_general3A_15 : vector<1000x128xf32>
    %get3A_16 = arith.constant 0 : index
    %get3A_17 = arith.constant 0 : index
    %get3A_18 = vector.load %arg4[%get3A_16, %get3A_17] : memref<1x128xf32, #tpu.memory_space<vmem>>, vector<1x128xf32>
    %add3A_19 = vector.broadcast %get3A_18 : vector<1x128xf32> to vector<1000x128xf32>
    %add3A_20 = arith.addf %add3A, %add3A_19 : vector<1000x128xf32>
    %gt3A = arith.constant 0.000000e+00 : f32
    %gt3A_21 = vector.broadcast %gt3A : f32 to vector<1000x128xf32>
    %gt3A_22 = arith.cmpf ogt, %add3A_20, %gt3A_21 : vector<1000x128xf32>
    %mul3A = arith.constant 0.00999999977 : f32
    %mul3A_23 = vector.broadcast %mul3A : f32 to vector<1000x128xf32>
    %mul3A_24 = arith.mulf %mul3A_23, %add3A_20 : vector<1000x128xf32>
    %select_n3A_25 = arith.select %gt3A_22, %add3A_20, %mul3A_24 : vector<1000x128xi1>, vector<1000x128xf32>
    %add3A_26 = arith.addf %get3A_1, %select_n3A_25 : vector<1000x128xf32>
    %swap3A = arith.constant 0 : index
    %swap3A_27 = arith.constant 0 : index
    %swap3A_28 = vector.load %arg5[%swap3A, %swap3A_27] : memref<1000x128xf32, #tpu.memory_space<vmem>>, vector<1000x128xf32>
    tpu.vector_store %arg5[%swap3A, %swap3A_27], %add3A_26 {strides = array<i32>} : memref<1000x128xf32, #tpu.memory_space<vmem>>, vector<1000x128xf32>,
    return
  }
  func.func @transform_0(%arg0: i32) -> (i32, i32) {
    %c0_i32 = arith.constant 0 : i32
    %c0_i32_0 = arith.constant 0 : i32
    return %arg0, %c0_i32 : i32, i32
  }
  func.func @transform_1(%arg0: i32) -> (i32, i32) {
    %c0_i32 = arith.constant 0 : i32
    %c0_i32_0 = arith.constant 0 : i32
    return %arg0, %c0_i32 : i32, i32
  }
  func.func @transform_2(%arg0: i32) -> (i32, i32) {
    %c0_i32 = arith.constant 0 : i32
    %c0_i32_0 = arith.constant 0 : i32
    %c0_i32_1 = arith.constant 0 : i32
    return %c0_i32, %c0_i32_0 : i32, i32
  }
  func.func @transform_3(%arg0: i32) -> (i32, i32) {
    %c0_i32 = arith.constant 0 : i32
    %c0_i32_0 = arith.constant 0 : i32
    %c0_i32_1 = arith.constant 0 : i32
    return %c0_i32, %c0_i32_0 : i32, i32
  }
  func.func @transform_4(%arg0: i32) -> (i32, i32) {
    %c0_i32 = arith.constant 0 : i32
    %c0_i32_0 = arith.constant 0 : i32
    return %arg0, %c0_i32 : i32, i32
  }
}

</mosaic_0001>

<sc_bundles>
// kernel: kernel.4.cloned.1.call-start
scs
__scs_entry_jumppad:
0x0: {  	(pc) =	sbr.rel $0x88, $3  }
0x1: {  	(tag) =	ssettag $0x0;
	lr =	simm.s32 $0x1  }
0x2: {  	[smem:$0x3F9C] =	sst lr;
	_ =	strace $0xD0000000  }
0x3: {  	_ = 	snop  }
0x4: {  	_ = 	snop  }
0x5: {  	_ = 	snop  }
0x6: {  	_ = 	snop  }
0x7: {  	_ = 	snop  }
__scs_overlays_trampoline_lowered:
0x8: {  	[smem:$0x3FAB] =	sst s0  }
0x9: {  	[smem:$0x3FAC] =	sst s1  }
0xa: {  	[smem:$0x3FAD] =	sst s2  }
0xb: {  	[smem:$0x3FAE] =	sst s3  }
0xc: {  	[smem:$0x3FAF] =	sst s4  }
0xd: {  	[smem:$0x3FB0] =	sst s5  }
0xe: {  	[smem:$0x3FB1] =	sst s6  }
0xf: {  	[smem:$0x3FB2] =	sst s7  }
0x10: {  	[smem:$0x3FB3] =	sst s8  }
0x11: {  	[smem:$0x3FB4] =	sst s9;
	s0 =	simm.s32 @!p0 $0x0  }
0x12: {  	s1 =	sld [smem:$0x3F9A];
	s0 =	simm.s32 @p0 $0x1  }
0x13: {  	[smem:$0x3FB5] =	sst s0;
	s0 =	simm.s32 @!p1 $0x0  }
0x14: {  	s2 =	sld [smem:$0x3F99];
	s0 =	simm.s32 @p1 $0x1  }
0x15: {  	[smem:$0x3FB6] =	sst s0;
	s0 =	simm.s32 @!p2 $0x0  }
0x16: {  	s3 =	sld [smem:$0x3FDB];
	s0 =	simm.s32 @p2 $0x1  }
0x17: {  	s4 =	simm.s32 $0x1BF5;
	[smem:$0x3FB8] =	sst s0  }
0x18: {  	s0 =	sld [smem:$0x3F9B];
	_ =	swait.ge [sflag:s4], $0x0  }
0x19: {  	s7 =	sld [smem:$0x3F9C]  }
0x1a: {  	s8 =	sadd.s32 $0xFFFFE003, lr  }
0x1b: {  	s9 =	sadd.s32 $0xFFFFFEF7, lr;
	s5 =	simm.s32 $0xFFFFFFFF;
	p2 =	slt.u32 s8, $0xFFFFF086  }
0x1c: {  	p1 =	slt.u32 s9, $0xF7A;
	s5 =	simm.s32 @!p2 $0x0  }
0x1d: {  	s5 =	simm.s32 @p1 $0x1;
	p0 =	seq.s32 s7, s2  }
0x1e: {  	s7 =	smul.u32 @!p0 $0xF7A, s2;
	p2 =	seq.s32 @!p0 s5, $0x0  }
0x1f: {  	s9 =	smul.u32 $0xF7A, s1;
	s8 =	simm.s32 @!p0 $0x1BF5;
	p2 =	por !p2, p0  }
0x20: {  	[sflag:s8] =	ssyncset.s32 @!p0 $0xFFFFF086;
	s6 =	sadd.s32 @!p0 s3, s7;
	s7 =	simm.s32 @!p0 $0x108  }
0x21: {  	s3 =	sadd.s32 s3, s9;
	s6 =	sadd.s32 @!p0 $0x88, s6;
	s7 =	simm.s32 @p2 $0x1082  }
0x22: {  	[simem:s7], [sflag:s8] =	dma.local @!p0 [hbm:s6], $0xF7A  }
0x23: {  	s9 =	sor.u32 $0xD0000000, s2;
	s6 =	simm.s32 $0x108;
	_ =	swait.ge @!p0 [sflag:s8], $0x0  }
0x24: {  	s3 =	sadd.s32 $0x88, s3;
	s6 =	simm.s32 @!p1 $0x1082;
	[sflag:s4] =	ssyncset.s32 $0xFFFFF086  }
0x25: {  	[simem:s6], [sflag:s4] =	dma.local [hbm:s3], $0xF7A  }
0x26: {  	[smem:$0x3F9C] =	sst s1;
	(tag) =	ssettag s2;
	_ =	strace s9  }
0x27: {  	s1 =	sld [smem:$0x3FAC]  }
0x28: {  	s2 =	sld [smem:$0x3FAD]  }
0x29: {  	s4 =	sld [smem:$0x3FAF]  }
0x2a: {  	p0 =	seq.s32 s5, $0x0;
	s5 =	sld [smem:$0x3FB0]  }
0x2b: {  	s6 =	sld [smem:$0x3FB1]  }
0x2c: {  	s7 =	sld [smem:$0x3FB2]  }
0x2d: {  	s3 =	simm.s32 $0x108;
	s8 =	sld [smem:$0x3FB3]  }
0x2e: {  	s3 =	simm.s32 @!p0 $0x1082;
	s9 =	sld [smem:$0x3FB4]  }
0x2f: {  	lr =	sadd.s32 s0, s3;
	s0 =	sld [smem:$0x3FAB]  }
0x30: {  	s3 =	sld [smem:$0x3FAE]  }
0x31: {  	[smem:$0x3FB7] =	sst s10  }
0x32: {  	s10 =	sld [smem:$0x3FB5];
	_ =	sdelay $0x3  }
0x33: {  	p0 =	seq.s32 s10, $0x1;
	s10 =	sld [smem:$0x3FB7];
	_ =	sdelay $0x3  }
0x34: {  	[smem:$0x3FB7] =	sst s10  }
0x35: {  	s10 =	sld [smem:$0x3FB6];
	_ =	sdelay $0x3  }
0x36: {  	p1 =	seq.s32 s10, $0x1;
	s10 =	sld [smem:$0x3FB7];
	_ =	sdelay $0x3  }
0x37: {  	[smem:$0x3FB7] =	sst s10  }
0x38: {  	s10 =	sld [smem:$0x3FB8]  }
0x39: {  	_ = 	snop;
	(pc) =	sbr.ind lr, $3  }
0x3a: {  	_ = 	snop  }
0x3b: {  	_ = 	snop  }
0x3c: {  	p2 =	seq.s32 s10, $0x1;
	s10 =	sld [smem:$0x3FB7]  }
0x3d: {  	_ =	shalt  }
0x3e: {  	_ =	shalt  }
0x3f: {  	_ =	shalt  }
0x40: {  	_ =	shalt  }
0x41: {  	_ =	shalt  }
0x42: {  	_ =	shalt  }
0x43: {  	_ =	shalt  }
0x44: {  	_ =	shalt  }
0x45: {  	_ =	shalt  }
0x46: {  	_ =	shalt  }
0x47: {  	_ =	shalt  }
0x48: {  	_ =	shalt  }
0x49: {  	_ =	shalt  }
0x4a: {  	_ =	shalt  }
0x4b: {  	_ =	shalt  }
0x4c: {  	_ =	shalt  }
0x4d: {  	_ =	shalt  }
0x4e: {  	_ =	shalt  }
0x4f: {  	_ =	shalt  }
0x50: {  	_ =	shalt  }
0x51: {  	_ =	shalt  }
0x52: {  	_ =	shalt  }
0x53: {  	_ =	shalt  }
0x54: {  	_ =	shalt  }
0x55: {  	_ =	shalt  }
0x56: {  	_ =	shalt  }
0x57: {  	_ =	shalt  }
0x58: {  	_ =	shalt  }
0x59: {  	_ =	shalt  }
0x5a: {  	_ =	shalt  }
0x5b: {  	_ =	shalt  }
0x5c: {  	_ =	shalt  }
0x5d: {  	_ =	shalt  }
0x5e: {  	_ =	shalt  }
0x5f: {  	_ =	shalt  }
0x60: {  	_ =	shalt  }
0x61: {  	_ =	shalt  }
0x62: {  	_ =	shalt  }
0x63: {  	_ =	shalt  }
0x64: {  	_ =	shalt  }
0x65: {  	_ =	shalt  }
0x66: {  	_ =	shalt  }
0x67: {  	_ =	shalt  }
0x68: {  	_ =	shalt  }
0x69: {  	_ =	shalt  }
0x6a: {  	_ =	shalt  }
0x6b: {  	_ =	shalt  }
0x6c: {  	_ =	shalt  }
0x6d: {  	_ =	shalt  }
0x6e: {  	_ =	shalt  }
0x6f: {  	_ =	shalt  }
0x70: {  	_ =	shalt  }
0x71: {  	_ =	shalt  }
0x72: {  	_ =	shalt  }
0x73: {  	_ =	shalt  }
0x74: {  	_ =	shalt  }
0x75: {  	_ =	shalt  }
0x76: {  	_ =	shalt  }
0x77: {  	_ =	shalt  }
0x78: {  	_ =	shalt  }
0x79: {  	_ =	shalt  }
0x7a: {  	_ =	shalt  }
0x7b: {  	_ =	shalt  }
0x7c: {  	_ =	shalt  }
0x7d: {  	_ =	shalt  }
0x7e: {  	_ =	shalt  }
0x7f: {  	_ =	shalt  }
0x80: {  	_ =	shalt  }
0x81: {  	_ =	shalt  }
0x82: {  	_ =	shalt  }
0x83: {  	_ =	shalt  }
0x84: {  	_ =	shalt  }
0x85: {  	_ =	shalt  }
0x86: {  	_ =	shalt  }
0x87: {  	_ =	shalt  }
.Lfunc_end0:
.L_simem_size_0:
called_computation_lowered:
.L_overlay_start_0:
0x88: {  	s2 =	sld [smem:$0x3FD9]  }
0x89: {  	s3 =	sld [smem:$0x3FFE];
	_ =	sdelay $0x1  }
0x8a: {  	s1 =	srdreg.scid  }
0x8b: {  	s0 =	sand.u32 $0x1, s1  }
0x8c: {  	s17 =	sshll.u32 s0, $0xA;
	s2 =	sadd.s32 s3, s2  }
0x8d: {  	s2 =	sadd.s32 s2, s17  }
0x8e: {  	[smem:$0x3FC3] =	sst s2  }
0x8f: {  	_ = 	snop  }
0x90: {  	s2 =	sld [smem:$0x3FD0];
	(tm) =	ssettm $0x1  }
0x91: {  	s18 =	sld [smem:$0x3FFB];
	_ =	sdelay $0x3  }
0x92: {  	_ =	strace s18  }
0x93: {  	s3 =	sld [smem:$0x3FFC];
	_ =	sdelay $0x3  }
0x94: {  	_ =	strace s3  }
0x95: {  	s3 =	sld [smem:$0x3FFD];
	_ =	sdelay $0x3  }
0x96: {  	_ =	strace s3  }
0x97: {  	_ =	strace $0x8FFFFFFF  }
0x98: {  	s19 =	sld [smem:$0x3FDB];
	_ =	sdelay $0x1  }
0x99: {  	s4 =	simm.s32 $_scs_section_size  }
0x9a: {  	s5 =	simm.s32 $_size__tile_overlayer_lowered;
	s6 =	simm.s32 $_tile_overlayer_lowered  }
0x9b: {  	s22 =	simm.s32 $0x1BFF;
	s21 =	sshll.u32 s6, $0x1;
	s3 =	sadd.s32 s4, s19  }
0x9c: {  	s7 =	simm.s32 $0x0;
	s20 =	sshll.u32 s5, $0x1;
	s5 =	sadd.s32 s21, s3  }
0x9d: {  	[timem:s7], [sflag:s22] =	dma.local [hbm:s5], s20  }
0x9e: {  	_ =	swait.ge [sflag:s22], s20  }
0x9f: {  	s4 =	ssub.s32 $0x0, s20;
	[sflag:s22] =	ssyncset.done $0x0  }
0xa0: {  	[sflag:s22] =	ssyncadd.s32 s4;
	_ =	sdelay $0x1  }
0xa1: {  	s23 =	simm.s32 $0x1B8B  }
0xa2: {  	_ =	swait.ge [sflag:s23], $0x1  }
0xa3: {  	[sflag:s23] =	ssyncset.done $0x0  }
0xa4: {  	s25 =	simm.s32 $0x1B8E;
	s24 =	sld [smem:$0x3FFE];
	[sflag:s23] =	ssyncadd.s32 $0xFFFFFFFF  }
0xa5: {  	s26 =	simm.s32 $execute0_lowered;
	[smem:$0x3FD2] =	sst s25  }
0xa6: {  	s5 =	sshll.u32 s26, $0x1;
	_ =	strace $0x80000046;
	[dreg:$0x1] =	wrdreg $0xFFFFFFFF  }
0xa7: {  	s28 =	simm.s32 $_size_execute0_lowered;
	s3 =	sadd.s32 s3, s5;
	[dreg:$0x0] =	wrdreg $0x0  }
0xa8: {  	s5 =	sshll.u32 s28, $0x1;
	[dreg:$0x2] =	wrdreg s3  }
0xa9: {  	[dreg:$0x3] =	wrdreg s5  }
0xaa: {  	[dreg:$0x4] =	wrdreg $0xC0  }
0xab: {  	_ =	task [dreg:s7], $0x5FFFF  }
0xac: {  	[dreg:$0x1] =	wrdreg $0xFFFFFFFF  }
0xad: {  	[dreg:$0x0] =	wrdreg $0x60  }
0xae: {  	[dreg:$0x2] =	wrdreg s24  }
0xaf: {  	[dreg:$0x3] =	wrdreg s2  }
0xb0: {  	[dreg:$0x4] =	wrdreg $0x9  }
0xb1: {  	_ =	task.clear_ibuf [dreg:s7], $0x5FFFF;
	_ =	strace $0x90000046  }
0xb2: {  	s29 =	simm.s32 $0x9;
	_ =	strace $0x80000048  }
0xb3: {  	_ =	swait.ge [sflag:s29], $0x1  }
0xb4: {  	[sflag:s29] =	ssyncadd.s32 $0xFFFFFFFF  }
0xb5: {  	_ =	strace $0x90000048  }
0xb6: {  	_ =	sfence  }
0xb7: {  	s30 =	sld [smem:$0x0];
	_ =	sdelay $0x2  }
0xb8: {  	s31 =	sshll.u32 s1, $0xD;
	s1 =	sshrl.u32 s1, $0x2  }
0xb9: {  	s3 =	sand.u32 $0x4000, s31;
	s1 =	sadd.s32 s1, s30  }
0xba: {  	s0 =	sor.u32 s3, s0;
	s1 =	sshll.u32 s1, $0x11  }
0xbb: {  	s0 =	sor.u32 s1, s0  }
0xbc: {  	s0 =	sadd.s32 $0x8F2B, s0  }
0xbd: {  	[sflag:s0] =	ssyncadd.remote.s32 $0x1  }
0xbe: {  	_ =	sfence.sel $0xFFFF  }
0xbf: {  	[dreg:$0x0] =	wrdreg $0xFFFFFFFF;
	(pc) =	sbr.abs _section_cstart, $3  }
0xc0: {  	[dreg:$0x1] =	wrdreg $0xFFFFFFFF  }
0xc1: {  	_ =	task.clear_ibuf [dreg:s7], $0x2FFFF;
	_ =	strace $0x9FFFFFFF  }
0xc2: {  	(tm) =	ssettm $0x7FFFFFFF  }
0xc3: {  	_ =	shalt  }
tec
execute0_lowered:
.L_overlay_start_1:
0x0: {  	(tag) =	ssettag $0x1  }
0x1: {  	s6 =	rddreg [dreg:$0x0]  }
0x2: {  	v0 =	vimm.s32 $0xCFED8BA9;
	s1 =	srdreg.scid;
	s0 =	stileid.u32;
	s10 =	simm.s32 $0x80  }
0x3: {  	v1 =	vimm.s32 $0x47650321;
	v2 =	vimm.s32 $0xDCFE98BA;
	s11 =	simm.s32 $0x400;
	s12 =	simm.s32 $0x2000;
	s13 =	simm.s32 $0x5  }
0x4: {  	v3 =	vimm.s32 $0x54761032;
	v4 =	vimm.s32 $0x2;
	v5 =	vimm.s32 $0x0;
	s14 =	simm.s32 $0x1000;
	s15 =	simm.s32 $0x800;
	s16 =	simm.s32 $0x1800  }
0x5: {  	v6 =	vlaneseq.u32;
	v8 =	vimm.s32 $0x1;
	v9 =	vimm.s32 $0x3;
	s17 =	simm.s32 $0x1;
	s18 =	simm.s32 $0x2;
	s19 =	simm.s32 $0xBC80  }
0x6: {  	v10 =	vimm.s32 $0x4;
	v11 =	vimm.s32 $0x5;
	v12 =	vimm.s32 $0x6;
	s20 =	simm.s32 $0x15900;
	s21 =	simm.s32 $0x3;
	s22 =	simm.s32 $0x4  }
0x7: {  	v13 =	vimm.s32 $0x7;
	v14 =	vimm.s32 $0x8;
	s23 =	simm.s32 $0x0;
	v0 =	vunpack.c.l.s4.s8 v0;
	s4 =	sand.u32 $0x1, s1;
	s28 =	sshrl.u32 s0, $0x2  }
0x8: {  	s2 =	sshll.u32 s0, $0x8;
	v1 =	vunpack.c.l.s4.s8 v1;
	v2 =	vunpack.c.l.s4.s8 v2;
	v3 =	vunpack.c.l.s4.s8 v3;
	s5 =	smul.u32 $0x4E400, s28;
	s29 =	sshll.u32 s4, $0x7  }
0x9: {  	v15 =	vimm.s32 $0x9;
	v16 =	vimm.s32 $0xA;
	s3 =	sand.u32 $0x300, s2;
	s2 =	rddreg [dreg:$0x1];
	s30 =	ssub.s32 $0x2, s4;
	v0 =	vunpack.c.0.s8.s32 v0  }
0xa: {  	s4 =	sadd.s32 $0x27C00, s6;
	s7 =	sor.u32 s29, s3;
	v1 =	vunpack.c.0.s8.s32 v1;
	v2 =	vunpack.c.0.s8.s32 v2;
	v3 =	vunpack.c.0.s8.s32 v3;
	s3 =	simm.s32 $0x0  }
0xb: {  	v17 =	vimm.s32 $0xB;
	v18 =	vimm.s32 $0xC;
	v19 =	vimm.s32 $0xD;
	s31 =	sshrl.u32 s30, $0x1;
	s5 =	sor.u32 s5, s7;
	[smem:$0x7FF] =	sst s3  }
0xc: {  	v20 =	vimm.s32 $0xE;
	s9 =	ssub.s32 s30, s31;
	s7 =	sadd.s32 $0xFA, s2;
	s5 =	sshrl.u32 s5, $0x3;
	v1 =	vcombine.low v1, v0;
	v2 =	vcombine.low v3, v2  }
0xd: {  	v21 =	vimm.s32 $0xF;
	v7 =	vand.u32 $0x3, v6;
	_ =	strace $0x80000047;
	v0 =	vimm.f32 $+Inf;
	s9 =	smax.u32 s9, $0x1;
	s8 =	sadd.s32 s5, s6  }
0xe: {  	v3 =	vimm.f32 $0.0e+00;
	s6 =	sadd.s32 $0x27CFA, s6;
	s5 =	sadd.s32 $0xA00, s8;
	v1 =	vand.u32 $0xF, v1;
	v2 =	vand.u32 $0xF, v2;
	s8 =	sadd.s32 $0x31A00, s8  }
.LBB2_1:
0xf: {  	[tilespmem:s12], [sflag:$0x5] =	stream.strided.gather [hbm4b:s5+s10], $0x9C80, s11, s10, $0x38;
	[tilespmem:$0x1F580] =	vst v63  }
0x10: {  	_ =	swait.ge [sflag:s13], $0x9C80  }
0x11: {  	[sflag:s13] =	ssyncset.done $0x0  }
0x12: {  	s24 =	simm.s32 $0x40;
	s25 =	simm.s32 $0x0;
	[sflag:s13] =	ssyncadd.s32 $0xFFFF6380  }
.LBB2_2:
0x13: {  	p0 =	sne.s32 s24, $0x270C0;
	[tilespmem:s25+$0xBC80] =	vst v0;
	s26 =	smov.u32 s24;
	s24 =	sadd.s32 $0x40, s24  }
.Ltmp0:
0x14: {  	[tilespmem:s25+$0x15900] =	vst v0;
	(pc) =	sbr.rel @p0 .LBB2_2-.Ltmp0, $2  }
0x15: {  	_ =	sdelay $0x2  }
0x16: {  	s25 =	sshra.s32 s26, $0x2  }
0x17: {  	[tilespmem:s25+$0xBC80] =	vst v0  }
0x18: {  	[tilespmem:s25+$0x15900] =	vst v0;
	s24 =	simm.s32 $0x0  }
0x19: {  	[tilespmem:s24], [sflag:$0x1] =	stream.linear.gather [hbm4b:s4+s24], $0x7D0, $0x38;
	[tilespmem:$0x1F580] =	vst v63  }
0x1a: {  	_ = 	snop  }
0x1b: {  	[tilespmem:s14], [sflag:$0x2] =	stream.linear.gather [hbm4b:s2+s24], $0x7D0, $0x38;
	[tilespmem:$0x1F580] =	vst v63  }
.Ltmp1:
0x1c: {  	_ = 	snop;
	(pc) =	sbr.rel .LBB2_4-.Ltmp1, $4  }
0x1d: {  	_ = 	snop  }
0x1e: {  	[tilespmem:s15], [sflag:$0x3] =	stream.linear.gather [hbm4b:s6+s24], $0x7D0, $0x38;
	[tilespmem:$0x1F580] =	vst v63  }
0x1f: {  	_ = 	snop  }
0x20: {  	[tilespmem:s16], [sflag:$0x4] =	stream.linear.gather [hbm4b:s7+s24], $0x7D0, $0x38;
	[tilespmem:$0x1F580] =	vst v63  }
.LBB2_18:
0x21: {  	s1 =	smin.u32 s25, $0x9C  }
0x22: {  	s1 =	smul.u32 $0x7D0, s1  }
0x23: {  	s24 =	sadd.s32 $0x1, s24  }
0x24: {  	p0 =	sne.s32 s24, $0x50;
	s1 =	sshrl.u32 s1, $0x3  }
.Ltmp2:
0x25: {  	s1 =	sadd.s32 $0x2EE, s1;
	(pc) =	sbr.rel @!p0 .LBB2_19-.Ltmp2, $4  }
0x26: {  	s31 =	sadd.s32 s4, s1  }
0x27: {  	[tilespmem:s15], [sflag:$0x3] =	stream.linear.gather [hbm4b:s31+s3], $0x7D0, $0x38;
	[tilespmem:$0x1F580] =	vst v63  }
0x28: {  	s1 =	sadd.s32 s2, s1  }
0x29: {  	[tilespmem:s16], [sflag:$0x4] =	stream.linear.gather [hbm4b:s1+s3], $0x7D0, $0x38;
	[tilespmem:$0x1F580] =	vst v63  }
.LBB2_4:
0x2a: {  	_ =	swait.ge [sflag:s17], $0x7D0  }
.Ltmp3:
0x2b: {  	[sflag:s17] =	ssyncset.done $0x0;
	(pc) =	sbr.rel .LBB2_5-.Ltmp3, $4  }
0x2c: {  	[sflag:s17] =	ssyncadd.s32 $0xFFFFF830  }
0x2d: {  	_ =	swait.ge [sflag:s18], $0x7D0  }
0x2e: {  	s25 =	simm.s32 $0x1000;
	[sflag:s18] =	ssyncset.done $0x0  }
0x2f: {  	s26 =	simm.s32 $0x0;
	s28 =	simm.s32 $0x0;
	[sflag:s18] =	ssyncadd.s32 $0xFFFFF830  }
.LBB2_9:
0x30: {  	v24 =	vld [tilespmem:s29+$0x0];
	_ =	sdelay $0x4  }
0x31: {  	v31 =	vshll.u32 v24, $0x2;
	v24 =	vshrl.u32 v6, $0x2  }
0x32: {  	v25 =	vperm.xlane v31, v24  }
0x33: {  	v26 =	vperm.xlane v30, v24  }
0x34: {  	v25 =	vadd.s32 v7, v25  }
0x35: {  	v26 =	vadd.s32 v7, v26;
	_ =	sdelay $0x3  }
0x36: {  	v27 =	vld.idx.msk [tilespmem:v25+s12+$0x0], $0xffff;
	v25 =	vor.u32 $0x4, v24  }
0x37: {  	v32 =	vld.idx.msk [tilespmem:v26+s19+$0x0], $0xffff;
	v33 =	vperm.xlane v31, v25  }
0x38: {  	v34 =	vperm.xlane v30, v25  }
0x39: {  	v33 =	vadd.s32 v7, v33  }
0x3a: {  	v34 =	vadd.s32 v7, v34;
	_ =	sdelay $0x1  }
0x3b: {  	v27 =	vmin.f32 v32, v27  }
0x3c: {  	[tilespmem:v26+s19+$0x0] =	vst.idx.msk $0xffff, v27  }
0x3d: {  	v26 =	vor.u32 $0x8, v24;
	v27 =	vld.idx.msk [tilespmem:v33+s12+$0x0], $0xffff  }
0x3e: {  	v58 =	vperm.xlane v31, v26;
	v57 =	vld.idx.msk [tilespmem:v34+s20+$0x0], $0xffff  }
0x3f: {  	v35 =	vperm.xlane v30, v26  }
0x40: {  	v33 =	vadd.s32 v7, v58  }
0x41: {  	v35 =	vadd.s32 v7, v35;
	_ =	sdelay $0x1  }
0x42: {  	v27 =	vmin.f32 v57, v27  }
0x43: {  	[tilespmem:v34+s20+$0x0] =	vst.idx.msk $0xffff, v27  }
0x44: {  	v27 =	vor.u32 $0xC, v24;
	v59 =	vld.idx.msk [tilespmem:v33+s12+$0x0], $0xffff  }
0x45: {  	v60 =	vld.idx.msk [tilespmem:v35+s19+$0x0], $0xffff;
	v31 =	vperm.xlane v31, v27  }
0x46: {  	v61 =	vperm.xlane v30, v27  }
0x47: {  	v31 =	vadd.s32 v7, v31  }
0x48: {  	v30 =	vadd.s32 v7, v61;
	_ =	sdelay $0x1  }
0x49: {  	v32 =	vmin.f32 v60, v59  }
0x4a: {  	[tilespmem:v35+s19+$0x0] =	vst.idx.msk $0xffff, v32  }
0x4b: {  	v31 =	vld.idx.msk [tilespmem:v31+s12+$0x0], $0xffff  }
0x4c: {  	v32 =	vld.idx.msk [tilespmem:v30+s20+$0x0], $0xffff;
	_ =	sdelay $0x4  }
0x4d: {  	v31 =	vmin.f32 v32, v31  }
0x4e: {  	[tilespmem:v30+s20+$0x0] =	vst.idx.msk $0xffff, v31  }
0x4f: {  	v30 =	vld [tilespmem:s29+$0x10];
	_ =	sdelay $0x4  }
0x50: {  	v63 =	vperm.xlane v29, v24;
	v30 =	vshll.u32 v30, $0x2  }
0x51: {  	v62 =	vperm.xlane v30, v24  }
0x52: {  	v32 =	vadd.s32 v7, v63  }
0x53: {  	v31 =	vadd.s32 v7, v62;
	_ =	sdelay $0x3  }
0x54: {  	v36 =	vld.idx.msk [tilespmem:v32+s19+$0x0], $0xffff  }
0x55: {  	v37 =	vperm.xlane v30, v25;
	v31 =	vld.idx.msk [tilespmem:v31+s12+$0x0], $0xffff  }
0x56: {  	v38 =	vperm.xlane v29, v25  }
0x57: {  	v34 =	vadd.s32 v7, v37  }
0x58: {  	v35 =	vadd.s32 v7, v38;
	_ =	sdelay $0x1  }
0x59: {  	v31 =	vmin.f32 v36, v31  }
0x5a: {  	[tilespmem:v32+s19+$0x0] =	vst.idx.msk $0xffff, v31  }
0x5b: {  	v31 =	vld.idx.msk [tilespmem:v34+s12+$0x0], $0xffff  }
0x5c: {  	v39 =	vperm.xlane v30, v26;
	v32 =	vld.idx.msk [tilespmem:v35+s20+$0x0], $0xffff  }
0x5d: {  	v40 =	vperm.xlane v29, v26  }
0x5e: {  	v33 =	vadd.s32 v7, v39  }
0x5f: {  	v34 =	vadd.s32 v7, v40;
	_ =	sdelay $0x1  }
0x60: {  	v31 =	vmin.f32 v32, v31  }
0x61: {  	[tilespmem:v35+s20+$0x0] =	vst.idx.msk $0xffff, v31  }
0x62: {  	v31 =	vld.idx.msk [tilespmem:v33+s12+$0x0], $0xffff  }
0x63: {  	v30 =	vperm.xlane v30, v27;
	v41 =	vld.idx.msk [tilespmem:v34+s19+$0x0], $0xffff  }
0x64: {  	v42 =	vperm.xlane v29, v27  }
0x65: {  	v30 =	vadd.s32 v7, v30  }
0x66: {  	v29 =	vadd.s32 v7, v42;
	_ =	sdelay $0x1  }
0x67: {  	v31 =	vmin.f32 v41, v31  }
0x68: {  	[tilespmem:v34+s19+$0x0] =	vst.idx.msk $0xffff, v31  }
0x69: {  	v30 =	vld.idx.msk [tilespmem:v30+s12+$0x0], $0xffff  }
0x6a: {  	v31 =	vld.idx.msk [tilespmem:v29+s20+$0x0], $0xffff;
	_ =	sdelay $0x4  }
0x6b: {  	v30 =	vmin.f32 v31, v30  }
0x6c: {  	[tilespmem:v29+s20+$0x0] =	vst.idx.msk $0xffff, v30  }
0x6d: {  	v29 =	vld [tilespmem:s29+$0x20];
	_ =	sdelay $0x4  }
0x6e: {  	v44 =	vperm.xlane v28, v24;
	v29 =	vshll.u32 v29, $0x2  }
0x6f: {  	v43 =	vperm.xlane v29, v24  }
0x70: {  	v31 =	vadd.s32 v7, v44  }
0x71: {  	v30 =	vadd.s32 v7, v43;
	_ =	sdelay $0x3  }
0x72: {  	v45 =	vld.idx.msk [tilespmem:v31+s19+$0x0], $0xffff  }
0x73: {  	v46 =	vperm.xlane v29, v25;
	v30 =	vld.idx.msk [tilespmem:v30+s12+$0x0], $0xffff  }
0x74: {  	v47 =	vperm.xlane v28, v25  }
0x75: {  	v33 =	vadd.s32 v7, v46  }
0x76: {  	v34 =	vadd.s32 v7, v47;
	_ =	sdelay $0x1  }
0x77: {  	v30 =	vmin.f32 v45, v30  }
0x78: {  	[tilespmem:v31+s19+$0x0] =	vst.idx.msk $0xffff, v30  }
0x79: {  	v30 =	vld.idx.msk [tilespmem:v33+s12+$0x0], $0xffff  }
0x7a: {  	v48 =	vperm.xlane v29, v26;
	v31 =	vld.idx.msk [tilespmem:v34+s20+$0x0], $0xffff  }
0x7b: {  	v49 =	vperm.xlane v28, v26  }
0x7c: {  	v32 =	vadd.s32 v7, v48  }
0x7d: {  	v33 =	vadd.s32 v7, v49;
	_ =	sdelay $0x1  }
0x7e: {  	v30 =	vmin.f32 v31, v30  }
0x7f: {  	[tilespmem:v34+s20+$0x0] =	vst.idx.msk $0xffff, v30  }
0x80: {  	v30 =	vld.idx.msk [tilespmem:v32+s12+$0x0], $0xffff  }
0x81: {  	v29 =	vperm.xlane v29, v27;
	v50 =	vld.idx.msk [tilespmem:v33+s19+$0x0], $0xffff  }
0x82: {  	v51 =	vperm.xlane v28, v27  }
0x83: {  	v29 =	vadd.s32 v7, v29  }
0x84: {  	v28 =	vadd.s32 v7, v51;
	_ =	sdelay $0x1  }
0x85: {  	v30 =	vmin.f32 v50, v30  }
0x86: {  	[tilespmem:v33+s19+$0x0] =	vst.idx.msk $0xffff, v30  }
0x87: {  	v29 =	vld.idx.msk [tilespmem:v29+s12+$0x0], $0xffff  }
0x88: {  	v30 =	vld.idx.msk [tilespmem:v28+s20+$0x0], $0xffff;
	_ =	sdelay $0x4  }
0x89: {  	v29 =	vmin.f32 v30, v29  }
0x8a: {  	[tilespmem:v28+s20+$0x0] =	vst.idx.msk $0xffff, v29  }
0x8b: {  	v28 =	vld [tilespmem:s29+$0x30];
	_ =	sdelay $0x4  }
0x8c: {  	v53 =	vperm.xlane v23, v24;
	v28 =	vshll.u32 v28, $0x2  }
0x8d: {  	v52 =	vperm.xlane v28, v24  }
0x8e: {  	v30 =	vadd.s32 v7, v53  }
0x8f: {  	v29 =	vadd.s32 v7, v52;
	_ =	sdelay $0x3  }
0x90: {  	v54 =	vld.idx.msk [tilespmem:v30+s19+$0x0], $0xffff  }
0x91: {  	v55 =	vperm.xlane v28, v25;
	v29 =	vld.idx.msk [tilespmem:v29+s12+$0x0], $0xffff  }
0x92: {  	v56 =	vperm.xlane v23, v25  }
0x93: {  	v32 =	vadd.s32 v7, v55  }
0x94: {  	v33 =	vadd.s32 v7, v56;
	_ =	sdelay $0x1  }
0x95: {  	v29 =	vmin.f32 v54, v29  }
0x96: {  	[tilespmem:v30+s19+$0x0] =	vst.idx.msk $0xffff, v29  }
0x97: {  	v29 =	vld.idx.msk [tilespmem:v32+s12+$0x0], $0xffff  }
0x98: {  	v57 =	vperm.xlane v28, v26;
	v30 =	vld.idx.msk [tilespmem:v33+s20+$0x0], $0xffff  }
0x99: {  	v58 =	vperm.xlane v23, v26  }
0x9a: {  	v31 =	vadd.s32 v7, v57  }
0x9b: {  	v32 =	vadd.s32 v7, v58;
	_ =	sdelay $0x1  }
0x9c: {  	v29 =	vmin.f32 v30, v29  }
0x9d: {  	[tilespmem:v33+s20+$0x0] =	vst.idx.msk $0xffff, v29  }
0x9e: {  	v29 =	vld.idx.msk [tilespmem:v31+s12+$0x0], $0xffff  }
0x9f: {  	v28 =	vperm.xlane v28, v27;
	v59 =	vld.idx.msk [tilespmem:v32+s19+$0x0], $0xffff  }
0xa0: {  	v23 =	vperm.xlane v23, v27  }
0xa1: {  	v28 =	vadd.s32 v7, v28  }
0xa2: {  	v23 =	vadd.s32 v7, v23;
	_ =	sdelay $0x1  }
0xa3: {  	v29 =	vmin.f32 v59, v29  }
0xa4: {  	[tilespmem:v32+s19+$0x0] =	vst.idx.msk $0xffff, v29  }
0xa5: {  	v28 =	vld.idx.msk [tilespmem:v28+s12+$0x0], $0xffff  }
0xa6: {  	v29 =	vld.idx.msk [tilespmem:v23+s20+$0x0], $0xffff;
	_ =	sdelay $0x4  }
0xa7: {  	v28 =	vmin.f32 v29, v28  }
0xa8: {  	[tilespmem:v23+s20+$0x0] =	vst.idx.msk $0xffff, v28  }
0xa9: {  	v23 =	vld [tilespmem:s29+$0x40];
	_ =	sdelay $0x4  }
0xaa: {  	v23 =	vshll.u32 v23, $0x2  }
0xab: {  	v60 =	vperm.xlane v23, v24  }
0xac: {  	v24 =	vperm.xlane v22, v24  }
0xad: {  	v28 =	vadd.s32 v7, v60  }
0xae: {  	v24 =	vadd.s32 v7, v24;
	_ =	sdelay $0x3  }
0xaf: {  	v28 =	vld.idx.msk [tilespmem:v28+s12+$0x0], $0xffff  }
0xb0: {  	v62 =	vperm.xlane v23, v25;
	v61 =	vld.idx.msk [tilespmem:v24+s19+$0x0], $0xffff  }
0xb1: {  	v25 =	vperm.xlane v22, v25  }
0xb2: {  	v30 =	vadd.s32 v7, v62  }
0xb3: {  	v25 =	vadd.s32 v7, v25;
	_ =	sdelay $0x1  }
0xb4: {  	v28 =	vmin.f32 v61, v28  }
0xb5: {  	[tilespmem:v24+s19+$0x0] =	vst.idx.msk $0xffff, v28  }
0xb6: {  	v24 =	vld.idx.msk [tilespmem:v30+s12+$0x0], $0xffff  }
0xb7: {  	v63 =	vperm.xlane v23, v26;
	v28 =	vld.idx.msk [tilespmem:v25+s20+$0x0], $0xffff  }
0xb8: {  	v26 =	vperm.xlane v22, v26  }
0xb9: {  	v29 =	vadd.s32 v7, v63  }
0xba: {  	v26 =	vadd.s32 v7, v26;
	_ =	sdelay $0x1  }
0xbb: {  	v24 =	vmin.f32 v28, v24  }
0xbc: {  	[tilespmem:v25+s20+$0x0] =	vst.idx.msk $0xffff, v24  }
0xbd: {  	v24 =	vld.idx.msk [tilespmem:v29+s12+$0x0], $0xffff  }
0xbe: {  	v23 =	vperm.xlane v23, v27;
	v25 =	vld.idx.msk [tilespmem:v26+s19+$0x0], $0xffff  }
0xbf: {  	v22 =	vperm.xlane v22, v27  }
0xc0: {  	v23 =	vadd.s32 v7, v23  }
0xc1: {  	v22 =	vadd.s32 v7, v22;
	_ =	sdelay $0x1  }
0xc2: {  	v24 =	vmin.f32 v25, v24  }
0xc3: {  	[tilespmem:v26+s19+$0x0] =	vst.idx.msk $0xffff, v24  }
0xc4: {  	v23 =	vld.idx.msk [tilespmem:v23+s12+$0x0], $0xffff  }
0xc5: {  	v24 =	vld.idx.msk [tilespmem:v22+s20+$0x0], $0xffff;
	_ =	sdelay $0x4  }
0xc6: {  	v23 =	vmin.f32 v24, v23  }
0xc7: {  	[tilespmem:v22+s20+$0x0] =	vst.idx.msk $0xffff, v23  }
.LBB2_10:
0xc8: {  	s28 =	sadd.s32 $0x1, s28  }
0xc9: {  	p0 =	sne.s32 s28, $0x19  }
.Ltmp4:
0xca: {  	_ = 	snop;
	(pc) =	sbr.rel @!p0 .LBB2_11-.Ltmp4, $2  }
0xcb: {  	_ =	sdelay $0x2  }
0xcc: {  	s26 =	sadd.s32 $0x50, s26;
	s25 =	sadd.s32 $0x50, s25  }
.LBB2_5:
0xcd: {  	s29 =	smul.u32 $0x50, s28;
	_ =	sdelay $0x1  }
0xce: {  	v22 =	vld [tilespmem:s29+$0x1000]  }
0xcf: {  	v23 =	vld [tilespmem:s29+$0x1010]  }
0xd0: {  	v24 =	vld [tilespmem:s29+$0x1020]  }
0xd1: {  	v25 =	vld [tilespmem:s29+$0x1030];
	_ =	sdelay $0x1  }
0xd2: {  	v30 =	vshll.u32 v22, $0x2  }
0xd3: {  	v29 =	vshll.u32 v23, $0x2;
	v26 =	vperm.xlane v30, v1;
	v27 =	vperm.xlane v30, v2  }
0xd4: {  	v22 =	vld [tilespmem:s29+$0x1040];
	v28 =	vshll.u32 v24, $0x2;
	v57 =	vperm.xlane v29, v1;
	v31 =	vperm.xlane v29, v2  }
0xd5: {  	v23 =	vshll.u32 v25, $0x2;
	v58 =	vperm.xlane v28, v1;
	v59 =	vperm.xlane v28, v2  }
0xd6: {  	v60 =	vperm.xlane v23, v1;
	v61 =	vperm.xlane v23, v2;
	vm0 =	veq.s32 v30, v26  }
0xd7: {  	vm1 =	veq.s32 v30, v27;
	vm2 =	veq.s32 v29, v57;
	vm3 =	veq.s32 v29, v31  }
0xd8: {  	vm10 =	veq.s32 v28, v58;
	vm11 =	veq.s32 v28, v59;
	vm12 =	veq.s32 v23, v60  }
0xd9: {  	vm13 =	veq.s32 v23, v61;
	vm0 =	vmor vm0, vm1;
	v22 =	vshll.u32 v22, $0x2  }
0xda: {  	vm9 =	vmor vm2, vm3;
	v62 =	vperm.xlane v22, v1;
	v27 =	vperm.xlane v22, v2  }
0xdb: {  	vm1 =	vmor vm10, vm11;
	vm2 =	vmor vm12, vm13;
	vm0 =	vmor vm0, vm9  }
0xdc: {  	vm0 =	vmor vm0, vm1;
	vm14 =	veq.s32 v22, v62;
	vm15 =	veq.s32 v22, v27  }
0xdd: {  	vm0 =	vmor vm0, vm2;
	vm1 =	vmor vm14, vm15  }
0xde: {  	vm0 =	vmor vm0, vm1  }
0xdf: {  	v63 =	vsel vm0, $0x3F800000, v3  }
0xe0: {  	(xrf0) =	vmax.scan.msk.f32 $0xffff, v63;
	_ =	sdelay $0x5  }
0xe1: {  	v24, _, _ =	vpop (xrf0)  }
0xe2: {  	(v2sf) =	vpush v24, $0xF;
	_ =	sdelay $0xe  }
0xe3: {  	s30 =	spop (v2sf)  }
0xe4: {  	p0 =	sgt.f32 s30, $0.0e+00  }
.Ltmp5:
0xe5: {  	_ = 	snop;
	(pc) =	sbr.rel @!p0 .LBB2_9-.Ltmp5, $1  }
0xe6: {  	_ =	sdelay $0x3  }
0xe7: {  	s29 =	sadd.s32 $0x0, s26  }
0xe8: {  	s30 =	sadd.s32 $0x0, s25;
	v22 =	vld [tilespmem:s29+$0x0]  }
0xe9: {  	v23 =	vld [tilespmem:s30+$0x0];
	_ =	sdelay $0x3  }
0xea: {  	v24 =	vshll.u32 v22, $0x2  }
0xeb: {  	v22 =	vshll.u32 v23, $0x2;
	v23 =	vperm.xlane v24, v5  }
0xec: {  	v25 =	vperm.xlane v22, v5  }
0xed: {  	v23 =	vadd.s32 v7, v23  }
0xee: {  	v25 =	vadd.s32 v7, v25;
	_ =	sdelay $0x3  }
0xef: {  	v23 =	vld.idx.msk [tilespmem:v23+s12+$0x0], $0xffff  }
0xf0: {  	v26 =	vperm.xlane v24, v8;
	v27 =	vld.idx.msk [tilespmem:v25+s19+$0x0], $0xffff  }
0xf1: {  	v28 =	vperm.xlane v22, v8  }
0xf2: {  	v26 =	vadd.s32 v7, v26  }
0xf3: {  	v28 =	vadd.s32 v7, v28;
	_ =	sdelay $0x1  }
0xf4: {  	v23 =	vmin.f32 v27, v23  }
0xf5: {  	[tilespmem:v25+s19+$0x0] =	vst.idx.msk $0xffff, v23  }
0xf6: {  	v23 =	vld.idx.msk [tilespmem:v26+s12+$0x0], $0xffff  }
0xf7: {  	v25 =	vperm.xlane v24, v4;
	v26 =	vld.idx.msk [tilespmem:v28+s20+$0x0], $0xffff  }
0xf8: {  	v27 =	vperm.xlane v22, v4  }
0xf9: {  	v25 =	vadd.s32 v7, v25  }
0xfa: {  	v27 =	vadd.s32 v7, v27;
	_ =	sdelay $0x1  }
0xfb: {  	v23 =	vmin.f32 v26, v23  }
0xfc: {  	[tilespmem:v28+s20+$0x0] =	vst.idx.msk $0xffff, v23  }
0xfd: {  	v23 =	vld.idx.msk [tilespmem:v25+s12+$0x0], $0xffff  }
0xfe: {  	v25 =	vperm.xlane v24, v9;
	v26 =	vld.idx.msk [tilespmem:v27+s19+$0x0], $0xffff  }
0xff: {  	v58 =	vperm.xlane v22, v9  }
0x100: {  	v25 =	vadd.s32 v7, v25  }
0x101: {  	v28 =	vadd.s32 v7, v58;
	_ =	sdelay $0x1  }
0x102: {  	v23 =	vmin.f32 v26, v23  }
0x103: {  	[tilespmem:v27+s19+$0x0] =	vst.idx.msk $0xffff, v23  }
0x104: {  	v23 =	vld.idx.msk [tilespmem:v25+s12+$0x0], $0xffff  }
0x105: {  	v25 =	vperm.xlane v24, v10;
	v26 =	vld.idx.msk [tilespmem:v28+s20+$0x0], $0xffff  }
0x106: {  	v27 =	vperm.xlane v22, v10  }
0x107: {  	v25 =	vadd.s32 v7, v25  }
0x108: {  	v27 =	vadd.s32 v7, v27;
	_ =	sdelay $0x1  }
0x109: {  	v23 =	vmin.f32 v26, v23  }
0x10a: {  	[tilespmem:v28+s20+$0x0] =	vst.idx.msk $0xffff, v23  }
0x10b: {  	v23 =	vld.idx.msk [tilespmem:v25+s12+$0x0], $0xffff  }
0x10c: {  	v25 =	vperm.xlane v24, v11;
	v26 =	vld.idx.msk [tilespmem:v27+s19+$0x0], $0xffff  }
0x10d: {  	v59 =	vperm.xlane v22, v11  }
0x10e: {  	v25 =	vadd.s32 v7, v25  }
0x10f: {  	v28 =	vadd.s32 v7, v59;
	_ =	sdelay $0x1  }
0x110: {  	v23 =	vmin.f32 v26, v23  }
0x111: {  	[tilespmem:v27+s19+$0x0] =	vst.idx.msk $0xffff, v23  }
0x112: {  	v23 =	vld.idx.msk [tilespmem:v25+s12+$0x0], $0xffff  }
0x113: {  	v25 =	vperm.xlane v24, v12;
	v26 =	vld.idx.msk [tilespmem:v28+s20+$0x0], $0xffff  }
0x114: {  	v27 =	vperm.xlane v22, v12  }
0x115: {  	v25 =	vadd.s32 v7, v25  }
0x116: {  	v27 =	vadd.s32 v7, v27;
	_ =	sdelay $0x1  }
0x117: {  	v23 =	vmin.f32 v26, v23  }
0x118: {  	[tilespmem:v28+s20+$0x0] =	vst.idx.msk $0xffff, v23  }
0x119: {  	v23 =	vld.idx.msk [tilespmem:v25+s12+$0x0], $0xffff  }
0x11a: {  	v25 =	vperm.xlane v24, v13;
	v26 =	vld.idx.msk [tilespmem:v27+s19+$0x0], $0xffff  }
0x11b: {  	v60 =	vperm.xlane v22, v13  }
0x11c: {  	v25 =	vadd.s32 v7, v25  }
0x11d: {  	v28 =	vadd.s32 v7, v60;
	_ =	sdelay $0x1  }
0x11e: {  	v23 =	vmin.f32 v26, v23  }
0x11f: {  	[tilespmem:v27+s19+$0x0] =	vst.idx.msk $0xffff, v23  }
0x120: {  	v23 =	vld.idx.msk [tilespmem:v25+s12+$0x0], $0xffff  }
0x121: {  	v25 =	vperm.xlane v24, v14;
	v26 =	vld.idx.msk [tilespmem:v28+s20+$0x0], $0xffff  }
0x122: {  	v27 =	vperm.xlane v22, v14  }
0x123: {  	v25 =	vadd.s32 v7, v25  }
0x124: {  	v27 =	vadd.s32 v7, v27;
	_ =	sdelay $0x1  }
0x125: {  	v23 =	vmin.f32 v26, v23  }
0x126: {  	[tilespmem:v28+s20+$0x0] =	vst.idx.msk $0xffff, v23  }
0x127: {  	v23 =	vld.idx.msk [tilespmem:v25+s12+$0x0], $0xffff  }
0x128: {  	v25 =	vperm.xlane v24, v15;
	v26 =	vld.idx.msk [tilespmem:v27+s19+$0x0], $0xffff  }
0x129: {  	v61 =	vperm.xlane v22, v15  }
0x12a: {  	v25 =	vadd.s32 v7, v25  }
0x12b: {  	v28 =	vadd.s32 v7, v61;
	_ =	sdelay $0x1  }
0x12c: {  	v23 =	vmin.f32 v26, v23  }
0x12d: {  	[tilespmem:v27+s19+$0x0] =	vst.idx.msk $0xffff, v23  }
0x12e: {  	v23 =	vld.idx.msk [tilespmem:v25+s12+$0x0], $0xffff  }
0x12f: {  	v25 =	vperm.xlane v24, v16;
	v26 =	vld.idx.msk [tilespmem:v28+s20+$0x0], $0xffff  }
0x130: {  	v27 =	vperm.xlane v22, v16  }
0x131: {  	v25 =	vadd.s32 v7, v25  }
0x132: {  	v27 =	vadd.s32 v7, v27;
	_ =	sdelay $0x1  }
0x133: {  	v23 =	vmin.f32 v26, v23  }
0x134: {  	[tilespmem:v28+s20+$0x0] =	vst.idx.msk $0xffff, v23  }
0x135: {  	v23 =	vld.idx.msk [tilespmem:v25+s12+$0x0], $0xffff  }
0x136: {  	v25 =	vperm.xlane v24, v17;
	v26 =	vld.idx.msk [tilespmem:v27+s19+$0x0], $0xffff  }
0x137: {  	v62 =	vperm.xlane v22, v17  }
0x138: {  	v25 =	vadd.s32 v7, v25  }
0x139: {  	v28 =	vadd.s32 v7, v62;
	_ =	sdelay $0x1  }
0x13a: {  	v23 =	vmin.f32 v26, v23  }
0x13b: {  	[tilespmem:v27+s19+$0x0] =	vst.idx.msk $0xffff, v23  }
0x13c: {  	v23 =	vld.idx.msk [tilespmem:v25+s12+$0x0], $0xffff  }
0x13d: {  	v25 =	vperm.xlane v24, v18;
	v26 =	vld.idx.msk [tilespmem:v28+s20+$0x0], $0xffff  }
0x13e: {  	v27 =	vperm.xlane v22, v18  }
0x13f: {  	v25 =	vadd.s32 v7, v25  }
0x140: {  	v27 =	vadd.s32 v7, v27;
	_ =	sdelay $0x1  }
0x141: {  	v23 =	vmin.f32 v26, v23  }
0x142: {  	[tilespmem:v28+s20+$0x0] =	vst.idx.msk $0xffff, v23  }
0x143: {  	v23 =	vld.idx.msk [tilespmem:v25+s12+$0x0], $0xffff  }
0x144: {  	v25 =	vperm.xlane v24, v19;
	v26 =	vld.idx.msk [tilespmem:v27+s19+$0x0], $0xffff  }
0x145: {  	v63 =	vperm.xlane v22, v19  }
0x146: {  	v25 =	vadd.s32 v7, v25  }
0x147: {  	v28 =	vadd.s32 v7, v63;
	_ =	sdelay $0x1  }
0x148: {  	v23 =	vmin.f32 v26, v23  }
0x149: {  	[tilespmem:v27+s19+$0x0] =	vst.idx.msk $0xffff, v23  }
0x14a: {  	v23 =	vld.idx.msk [tilespmem:v25+s12+$0x0], $0xffff  }
0x14b: {  	v26 =	vld.idx.msk [tilespmem:v28+s20+$0x0], $0xffff;
	_ =	sdelay $0x2  }
0x14c: {  	v25 =	vperm.xlane v24, v20  }
0x14d: {  	v27 =	vperm.xlane v22, v20  }
0x14e: {  	v25 =	vadd.s32 v7, v25;
	v23 =	vmin.f32 v26, v23  }
0x14f: {  	[tilespmem:v28+s20+$0x0] =	vst.idx.msk $0xffff, v23;
	v23 =	vperm.xlane v24, v21;
	v24 =	vadd.s32 v7, v27;
	_ =	sdelay $0x3  }
0x150: {  	s29 =	simm.s32 $0x40;
	v22 =	vperm.xlane v22, v21;
	v25 =	vld.idx.msk [tilespmem:v25+s12+$0x0], $0xffff  }
.LBB2_7:
0x151: {  	p0 =	seq.s32 s29, $0x100;
	v26 =	vld.idx.msk [tilespmem:v24+s19+$0x0], $0xffff;
	s30 =	smov.u32 s29;
	s29 =	sadd.s32 $0x40, s29  }
0x152: {  	_ =	sdelay $0x1  }
0x153: {  	v23 =	vadd.s32 v7, v23;
	v22 =	vadd.s32 v7, v22;
	_ =	sdelay $0x2  }
0x154: {  	v25 =	vmin.f32 v26, v25  }
0x155: {  	[tilespmem:v24+s19+$0x0] =	vst.idx.msk $0xffff, v25  }
0x156: {  	v23 =	vld.idx.msk [tilespmem:v23+s12+$0x0], $0xffff  }
0x157: {  	v24 =	vld.idx.msk [tilespmem:v22+s20+$0x0], $0xffff;
	_ =	sdelay $0x5  }
0x158: {  	s30 =	sshra.s32 s30, $0x2;
	v23 =	vmin.f32 v24, v23  }
0x159: {  	s31 =	sadd.s32 s30, s26;
	s30 =	sadd.s32 s30, s25;
	[tilespmem:v22+s20+$0x0] =	vst.idx.msk $0xffff, v23  }
0x15a: {  	v22 =	vld [tilespmem:s31+$0x0]  }
0x15b: {  	v23 =	vld [tilespmem:s30+$0x0];
	_ =	sdelay $0x3  }
0x15c: {  	v36 =	vshll.u32 v22, $0x2  }
0x15d: {  	v22 =	vshll.u32 v23, $0x2;
	v23 =	vperm.xlane v36, v5;
	v24 =	vperm.xlane v36, v8  }
0x15e: {  	v25 =	vperm.xlane v22, v5;
	v26 =	vperm.xlane v22, v8  }
0x15f: {  	v37 =	vperm.xlane v36, v4;
	v38 =	vperm.xlane v22, v4;
	v23 =	vadd.s32 v7, v23  }
0x160: {  	v39 =	vperm.xlane v36, v9;
	v40 =	vperm.xlane v22, v9;
	v25 =	vadd.s32 v7, v25  }
0x161: {  	v41 =	vperm.xlane v36, v10;
	v42 =	vperm.xlane v22, v10  }
0x162: {  	v43 =	vperm.xlane v36, v11;
	v44 =	vperm.xlane v22, v11  }
0x163: {  	v45 =	vperm.xlane v36, v12;
	v46 =	vperm.xlane v22, v12  }
0x164: {  	v47 =	vperm.xlane v36, v13;
	v48 =	vperm.xlane v22, v13;
	v23 =	vld.idx.msk [tilespmem:v23+s12+$0x0], $0xffff  }
0x165: {  	v49 =	vperm.xlane v36, v14;
	v50 =	vperm.xlane v22, v14;
	v27 =	vld.idx.msk [tilespmem:v25+s19+$0x0], $0xffff  }
0x166: {  	v34 =	vperm.xlane v36, v15;
	v35 =	vperm.xlane v22, v15  }
0x167: {  	v32 =	vperm.xlane v36, v16;
	v33 =	vperm.xlane v22, v16  }
0x168: {  	v30 =	vperm.xlane v22, v17;
	v51 =	vadd.s32 v7, v24;
	v52 =	vadd.s32 v7, v26  }
0x169: {  	v31 =	vperm.xlane v36, v17;
	v28 =	vperm.xlane v22, v18  }
0x16a: {  	v29 =	vperm.xlane v36, v18;
	v26 =	vperm.xlane v22, v19  }
0x16b: {  	v24 =	vperm.xlane v22, v20;
	v23 =	vmin.f32 v27, v23;
	v27 =	vperm.xlane v36, v19  }
0x16c: {  	v22 =	vperm.xlane v22, v21;
	[tilespmem:v25+s19+$0x0] =	vst.idx.msk $0xffff, v23;
	v25 =	vperm.xlane v36, v20  }
0x16d: {  	v23 =	vperm.xlane v36, v21;
	v51 =	vld.idx.msk [tilespmem:v51+s12+$0x0], $0xffff  }
0x16e: {  	v36 =	vld.idx.msk [tilespmem:v52+s20+$0x0], $0xffff;
	_ =	sdelay $0x2  }
0x16f: {  	v37 =	vadd.s32 v7, v37;
	v38 =	vadd.s32 v7, v38;
	_ =	sdelay $0x2  }
0x170: {  	v36 =	vmin.f32 v36, v51  }
0x171: {  	[tilespmem:v52+s20+$0x0] =	vst.idx.msk $0xffff, v36  }
0x172: {  	v36 =	vld.idx.msk [tilespmem:v37+s12+$0x0], $0xffff  }
0x173: {  	v37 =	vld.idx.msk [tilespmem:v38+s19+$0x0], $0xffff;
	_ =	sdelay $0x2  }
0x174: {  	v39 =	vadd.s32 v7, v39;
	v40 =	vadd.s32 v7, v40;
	_ =	sdelay $0x2  }
0x175: {  	v36 =	vmin.f32 v37, v36  }
0x176: {  	[tilespmem:v38+s19+$0x0] =	vst.idx.msk $0xffff, v36  }
0x177: {  	v36 =	vld.idx.msk [tilespmem:v39+s12+$0x0], $0xffff  }
0x178: {  	v37 =	vld.idx.msk [tilespmem:v40+s20+$0x0], $0xffff;
	_ =	sdelay $0x2  }
0x179: {  	v38 =	vadd.s32 v7, v41;
	v39 =	vadd.s32 v7, v42;
	_ =	sdelay $0x2  }
0x17a: {  	v36 =	vmin.f32 v37, v36  }
0x17b: {  	[tilespmem:v40+s20+$0x0] =	vst.idx.msk $0xffff, v36  }
0x17c: {  	v36 =	vld.idx.msk [tilespmem:v38+s12+$0x0], $0xffff  }
0x17d: {  	v37 =	vld.idx.msk [tilespmem:v39+s19+$0x0], $0xffff;
	_ =	sdelay $0x2  }
0x17e: {  	v40 =	vadd.s32 v7, v44;
	v38 =	vadd.s32 v7, v43;
	_ =	sdelay $0x2  }
0x17f: {  	v36 =	vmin.f32 v37, v36  }
0x180: {  	[tilespmem:v39+s19+$0x0] =	vst.idx.msk $0xffff, v36  }
0x181: {  	v36 =	vld.idx.msk [tilespmem:v38+s12+$0x0], $0xffff  }
0x182: {  	v37 =	vld.idx.msk [tilespmem:v40+s20+$0x0], $0xffff;
	_ =	sdelay $0x2  }
0x183: {  	v39 =	vadd.s32 v7, v46;
	v38 =	vadd.s32 v7, v45;
	_ =	sdelay $0x2  }
0x184: {  	v36 =	vmin.f32 v37, v36  }
0x185: {  	[tilespmem:v40+s20+$0x0] =	vst.idx.msk $0xffff, v36  }
0x186: {  	v36 =	vld.idx.msk [tilespmem:v38+s12+$0x0], $0xffff  }
0x187: {  	v37 =	vld.idx.msk [tilespmem:v39+s19+$0x0], $0xffff;
	_ =	sdelay $0x2  }
0x188: {  	v40 =	vadd.s32 v7, v48;
	v38 =	vadd.s32 v7, v47;
	_ =	sdelay $0x2  }
0x189: {  	v36 =	vmin.f32 v37, v36  }
0x18a: {  	[tilespmem:v39+s19+$0x0] =	vst.idx.msk $0xffff, v36  }
0x18b: {  	v36 =	vld.idx.msk [tilespmem:v38+s12+$0x0], $0xffff  }
0x18c: {  	v37 =	vld.idx.msk [tilespmem:v40+s20+$0x0], $0xffff;
	_ =	sdelay $0x2  }
0x18d: {  	v39 =	vadd.s32 v7, v50;
	v38 =	vadd.s32 v7, v49;
	_ =	sdelay $0x2  }
0x18e: {  	v36 =	vmin.f32 v37, v36  }
0x18f: {  	[tilespmem:v40+s20+$0x0] =	vst.idx.msk $0xffff, v36  }
0x190: {  	v36 =	vld.idx.msk [tilespmem:v38+s12+$0x0], $0xffff  }
0x191: {  	v37 =	vld.idx.msk [tilespmem:v39+s19+$0x0], $0xffff;
	_ =	sdelay $0x2  }
0x192: {  	v34 =	vadd.s32 v7, v34;
	v35 =	vadd.s32 v7, v35;
	_ =	sdelay $0x2  }
0x193: {  	v36 =	vmin.f32 v37, v36  }
0x194: {  	[tilespmem:v39+s19+$0x0] =	vst.idx.msk $0xffff, v36  }
0x195: {  	v34 =	vld.idx.msk [tilespmem:v34+s12+$0x0], $0xffff  }
0x196: {  	v36 =	vld.idx.msk [tilespmem:v35+s20+$0x0], $0xffff;
	_ =	sdelay $0x2  }
0x197: {  	v32 =	vadd.s32 v7, v32;
	v33 =	vadd.s32 v7, v33;
	_ =	sdelay $0x2  }
0x198: {  	v34 =	vmin.f32 v36, v34  }
0x199: {  	[tilespmem:v35+s20+$0x0] =	vst.idx.msk $0xffff, v34  }
0x19a: {  	v32 =	vld.idx.msk [tilespmem:v32+s12+$0x0], $0xffff  }
0x19b: {  	v34 =	vld.idx.msk [tilespmem:v33+s19+$0x0], $0xffff;
	_ =	sdelay $0x2  }
0x19c: {  	v31 =	vadd.s32 v7, v31;
	v30 =	vadd.s32 v7, v30;
	_ =	sdelay $0x2  }
0x19d: {  	v32 =	vmin.f32 v34, v32  }
0x19e: {  	[tilespmem:v33+s19+$0x0] =	vst.idx.msk $0xffff, v32  }
0x19f: {  	v31 =	vld.idx.msk [tilespmem:v31+s12+$0x0], $0xffff  }
0x1a0: {  	v32 =	vld.idx.msk [tilespmem:v30+s20+$0x0], $0xffff;
	_ =	sdelay $0x2  }
0x1a1: {  	v29 =	vadd.s32 v7, v29;
	v28 =	vadd.s32 v7, v28;
	_ =	sdelay $0x2  }
0x1a2: {  	v31 =	vmin.f32 v32, v31  }
0x1a3: {  	[tilespmem:v30+s20+$0x0] =	vst.idx.msk $0xffff, v31  }
0x1a4: {  	v29 =	vld.idx.msk [tilespmem:v29+s12+$0x0], $0xffff  }
0x1a5: {  	v30 =	vld.idx.msk [tilespmem:v28+s19+$0x0], $0xffff;
	_ =	sdelay $0x2  }
0x1a6: {  	v26 =	vadd.s32 v7, v26;
	v27 =	vadd.s32 v7, v27;
	_ =	sdelay $0x2  }
0x1a7: {  	v29 =	vmin.f32 v30, v29  }
0x1a8: {  	[tilespmem:v28+s19+$0x0] =	vst.idx.msk $0xffff, v29  }
0x1a9: {  	v27 =	vld.idx.msk [tilespmem:v27+s12+$0x0], $0xffff  }
0x1aa: {  	v28 =	vld.idx.msk [tilespmem:v26+s20+$0x0], $0xffff;
	_ =	sdelay $0x2  }
0x1ab: {  	v24 =	vadd.s32 v7, v24;
	v25 =	vadd.s32 v7, v25  }
.Ltmp6:
0x1ac: {  	(pc) =	sbr.rel @!p0 .LBB2_7-.Ltmp6, $4  }
0x1ad: {  	_ = 	snop  }
0x1ae: {  	v27 =	vmin.f32 v28, v27  }
0x1af: {  	[tilespmem:v26+s20+$0x0] =	vst.idx.msk $0xffff, v27  }
0x1b0: {  	v25 =	vld.idx.msk [tilespmem:v25+s12+$0x0], $0xffff  }
0x1b1: {  	_ =	sdelay $0x3  }
0x1b2: {  	v26 =	vld.idx.msk [tilespmem:v24+s19+$0x0], $0xffff;
	_ =	sdelay $0x1  }
0x1b3: {  	v23 =	vadd.s32 v7, v23  }
0x1b4: {  	v22 =	vadd.s32 v7, v22;
	_ =	sdelay $0x1  }
0x1b5: {  	v25 =	vmin.f32 v26, v25  }
0x1b6: {  	[tilespmem:v24+s19+$0x0] =	vst.idx.msk $0xffff, v25  }
0x1b7: {  	v23 =	vld.idx.msk [tilespmem:v23+s12+$0x0], $0xffff  }
0x1b8: {  	v24 =	vld.idx.msk [tilespmem:v22+s20+$0x0], $0xffff;
	_ =	sdelay $0x1  }
.Ltmp7:
0x1b9: {  	_ = 	snop;
	(pc) =	sbr.rel .LBB2_10-.Ltmp7, $3  }
0x1ba: {  	_ =	sdelay $0x1  }
0x1bb: {  	v23 =	vmin.f32 v24, v23  }
0x1bc: {  	[tilespmem:v22+s20+$0x0] =	vst.idx.msk $0xffff, v23  }
.LBB2_11:
0x1bd: {  	s25 =	sshll.u32 s24, $0x1  }
0x1be: {  	s26 =	smin.u32 s25, $0x9D  }
0x1bf: {  	s26 =	smul.u32 $0x7D0, s26;
	_ =	sdelay $0x1  }
0x1c0: {  	s26 =	sshrl.u32 s26, $0x3  }
0x1c1: {  	s28 =	sadd.s32 $0x1F4, s26  }
0x1c2: {  	s26 =	simm.s32 $0x0;
	s29 =	sadd.s32 s4, s28  }
0x1c3: {  	[tilespmem:s26], [sflag:$0x1] =	stream.linear.gather [hbm4b:s29+s26], $0x7D0, $0x38;
	[tilespmem:$0x1F580] =	vst v63  }
0x1c4: {  	s28 =	sadd.s32 s2, s28  }
0x1c5: {  	[tilespmem:s14], [sflag:$0x2] =	stream.linear.gather [hbm4b:s28+s26], $0x7D0, $0x38;
	[tilespmem:$0x1F580] =	vst v63  }
0x1c6: {  	_ =	swait.ge [sflag:s21], $0x7D0  }
.Ltmp8:
0x1c7: {  	[sflag:s21] =	ssyncset.done $0x0;
	(pc) =	sbr.rel .LBB2_12-.Ltmp8, $4  }
0x1c8: {  	[sflag:s21] =	ssyncadd.s32 $0xFFFFF830  }
0x1c9: {  	_ =	swait.ge [sflag:s22], $0x7D0  }
0x1ca: {  	[sflag:s22] =	ssyncset.done $0x0  }
0x1cb: {  	s29 =	simm.s32 $0x1800;
	s28 =	simm.s32 $0x800;
	[sflag:s22] =	ssyncadd.s32 $0xFFFFF830  }
.LBB2_16:
0x1cc: {  	v24 =	vld [tilespmem:s30+$0x800];
	_ =	sdelay $0x4  }
0x1cd: {  	v31 =	vshll.u32 v24, $0x2;
	v24 =	vshrl.u32 v6, $0x2  }
0x1ce: {  	v25 =	vperm.xlane v31, v24  }
0x1cf: {  	v26 =	vperm.xlane v30, v24  }
0x1d0: {  	v25 =	vadd.s32 v7, v25  }
0x1d1: {  	v26 =	vadd.s32 v7, v26;
	_ =	sdelay $0x3  }
0x1d2: {  	v27 =	vld.idx.msk [tilespmem:v25+s12+$0x0], $0xffff;
	v25 =	vor.u32 $0x4, v24  }
0x1d3: {  	v32 =	vld.idx.msk [tilespmem:v26+s19+$0x0], $0xffff;
	v33 =	vperm.xlane v31, v25  }
0x1d4: {  	v34 =	vperm.xlane v30, v25  }
0x1d5: {  	v33 =	vadd.s32 v7, v33  }
0x1d6: {  	v34 =	vadd.s32 v7, v34;
	_ =	sdelay $0x1  }
0x1d7: {  	v27 =	vmin.f32 v32, v27  }
0x1d8: {  	[tilespmem:v26+s19+$0x0] =	vst.idx.msk $0xffff, v27  }
0x1d9: {  	v26 =	vor.u32 $0x8, v24;
	v27 =	vld.idx.msk [tilespmem:v33+s12+$0x0], $0xffff  }
0x1da: {  	v58 =	vperm.xlane v31, v26;
	v57 =	vld.idx.msk [tilespmem:v34+s20+$0x0], $0xffff  }
0x1db: {  	v35 =	vperm.xlane v30, v26  }
0x1dc: {  	v33 =	vadd.s32 v7, v58  }
0x1dd: {  	v35 =	vadd.s32 v7, v35;
	_ =	sdelay $0x1  }
0x1de: {  	v27 =	vmin.f32 v57, v27  }
0x1df: {  	[tilespmem:v34+s20+$0x0] =	vst.idx.msk $0xffff, v27  }
0x1e0: {  	v27 =	vor.u32 $0xC, v24;
	v59 =	vld.idx.msk [tilespmem:v33+s12+$0x0], $0xffff  }
0x1e1: {  	v60 =	vld.idx.msk [tilespmem:v35+s19+$0x0], $0xffff;
	v31 =	vperm.xlane v31, v27  }
0x1e2: {  	v61 =	vperm.xlane v30, v27  }
0x1e3: {  	v31 =	vadd.s32 v7, v31  }
0x1e4: {  	v30 =	vadd.s32 v7, v61;
	_ =	sdelay $0x1  }
0x1e5: {  	v32 =	vmin.f32 v60, v59  }
0x1e6: {  	[tilespmem:v35+s19+$0x0] =	vst.idx.msk $0xffff, v32  }
0x1e7: {  	v31 =	vld.idx.msk [tilespmem:v31+s12+$0x0], $0xffff  }
0x1e8: {  	v32 =	vld.idx.msk [tilespmem:v30+s20+$0x0], $0xffff;
	_ =	sdelay $0x4  }
0x1e9: {  	v31 =	vmin.f32 v32, v31  }
0x1ea: {  	s1 =	sadd.s32 $0x10, s30;
	[tilespmem:v30+s20+$0x0] =	vst.idx.msk $0xffff, v31  }
0x1eb: {  	v30 =	vld [tilespmem:s1+$0x800];
	_ =	sdelay $0x4  }
0x1ec: {  	v63 =	vperm.xlane v29, v24;
	v30 =	vshll.u32 v30, $0x2  }
0x1ed: {  	v62 =	vperm.xlane v30, v24  }
0x1ee: {  	v32 =	vadd.s32 v7, v63  }
0x1ef: {  	v31 =	vadd.s32 v7, v62;
	_ =	sdelay $0x3  }
0x1f0: {  	v36 =	vld.idx.msk [tilespmem:v32+s19+$0x0], $0xffff  }
0x1f1: {  	v37 =	vperm.xlane v30, v25;
	v31 =	vld.idx.msk [tilespmem:v31+s12+$0x0], $0xffff  }
0x1f2: {  	v38 =	vperm.xlane v29, v25  }
0x1f3: {  	v34 =	vadd.s32 v7, v37  }
0x1f4: {  	v35 =	vadd.s32 v7, v38;
	_ =	sdelay $0x1  }
0x1f5: {  	v31 =	vmin.f32 v36, v31  }
0x1f6: {  	[tilespmem:v32+s19+$0x0] =	vst.idx.msk $0xffff, v31  }
0x1f7: {  	v31 =	vld.idx.msk [tilespmem:v34+s12+$0x0], $0xffff  }
0x1f8: {  	v39 =	vperm.xlane v30, v26;
	v32 =	vld.idx.msk [tilespmem:v35+s20+$0x0], $0xffff  }
0x1f9: {  	v40 =	vperm.xlane v29, v26  }
0x1fa: {  	v33 =	vadd.s32 v7, v39  }
0x1fb: {  	v34 =	vadd.s32 v7, v40;
	_ =	sdelay $0x1  }
0x1fc: {  	v31 =	vmin.f32 v32, v31  }
0x1fd: {  	[tilespmem:v35+s20+$0x0] =	vst.idx.msk $0xffff, v31  }
0x1fe: {  	v31 =	vld.idx.msk [tilespmem:v33+s12+$0x0], $0xffff  }
0x1ff: {  	v30 =	vperm.xlane v30, v27;
	v41 =	vld.idx.msk [tilespmem:v34+s19+$0x0], $0xffff  }
0x200: {  	v42 =	vperm.xlane v29, v27  }
0x201: {  	v30 =	vadd.s32 v7, v30  }
0x202: {  	v29 =	vadd.s32 v7, v42;
	_ =	sdelay $0x1  }
0x203: {  	v31 =	vmin.f32 v41, v31  }
0x204: {  	[tilespmem:v34+s19+$0x0] =	vst.idx.msk $0xffff, v31  }
0x205: {  	v30 =	vld.idx.msk [tilespmem:v30+s12+$0x0], $0xffff  }
0x206: {  	v31 =	vld.idx.msk [tilespmem:v29+s20+$0x0], $0xffff;
	_ =	sdelay $0x4  }
0x207: {  	v30 =	vmin.f32 v31, v30  }
0x208: {  	s31 =	sadd.s32 $0x20, s30;
	[tilespmem:v29+s20+$0x0] =	vst.idx.msk $0xffff, v30  }
0x209: {  	v29 =	vld [tilespmem:s31+$0x800];
	_ =	sdelay $0x4  }
0x20a: {  	v44 =	vperm.xlane v28, v24;
	v29 =	vshll.u32 v29, $0x2  }
0x20b: {  	v43 =	vperm.xlane v29, v24  }
0x20c: {  	v31 =	vadd.s32 v7, v44  }
0x20d: {  	v30 =	vadd.s32 v7, v43;
	_ =	sdelay $0x3  }
0x20e: {  	v45 =	vld.idx.msk [tilespmem:v31+s19+$0x0], $0xffff  }
0x20f: {  	v46 =	vperm.xlane v29, v25;
	v30 =	vld.idx.msk [tilespmem:v30+s12+$0x0], $0xffff  }
0x210: {  	v47 =	vperm.xlane v28, v25  }
0x211: {  	v33 =	vadd.s32 v7, v46  }
0x212: {  	v34 =	vadd.s32 v7, v47;
	_ =	sdelay $0x1  }
0x213: {  	v30 =	vmin.f32 v45, v30  }
0x214: {  	[tilespmem:v31+s19+$0x0] =	vst.idx.msk $0xffff, v30  }
0x215: {  	v30 =	vld.idx.msk [tilespmem:v33+s12+$0x0], $0xffff  }
0x216: {  	v48 =	vperm.xlane v29, v26;
	v31 =	vld.idx.msk [tilespmem:v34+s20+$0x0], $0xffff  }
0x217: {  	v49 =	vperm.xlane v28, v26  }
0x218: {  	v32 =	vadd.s32 v7, v48  }
0x219: {  	v33 =	vadd.s32 v7, v49;
	_ =	sdelay $0x1  }
0x21a: {  	v30 =	vmin.f32 v31, v30  }
0x21b: {  	[tilespmem:v34+s20+$0x0] =	vst.idx.msk $0xffff, v30  }
0x21c: {  	v30 =	vld.idx.msk [tilespmem:v32+s12+$0x0], $0xffff  }
0x21d: {  	v29 =	vperm.xlane v29, v27;
	v50 =	vld.idx.msk [tilespmem:v33+s19+$0x0], $0xffff  }
0x21e: {  	v51 =	vperm.xlane v28, v27  }
0x21f: {  	v29 =	vadd.s32 v7, v29  }
0x220: {  	v28 =	vadd.s32 v7, v51;
	_ =	sdelay $0x1  }
0x221: {  	v30 =	vmin.f32 v50, v30  }
0x222: {  	[tilespmem:v33+s19+$0x0] =	vst.idx.msk $0xffff, v30  }
0x223: {  	v29 =	vld.idx.msk [tilespmem:v29+s12+$0x0], $0xffff  }
0x224: {  	v30 =	vld.idx.msk [tilespmem:v28+s20+$0x0], $0xffff;
	_ =	sdelay $0x4  }
0x225: {  	v29 =	vmin.f32 v30, v29  }
0x226: {  	s31 =	sadd.s32 $0x30, s30;
	[tilespmem:v28+s20+$0x0] =	vst.idx.msk $0xffff, v29  }
0x227: {  	v28 =	vld [tilespmem:s31+$0x800];
	_ =	sdelay $0x4  }
0x228: {  	v53 =	vperm.xlane v23, v24;
	v28 =	vshll.u32 v28, $0x2  }
0x229: {  	v52 =	vperm.xlane v28, v24  }
0x22a: {  	v30 =	vadd.s32 v7, v53  }
0x22b: {  	v29 =	vadd.s32 v7, v52;
	_ =	sdelay $0x3  }
0x22c: {  	v54 =	vld.idx.msk [tilespmem:v30+s19+$0x0], $0xffff  }
0x22d: {  	v55 =	vperm.xlane v28, v25;
	v29 =	vld.idx.msk [tilespmem:v29+s12+$0x0], $0xffff  }
0x22e: {  	v56 =	vperm.xlane v23, v25  }
0x22f: {  	v32 =	vadd.s32 v7, v55  }
0x230: {  	v33 =	vadd.s32 v7, v56;
	_ =	sdelay $0x1  }
0x231: {  	v29 =	vmin.f32 v54, v29  }
0x232: {  	[tilespmem:v30+s19+$0x0] =	vst.idx.msk $0xffff, v29  }
0x233: {  	v29 =	vld.idx.msk [tilespmem:v32+s12+$0x0], $0xffff  }
0x234: {  	v57 =	vperm.xlane v28, v26;
	v30 =	vld.idx.msk [tilespmem:v33+s20+$0x0], $0xffff  }
0x235: {  	v58 =	vperm.xlane v23, v26  }
0x236: {  	v31 =	vadd.s32 v7, v57  }
0x237: {  	v32 =	vadd.s32 v7, v58;
	_ =	sdelay $0x1  }
0x238: {  	v29 =	vmin.f32 v30, v29  }
0x239: {  	[tilespmem:v33+s20+$0x0] =	vst.idx.msk $0xffff, v29  }
0x23a: {  	v29 =	vld.idx.msk [tilespmem:v31+s12+$0x0], $0xffff  }
0x23b: {  	v28 =	vperm.xlane v28, v27;
	v59 =	vld.idx.msk [tilespmem:v32+s19+$0x0], $0xffff  }
0x23c: {  	v23 =	vperm.xlane v23, v27  }
0x23d: {  	v28 =	vadd.s32 v7, v28  }
0x23e: {  	v23 =	vadd.s32 v7, v23;
	_ =	sdelay $0x1  }
0x23f: {  	v29 =	vmin.f32 v59, v29  }
0x240: {  	[tilespmem:v32+s19+$0x0] =	vst.idx.msk $0xffff, v29  }
0x241: {  	v28 =	vld.idx.msk [tilespmem:v28+s12+$0x0], $0xffff  }
0x242: {  	v29 =	vld.idx.msk [tilespmem:v23+s20+$0x0], $0xffff;
	_ =	sdelay $0x4  }
0x243: {  	v28 =	vmin.f32 v29, v28  }
0x244: {  	s31 =	sadd.s32 $0x40, s30;
	[tilespmem:v23+s20+$0x0] =	vst.idx.msk $0xffff, v28  }
0x245: {  	v23 =	vld [tilespmem:s31+$0x800];
	_ =	sdelay $0x4  }
0x246: {  	v23 =	vshll.u32 v23, $0x2  }
0x247: {  	v60 =	vperm.xlane v23, v24  }
0x248: {  	v24 =	vperm.xlane v22, v24  }
0x249: {  	v28 =	vadd.s32 v7, v60  }
0x24a: {  	v24 =	vadd.s32 v7, v24;
	_ =	sdelay $0x3  }
0x24b: {  	v28 =	vld.idx.msk [tilespmem:v28+s12+$0x0], $0xffff  }
0x24c: {  	v62 =	vperm.xlane v23, v25;
	v61 =	vld.idx.msk [tilespmem:v24+s19+$0x0], $0xffff  }
0x24d: {  	v25 =	vperm.xlane v22, v25  }
0x24e: {  	v30 =	vadd.s32 v7, v62  }
0x24f: {  	v25 =	vadd.s32 v7, v25;
	_ =	sdelay $0x1  }
0x250: {  	v28 =	vmin.f32 v61, v28  }
0x251: {  	[tilespmem:v24+s19+$0x0] =	vst.idx.msk $0xffff, v28  }
0x252: {  	v24 =	vld.idx.msk [tilespmem:v30+s12+$0x0], $0xffff  }
0x253: {  	v63 =	vperm.xlane v23, v26;
	v28 =	vld.idx.msk [tilespmem:v25+s20+$0x0], $0xffff  }
0x254: {  	v26 =	vperm.xlane v22, v26  }
0x255: {  	v29 =	vadd.s32 v7, v63  }
0x256: {  	v26 =	vadd.s32 v7, v26;
	_ =	sdelay $0x1  }
0x257: {  	v24 =	vmin.f32 v28, v24  }
0x258: {  	[tilespmem:v25+s20+$0x0] =	vst.idx.msk $0xffff, v24  }
0x259: {  	v24 =	vld.idx.msk [tilespmem:v29+s12+$0x0], $0xffff  }
0x25a: {  	v23 =	vperm.xlane v23, v27;
	v25 =	vld.idx.msk [tilespmem:v26+s19+$0x0], $0xffff  }
0x25b: {  	v22 =	vperm.xlane v22, v27  }
0x25c: {  	v23 =	vadd.s32 v7, v23  }
0x25d: {  	v22 =	vadd.s32 v7, v22;
	_ =	sdelay $0x1  }
0x25e: {  	v24 =	vmin.f32 v25, v24  }
0x25f: {  	[tilespmem:v26+s19+$0x0] =	vst.idx.msk $0xffff, v24  }
0x260: {  	v23 =	vld.idx.msk [tilespmem:v23+s12+$0x0], $0xffff  }
0x261: {  	v24 =	vld.idx.msk [tilespmem:v22+s20+$0x0], $0xffff;
	_ =	sdelay $0x4  }
0x262: {  	v23 =	vmin.f32 v24, v23  }
0x263: {  	[tilespmem:v22+s20+$0x0] =	vst.idx.msk $0xffff, v23  }
.LBB2_17:
0x264: {  	s26 =	sadd.s32 $0x1, s26  }
0x265: {  	p0 =	sne.s32 s26, $0x19  }
.Ltmp9:
0x266: {  	_ = 	snop;
	(pc) =	sbr.rel @!p0 .LBB2_18-.Ltmp9, $2  }
0x267: {  	_ =	sdelay $0x2  }
0x268: {  	s28 =	sadd.s32 $0x50, s28;
	s29 =	sadd.s32 $0x50, s29  }
.LBB2_12:
0x269: {  	s30 =	smul.u32 $0x50, s26;
	_ =	sdelay $0x1  }
0x26a: {  	v22 =	vld [tilespmem:s30+$0x1800]  }
0x26b: {  	v23 =	vld [tilespmem:s30+$0x1810]  }
0x26c: {  	v24 =	vld [tilespmem:s30+$0x1820]  }
0x26d: {  	v25 =	vld [tilespmem:s30+$0x1830];
	_ =	sdelay $0x1  }
0x26e: {  	v30 =	vshll.u32 v22, $0x2  }
0x26f: {  	v29 =	vshll.u32 v23, $0x2;
	v26 =	vperm.xlane v30, v1;
	v27 =	vperm.xlane v30, v2  }
0x270: {  	v22 =	vld [tilespmem:s30+$0x1840];
	v28 =	vshll.u32 v24, $0x2;
	v57 =	vperm.xlane v29, v1;
	v31 =	vperm.xlane v29, v2  }
0x271: {  	v23 =	vshll.u32 v25, $0x2;
	v58 =	vperm.xlane v28, v1;
	v59 =	vperm.xlane v28, v2  }
0x272: {  	v60 =	vperm.xlane v23, v1;
	v61 =	vperm.xlane v23, v2;
	vm0 =	veq.s32 v30, v26  }
0x273: {  	vm1 =	veq.s32 v30, v27;
	vm2 =	veq.s32 v29, v57;
	vm3 =	veq.s32 v29, v31  }
0x274: {  	vm10 =	veq.s32 v28, v58;
	vm11 =	veq.s32 v28, v59;
	vm12 =	veq.s32 v23, v60  }
0x275: {  	vm13 =	veq.s32 v23, v61;
	vm0 =	vmor vm0, vm1;
	v22 =	vshll.u32 v22, $0x2  }
0x276: {  	vm9 =	vmor vm2, vm3;
	v62 =	vperm.xlane v22, v1;
	v27 =	vperm.xlane v22, v2  }
0x277: {  	vm1 =	vmor vm10, vm11;
	vm2 =	vmor vm12, vm13;
	vm0 =	vmor vm0, vm9  }
0x278: {  	vm0 =	vmor vm0, vm1;
	vm14 =	veq.s32 v22, v62;
	vm15 =	veq.s32 v22, v27  }
0x279: {  	vm0 =	vmor vm0, vm2;
	vm1 =	vmor vm14, vm15  }
0x27a: {  	vm0 =	vmor vm0, vm1  }
0x27b: {  	v63 =	vsel vm0, $0x3F800000, v3  }
0x27c: {  	(xrf0) =	vmax.scan.msk.f32 $0xffff, v63;
	_ =	sdelay $0x5  }
0x27d: {  	v24, _, _ =	vpop (xrf0)  }
0x27e: {  	(v2sf) =	vpush v24, $0xF;
	_ =	sdelay $0xe  }
0x27f: {  	s31 =	spop (v2sf)  }
0x280: {  	p0 =	sgt.f32 s31, $0.0e+00  }
.Ltmp10:
0x281: {  	_ = 	snop;
	(pc) =	sbr.rel @!p0 .LBB2_16-.Ltmp10, $1  }
0x282: {  	_ =	sdelay $0x3  }
0x283: {  	s30 =	sadd.s32 $0x0, s28  }
0x284: {  	s31 =	sadd.s32 $0x0, s29;
	v22 =	vld [tilespmem:s30+$0x0]  }
0x285: {  	v23 =	vld [tilespmem:s31+$0x0];
	_ =	sdelay $0x3  }
0x286: {  	v24 =	vshll.u32 v22, $0x2  }
0x287: {  	v22 =	vshll.u32 v23, $0x2;
	v23 =	vperm.xlane v24, v5  }
0x288: {  	v25 =	vperm.xlane v22, v5  }
0x289: {  	v23 =	vadd.s32 v7, v23  }
0x28a: {  	v25 =	vadd.s32 v7, v25;
	_ =	sdelay $0x3  }
0x28b: {  	v23 =	vld.idx.msk [tilespmem:v23+s12+$0x0], $0xffff  }
0x28c: {  	v26 =	vperm.xlane v24, v8;
	v27 =	vld.idx.msk [tilespmem:v25+s19+$0x0], $0xffff  }
0x28d: {  	v28 =	vperm.xlane v22, v8  }
0x28e: {  	v26 =	vadd.s32 v7, v26  }
0x28f: {  	v28 =	vadd.s32 v7, v28;
	_ =	sdelay $0x1  }
0x290: {  	v23 =	vmin.f32 v27, v23  }
0x291: {  	[tilespmem:v25+s19+$0x0] =	vst.idx.msk $0xffff, v23  }
0x292: {  	v23 =	vld.idx.msk [tilespmem:v26+s12+$0x0], $0xffff  }
0x293: {  	v25 =	vperm.xlane v24, v4;
	v26 =	vld.idx.msk [tilespmem:v28+s20+$0x0], $0xffff  }
0x294: {  	v27 =	vperm.xlane v22, v4  }
0x295: {  	v25 =	vadd.s32 v7, v25  }
0x296: {  	v27 =	vadd.s32 v7, v27;
	_ =	sdelay $0x1  }
0x297: {  	v23 =	vmin.f32 v26, v23  }
0x298: {  	[tilespmem:v28+s20+$0x0] =	vst.idx.msk $0xffff, v23  }
0x299: {  	v23 =	vld.idx.msk [tilespmem:v25+s12+$0x0], $0xffff  }
0x29a: {  	v25 =	vperm.xlane v24, v9;
	v26 =	vld.idx.msk [tilespmem:v27+s19+$0x0], $0xffff  }
0x29b: {  	v58 =	vperm.xlane v22, v9  }
0x29c: {  	v25 =	vadd.s32 v7, v25  }
0x29d: {  	v28 =	vadd.s32 v7, v58;
	_ =	sdelay $0x1  }
0x29e: {  	v23 =	vmin.f32 v26, v23  }
0x29f: {  	[tilespmem:v27+s19+$0x0] =	vst.idx.msk $0xffff, v23  }
0x2a0: {  	v23 =	vld.idx.msk [tilespmem:v25+s12+$0x0], $0xffff  }
0x2a1: {  	v25 =	vperm.xlane v24, v10;
	v26 =	vld.idx.msk [tilespmem:v28+s20+$0x0], $0xffff  }
0x2a2: {  	v27 =	vperm.xlane v22, v10  }
0x2a3: {  	v25 =	vadd.s32 v7, v25  }
0x2a4: {  	v27 =	vadd.s32 v7, v27;
	_ =	sdelay $0x1  }
0x2a5: {  	v23 =	vmin.f32 v26, v23  }
0x2a6: {  	[tilespmem:v28+s20+$0x0] =	vst.idx.msk $0xffff, v23  }
0x2a7: {  	v23 =	vld.idx.msk [tilespmem:v25+s12+$0x0], $0xffff  }
0x2a8: {  	v25 =	vperm.xlane v24, v11;
	v26 =	vld.idx.msk [tilespmem:v27+s19+$0x0], $0xffff  }
0x2a9: {  	v59 =	vperm.xlane v22, v11  }
0x2aa: {  	v25 =	vadd.s32 v7, v25  }
0x2ab: {  	v28 =	vadd.s32 v7, v59;
	_ =	sdelay $0x1  }
0x2ac: {  	v23 =	vmin.f32 v26, v23  }
0x2ad: {  	[tilespmem:v27+s19+$0x0] =	vst.idx.msk $0xffff, v23  }
0x2ae: {  	v23 =	vld.idx.msk [tilespmem:v25+s12+$0x0], $0xffff  }
0x2af: {  	v25 =	vperm.xlane v24, v12;
	v26 =	vld.idx.msk [tilespmem:v28+s20+$0x0], $0xffff  }
0x2b0: {  	v27 =	vperm.xlane v22, v12  }
0x2b1: {  	v25 =	vadd.s32 v7, v25  }
0x2b2: {  	v27 =	vadd.s32 v7, v27;
	_ =	sdelay $0x1  }
0x2b3: {  	v23 =	vmin.f32 v26, v23  }
0x2b4: {  	[tilespmem:v28+s20+$0x0] =	vst.idx.msk $0xffff, v23  }
0x2b5: {  	v23 =	vld.idx.msk [tilespmem:v25+s12+$0x0], $0xffff  }
0x2b6: {  	v25 =	vperm.xlane v24, v13;
	v26 =	vld.idx.msk [tilespmem:v27+s19+$0x0], $0xffff  }
0x2b7: {  	v60 =	vperm.xlane v22, v13  }
0x2b8: {  	v25 =	vadd.s32 v7, v25  }
0x2b9: {  	v28 =	vadd.s32 v7, v60;
	_ =	sdelay $0x1  }
0x2ba: {  	v23 =	vmin.f32 v26, v23  }
0x2bb: {  	[tilespmem:v27+s19+$0x0] =	vst.idx.msk $0xffff, v23  }
0x2bc: {  	v23 =	vld.idx.msk [tilespmem:v25+s12+$0x0], $0xffff  }
0x2bd: {  	v25 =	vperm.xlane v24, v14;
	v26 =	vld.idx.msk [tilespmem:v28+s20+$0x0], $0xffff  }
0x2be: {  	v27 =	vperm.xlane v22, v14  }
0x2bf: {  	v25 =	vadd.s32 v7, v25  }
0x2c0: {  	v27 =	vadd.s32 v7, v27;
	_ =	sdelay $0x1  }
0x2c1: {  	v23 =	vmin.f32 v26, v23  }
0x2c2: {  	[tilespmem:v28+s20+$0x0] =	vst.idx.msk $0xffff, v23  }
0x2c3: {  	v23 =	vld.idx.msk [tilespmem:v25+s12+$0x0], $0xffff  }
0x2c4: {  	v25 =	vperm.xlane v24, v15;
	v26 =	vld.idx.msk [tilespmem:v27+s19+$0x0], $0xffff  }
0x2c5: {  	v61 =	vperm.xlane v22, v15  }
0x2c6: {  	v25 =	vadd.s32 v7, v25  }
0x2c7: {  	v28 =	vadd.s32 v7, v61;
	_ =	sdelay $0x1  }
0x2c8: {  	v23 =	vmin.f32 v26, v23  }
0x2c9: {  	[tilespmem:v27+s19+$0x0] =	vst.idx.msk $0xffff, v23  }
0x2ca: {  	v23 =	vld.idx.msk [tilespmem:v25+s12+$0x0], $0xffff  }
0x2cb: {  	v25 =	vperm.xlane v24, v16;
	v26 =	vld.idx.msk [tilespmem:v28+s20+$0x0], $0xffff  }
0x2cc: {  	v27 =	vperm.xlane v22, v16  }
0x2cd: {  	v25 =	vadd.s32 v7, v25  }
0x2ce: {  	v27 =	vadd.s32 v7, v27;
	_ =	sdelay $0x1  }
0x2cf: {  	v23 =	vmin.f32 v26, v23  }
0x2d0: {  	[tilespmem:v28+s20+$0x0] =	vst.idx.msk $0xffff, v23  }
0x2d1: {  	v23 =	vld.idx.msk [tilespmem:v25+s12+$0x0], $0xffff  }
0x2d2: {  	v25 =	vperm.xlane v24, v17;
	v26 =	vld.idx.msk [tilespmem:v27+s19+$0x0], $0xffff  }
0x2d3: {  	v62 =	vperm.xlane v22, v17  }
0x2d4: {  	v25 =	vadd.s32 v7, v25  }
0x2d5: {  	v28 =	vadd.s32 v7, v62;
	_ =	sdelay $0x1  }
0x2d6: {  	v23 =	vmin.f32 v26, v23  }
0x2d7: {  	[tilespmem:v27+s19+$0x0] =	vst.idx.msk $0xffff, v23  }
0x2d8: {  	v23 =	vld.idx.msk [tilespmem:v25+s12+$0x0], $0xffff  }
0x2d9: {  	v25 =	vperm.xlane v24, v18;
	v26 =	vld.idx.msk [tilespmem:v28+s20+$0x0], $0xffff  }
0x2da: {  	v27 =	vperm.xlane v22, v18  }
0x2db: {  	v25 =	vadd.s32 v7, v25  }
0x2dc: {  	v27 =	vadd.s32 v7, v27;
	_ =	sdelay $0x1  }
0x2dd: {  	v23 =	vmin.f32 v26, v23  }
0x2de: {  	[tilespmem:v28+s20+$0x0] =	vst.idx.msk $0xffff, v23  }
0x2df: {  	v23 =	vld.idx.msk [tilespmem:v25+s12+$0x0], $0xffff  }
0x2e0: {  	v25 =	vperm.xlane v24, v19;
	v26 =	vld.idx.msk [tilespmem:v27+s19+$0x0], $0xffff  }
0x2e1: {  	v63 =	vperm.xlane v22, v19  }
0x2e2: {  	v25 =	vadd.s32 v7, v25  }
0x2e3: {  	v28 =	vadd.s32 v7, v63;
	_ =	sdelay $0x1  }
0x2e4: {  	v23 =	vmin.f32 v26, v23  }
0x2e5: {  	[tilespmem:v27+s19+$0x0] =	vst.idx.msk $0xffff, v23  }
0x2e6: {  	v23 =	vld.idx.msk [tilespmem:v25+s12+$0x0], $0xffff  }
0x2e7: {  	v26 =	vld.idx.msk [tilespmem:v28+s20+$0x0], $0xffff;
	_ =	sdelay $0x2  }
0x2e8: {  	v25 =	vperm.xlane v24, v20  }
0x2e9: {  	v27 =	vperm.xlane v22, v20  }
0x2ea: {  	v25 =	vadd.s32 v7, v25;
	v23 =	vmin.f32 v26, v23  }
0x2eb: {  	[tilespmem:v28+s20+$0x0] =	vst.idx.msk $0xffff, v23;
	v23 =	vperm.xlane v24, v21;
	v24 =	vadd.s32 v7, v27;
	_ =	sdelay $0x3  }
0x2ec: {  	s30 =	simm.s32 $0x40;
	v22 =	vperm.xlane v22, v21;
	v25 =	vld.idx.msk [tilespmem:v25+s12+$0x0], $0xffff  }
.LBB2_14:
0x2ed: {  	p0 =	seq.s32 s30, $0x100;
	v26 =	vld.idx.msk [tilespmem:v24+s19+$0x0], $0xffff;
	s31 =	smov.u32 s30;
	s30 =	sadd.s32 $0x40, s30  }
0x2ee: {  	_ =	sdelay $0x1  }
0x2ef: {  	v23 =	vadd.s32 v7, v23;
	v22 =	vadd.s32 v7, v22;
	_ =	sdelay $0x2  }
0x2f0: {  	v25 =	vmin.f32 v26, v25  }
0x2f1: {  	[tilespmem:v24+s19+$0x0] =	vst.idx.msk $0xffff, v25  }
0x2f2: {  	v23 =	vld.idx.msk [tilespmem:v23+s12+$0x0], $0xffff  }
0x2f3: {  	v24 =	vld.idx.msk [tilespmem:v22+s20+$0x0], $0xffff;
	_ =	sdelay $0x5  }
0x2f4: {  	s31 =	sshra.s32 s31, $0x2;
	v23 =	vmin.f32 v24, v23  }
0x2f5: {  	s1 =	sadd.s32 s31, s28;
	s31 =	sadd.s32 s31, s29;
	[tilespmem:v22+s20+$0x0] =	vst.idx.msk $0xffff, v23  }
0x2f6: {  	v22 =	vld [tilespmem:s1+$0x0]  }
0x2f7: {  	v23 =	vld [tilespmem:s31+$0x0];
	_ =	sdelay $0x3  }
0x2f8: {  	v36 =	vshll.u32 v22, $0x2  }
0x2f9: {  	v22 =	vshll.u32 v23, $0x2;
	v23 =	vperm.xlane v36, v5;
	v24 =	vperm.xlane v36, v8  }
0x2fa: {  	v25 =	vperm.xlane v22, v5;
	v26 =	vperm.xlane v22, v8  }
0x2fb: {  	v37 =	vperm.xlane v36, v4;
	v38 =	vperm.xlane v22, v4;
	v23 =	vadd.s32 v7, v23  }
0x2fc: {  	v39 =	vperm.xlane v36, v9;
	v40 =	vperm.xlane v22, v9;
	v25 =	vadd.s32 v7, v25  }
0x2fd: {  	v41 =	vperm.xlane v36, v10;
	v42 =	vperm.xlane v22, v10  }
0x2fe: {  	v43 =	vperm.xlane v36, v11;
	v44 =	vperm.xlane v22, v11  }
0x2ff: {  	v45 =	vperm.xlane v36, v12;
	v46 =	vperm.xlane v22, v12  }
0x300: {  	v47 =	vperm.xlane v36, v13;
	v48 =	vperm.xlane v22, v13;
	v23 =	vld.idx.msk [tilespmem:v23+s12+$0x0], $0xffff  }
0x301: {  	v49 =	vperm.xlane v36, v14;
	v50 =	vperm.xlane v22, v14;
	v27 =	vld.idx.msk [tilespmem:v25+s19+$0x0], $0xffff  }
0x302: {  	v34 =	vperm.xlane v36, v15;
	v35 =	vperm.xlane v22, v15  }
0x303: {  	v32 =	vperm.xlane v36, v16;
	v33 =	vperm.xlane v22, v16  }
0x304: {  	v30 =	vperm.xlane v22, v17;
	v51 =	vadd.s32 v7, v24;
	v52 =	vadd.s32 v7, v26  }
0x305: {  	v31 =	vperm.xlane v36, v17;
	v28 =	vperm.xlane v22, v18  }
0x306: {  	v29 =	vperm.xlane v36, v18;
	v26 =	vperm.xlane v22, v19  }
0x307: {  	v24 =	vperm.xlane v22, v20;
	v23 =	vmin.f32 v27, v23;
	v27 =	vperm.xlane v36, v19  }
0x308: {  	v22 =	vperm.xlane v22, v21;
	[tilespmem:v25+s19+$0x0] =	vst.idx.msk $0xffff, v23;
	v25 =	vperm.xlane v36, v20  }
0x309: {  	v23 =	vperm.xlane v36, v21;
	v51 =	vld.idx.msk [tilespmem:v51+s12+$0x0], $0xffff  }
0x30a: {  	v36 =	vld.idx.msk [tilespmem:v52+s20+$0x0], $0xffff;
	_ =	sdelay $0x2  }
0x30b: {  	v37 =	vadd.s32 v7, v37;
	v38 =	vadd.s32 v7, v38;
	_ =	sdelay $0x2  }
0x30c: {  	v36 =	vmin.f32 v36, v51  }
0x30d: {  	[tilespmem:v52+s20+$0x0] =	vst.idx.msk $0xffff, v36  }
0x30e: {  	v36 =	vld.idx.msk [tilespmem:v37+s12+$0x0], $0xffff  }
0x30f: {  	v37 =	vld.idx.msk [tilespmem:v38+s19+$0x0], $0xffff;
	_ =	sdelay $0x2  }
0x310: {  	v39 =	vadd.s32 v7, v39;
	v40 =	vadd.s32 v7, v40;
	_ =	sdelay $0x2  }
0x311: {  	v36 =	vmin.f32 v37, v36  }
0x312: {  	[tilespmem:v38+s19+$0x0] =	vst.idx.msk $0xffff, v36  }
0x313: {  	v36 =	vld.idx.msk [tilespmem:v39+s12+$0x0], $0xffff  }
0x314: {  	v37 =	vld.idx.msk [tilespmem:v40+s20+$0x0], $0xffff;
	_ =	sdelay $0x2  }
0x315: {  	v38 =	vadd.s32 v7, v41;
	v39 =	vadd.s32 v7, v42;
	_ =	sdelay $0x2  }
0x316: {  	v36 =	vmin.f32 v37, v36  }
0x317: {  	[tilespmem:v40+s20+$0x0] =	vst.idx.msk $0xffff, v36  }
0x318: {  	v36 =	vld.idx.msk [tilespmem:v38+s12+$0x0], $0xffff  }
0x319: {  	v37 =	vld.idx.msk [tilespmem:v39+s19+$0x0], $0xffff;
	_ =	sdelay $0x2  }
0x31a: {  	v40 =	vadd.s32 v7, v44;
	v38 =	vadd.s32 v7, v43;
	_ =	sdelay $0x2  }
0x31b: {  	v36 =	vmin.f32 v37, v36  }
0x31c: {  	[tilespmem:v39+s19+$0x0] =	vst.idx.msk $0xffff, v36  }
0x31d: {  	v36 =	vld.idx.msk [tilespmem:v38+s12+$0x0], $0xffff  }
0x31e: {  	v37 =	vld.idx.msk [tilespmem:v40+s20+$0x0], $0xffff;
	_ =	sdelay $0x2  }
0x31f: {  	v39 =	vadd.s32 v7, v46;
	v38 =	vadd.s32 v7, v45;
	_ =	sdelay $0x2  }
0x320: {  	v36 =	vmin.f32 v37, v36  }
0x321: {  	[tilespmem:v40+s20+$0x0] =	vst.idx.msk $0xffff, v36  }
0x322: {  	v36 =	vld.idx.msk [tilespmem:v38+s12+$0x0], $0xffff  }
0x323: {  	v37 =	vld.idx.msk [tilespmem:v39+s19+$0x0], $0xffff;
	_ =	sdelay $0x2  }
0x324: {  	v40 =	vadd.s32 v7, v48;
	v38 =	vadd.s32 v7, v47;
	_ =	sdelay $0x2  }
0x325: {  	v36 =	vmin.f32 v37, v36  }
0x326: {  	[tilespmem:v39+s19+$0x0] =	vst.idx.msk $0xffff, v36  }
0x327: {  	v36 =	vld.idx.msk [tilespmem:v38+s12+$0x0], $0xffff  }
0x328: {  	v37 =	vld.idx.msk [tilespmem:v40+s20+$0x0], $0xffff;
	_ =	sdelay $0x2  }
0x329: {  	v39 =	vadd.s32 v7, v50;
	v38 =	vadd.s32 v7, v49;
	_ =	sdelay $0x2  }
0x32a: {  	v36 =	vmin.f32 v37, v36  }
0x32b: {  	[tilespmem:v40+s20+$0x0] =	vst.idx.msk $0xffff, v36  }
0x32c: {  	v36 =	vld.idx.msk [tilespmem:v38+s12+$0x0], $0xffff  }
0x32d: {  	v37 =	vld.idx.msk [tilespmem:v39+s19+$0x0], $0xffff;
	_ =	sdelay $0x2  }
0x32e: {  	v34 =	vadd.s32 v7, v34;
	v35 =	vadd.s32 v7, v35;
	_ =	sdelay $0x2  }
0x32f: {  	v36 =	vmin.f32 v37, v36  }
0x330: {  	[tilespmem:v39+s19+$0x0] =	vst.idx.msk $0xffff, v36  }
0x331: {  	v34 =	vld.idx.msk [tilespmem:v34+s12+$0x0], $0xffff  }
0x332: {  	v36 =	vld.idx.msk [tilespmem:v35+s20+$0x0], $0xffff;
	_ =	sdelay $0x2  }
0x333: {  	v32 =	vadd.s32 v7, v32;
	v33 =	vadd.s32 v7, v33;
	_ =	sdelay $0x2  }
0x334: {  	v34 =	vmin.f32 v36, v34  }
0x335: {  	[tilespmem:v35+s20+$0x0] =	vst.idx.msk $0xffff, v34  }
0x336: {  	v32 =	vld.idx.msk [tilespmem:v32+s12+$0x0], $0xffff  }
0x337: {  	v34 =	vld.idx.msk [tilespmem:v33+s19+$0x0], $0xffff;
	_ =	sdelay $0x2  }
0x338: {  	v31 =	vadd.s32 v7, v31;
	v30 =	vadd.s32 v7, v30;
	_ =	sdelay $0x2  }
0x339: {  	v32 =	vmin.f32 v34, v32  }
0x33a: {  	[tilespmem:v33+s19+$0x0] =	vst.idx.msk $0xffff, v32  }
0x33b: {  	v31 =	vld.idx.msk [tilespmem:v31+s12+$0x0], $0xffff  }
0x33c: {  	v32 =	vld.idx.msk [tilespmem:v30+s20+$0x0], $0xffff;
	_ =	sdelay $0x2  }
0x33d: {  	v29 =	vadd.s32 v7, v29;
	v28 =	vadd.s32 v7, v28;
	_ =	sdelay $0x2  }
0x33e: {  	v31 =	vmin.f32 v32, v31  }
0x33f: {  	[tilespmem:v30+s20+$0x0] =	vst.idx.msk $0xffff, v31  }
0x340: {  	v29 =	vld.idx.msk [tilespmem:v29+s12+$0x0], $0xffff  }
0x341: {  	v30 =	vld.idx.msk [tilespmem:v28+s19+$0x0], $0xffff;
	_ =	sdelay $0x2  }
0x342: {  	v26 =	vadd.s32 v7, v26;
	v27 =	vadd.s32 v7, v27;
	_ =	sdelay $0x2  }
0x343: {  	v29 =	vmin.f32 v30, v29  }
0x344: {  	[tilespmem:v28+s19+$0x0] =	vst.idx.msk $0xffff, v29  }
0x345: {  	v27 =	vld.idx.msk [tilespmem:v27+s12+$0x0], $0xffff  }
0x346: {  	v28 =	vld.idx.msk [tilespmem:v26+s20+$0x0], $0xffff;
	_ =	sdelay $0x2  }
0x347: {  	v24 =	vadd.s32 v7, v24;
	v25 =	vadd.s32 v7, v25  }
.Ltmp11:
0x348: {  	(pc) =	sbr.rel @!p0 .LBB2_14-.Ltmp11, $4  }
0x349: {  	_ = 	snop  }
0x34a: {  	v27 =	vmin.f32 v28, v27  }
0x34b: {  	[tilespmem:v26+s20+$0x0] =	vst.idx.msk $0xffff, v27  }
0x34c: {  	v25 =	vld.idx.msk [tilespmem:v25+s12+$0x0], $0xffff  }
0x34d: {  	_ =	sdelay $0x3  }
0x34e: {  	v26 =	vld.idx.msk [tilespmem:v24+s19+$0x0], $0xffff;
	_ =	sdelay $0x1  }
0x34f: {  	v23 =	vadd.s32 v7, v23  }
0x350: {  	v22 =	vadd.s32 v7, v22;
	_ =	sdelay $0x1  }
0x351: {  	v25 =	vmin.f32 v26, v25  }
0x352: {  	[tilespmem:v24+s19+$0x0] =	vst.idx.msk $0xffff, v25  }
0x353: {  	v23 =	vld.idx.msk [tilespmem:v23+s12+$0x0], $0xffff  }
0x354: {  	v24 =	vld.idx.msk [tilespmem:v22+s20+$0x0], $0xffff;
	_ =	sdelay $0x1  }
.Ltmp12:
0x355: {  	_ = 	snop;
	(pc) =	sbr.rel .LBB2_17-.Ltmp12, $3  }
0x356: {  	_ =	sdelay $0x1  }
0x357: {  	v23 =	vmin.f32 v24, v23  }
0x358: {  	[tilespmem:v22+s20+$0x0] =	vst.idx.msk $0xffff, v23  }
.LBB2_19:
0x359: {  	_ =	swait.ge [sflag:s17], $0x7D0  }
0x35a: {  	[sflag:s17] =	ssyncset.done $0x0  }
0x35b: {  	[sflag:s17] =	ssyncadd.s32 $0xFFFFF830  }
0x35c: {  	_ =	swait.ge [sflag:s18], $0x7D0  }
0x35d: {  	[sflag:s18] =	ssyncset.done $0x0  }
0x35e: {  	[sflag:s18] =	ssyncadd.s32 $0xFFFFF830  }
0x35f: {  	_ =	swait.ge [sflag:s21], $0x7D0  }
0x360: {  	[sflag:s21] =	ssyncset.done $0x0  }
0x361: {  	[sflag:s21] =	ssyncadd.s32 $0xFFFFF830  }
0x362: {  	_ =	swait.ge [sflag:s22], $0x7D0  }
0x363: {  	[sflag:s22] =	ssyncset.done $0x0  }
0x364: {  	s24 =	simm.s32 $0x0;
	[sflag:s22] =	ssyncadd.s32 $0xFFFFF830  }
0x365: {  	s25 =	simm.s32 $0x40;
	v22 =	vld [tilespmem:s24+$0x15900]  }
.LBB2_20:
0x366: {  	p0 =	sne.s32 s25, $0x270C0;
	v23 =	vld [tilespmem:s24+$0xBC80];
	_ =	sdelay $0x1  }
.Ltmp13:
0x367: {  	(pc) =	sbr.rel @p0 .LBB2_20-.Ltmp13, $3  }
0x368: {  	_ =	sdelay $0x1  }
0x369: {  	s1 =	sshra.s32 s25, $0x2;
	v23 =	vmin.f32 v23, v22  }
0x36a: {  	s25 =	sadd.s32 $0x40, s25;
	v22 =	vld [tilespmem:s1+$0x15900];
	[tilespmem:s24+$0xBC80] =	vst v23;
	s24 =	smov.u32 s1  }
0x36b: {  	v23 =	vld [tilespmem:s24+$0xBC80];
	_ =	sdelay $0x3  }
0x36c: {  	s23 =	sadd.s32 $0x1, s23  }
0x36d: {  	p0 =	sne.s32 s23, s9;
	v22 =	vmin.f32 v23, v22  }
.Ltmp14:
0x36e: {  	[tilespmem:s24+$0xBC80] =	vst v22;
	(pc) =	sbr.rel @p0 .LBB2_1-.Ltmp14, $4  }
0x36f: {  	[hbm4b:s8+s10] =	stream.strided.scatter [tilespmem:s19], [sflag:$0x5], $0x9C80, s11, s10, $0x38;
	[tilespmem:$0x1F580] =	vst v63  }
0x370: {  	_ =	swait.ge [sflag:s13], $0x9C80  }
0x371: {  	[sflag:s13] =	ssyncset.done $0x0  }
0x372: {  	[sflag:s13] =	ssyncadd.s32 $0xFFFF6380  }
0x373: {  	_ =	sfence.sel $0x180000  }
0x374: {  	[bflag:$0x0] =	sbarrier.arrive $0xFFFF  }
0x375: {  	_ =	strace $0x90000047  }
0x376: {  	[bflag:$0x2] =	sbarrier.arrive $0xFFFF  }
0x377: {  	p0 =	sne.s32 s0, $0x0;
	s0 =	rddreg [dreg:$0x2]  }
0x378: {  	s0 =	sadd.s32 @!p0 $0x100000, s0  }
0x379: {  	[sflag:s0] =	ssyncadd.tile.s32 @!p0 $0x1;
	_ =	shalt  }
.Lfunc_end2:
_tile_overlayer_lowered:
.L_overlay_start_2:
0x37a: {  	(tag) =	ssettag $0x2  }
0x37b: {  	s0 =	rddreg [dreg:$0x0];
	s2 =	stileid.u32  }
0x37c: {  	s1 =	rddreg [dreg:$0x1];
	p0 =	sne.s32 s2, $0x0  }
0x37d: {  	s3 =	rddreg [dreg:$0x2];
	[bflag:$0x3] =	sbarrier.arrive $0xFFFF;
	s2 =	simm.s32 @!p0 $0x1C05  }
0x37e: {  	[timem:s3], [sflag:s2] =	dma.local @!p0 [hbm:s0], s1  }
0x37f: {  	s0 =	simm.s32 @!p0 $0x5  }
0x380: {  	_ =	swait.ge @!p0 [sflag:s0], s1  }
0x381: {  	s1 =	ssub.s32 @!p0 $0x0, s1;
	[sflag:s0] =	ssyncset.done @!p0 $0x0  }
0x382: {  	[sflag:s0] =	ssyncadd.s32 @!p0 s1  }
0x383: {  	[bflag:$0x3] =	sbarrier.arrive $0xFFFF  }
0x384: {  	_ =	shalt  }

</sc_bundles>
